<compile_context>
chip_gen: v7x
topology: tpu7x:2x2x1
jax: 0.10.2.dev20260603
libtpu: 0.0.44.dev20260713+nightly
codegen_flags: <defaults>
</compile_context>

<pallas_src>
import functools

import jax
import jax.numpy as jnp
from jax import lax
from jax.experimental import pallas as pl
from jax.experimental.pallas import tpu as pltpu
from jax.experimental.pallas import tpu_sc as plsc

N = 10000
NP = 10240
E = 160000
EP = 163840
DIN = 162
DH = 512
DHALF = 96
DPK = DHALF // 2
ONES_COL = 66
CH = 128
NCHUNK = EP // CH
NS = 16
CPT = NCHUNK // NS
RPT = NP // NS
NSLOT = 2
NTURN = CPT // NSLOT
BLK = 1000
ABLK = 1024


def _rne_hi16(x):
    b = lax.bitcast_convert_type(x, jnp.int32)
    r = b + 0x7FFF + lax.bitwise_and(lax.shift_right_logical(b, 16), 1)
    return lax.bitwise_and(r, jnp.int32(-65536))


def _seg_body(tb0, tb1, tf0, tf1, uu, vv, z0, z1, w0, w1, zp0, zp1,
              ub, vb, rbf, rows, gsem, ssem, acc):
    c = lax.axis_index("c")
    s = lax.axis_index("s")

    def bslot(b):
        return rbf.at[pl.ds(b * CH, CH)]

    def rslot(b):
        return rows.at[pl.ds(b * CH, CH)]

    def run(tab, tabf, zout, wout, zpk):
        c0 = pl.multiple_of(s * CPT, 8)
        pltpu.sync_copy(uu.at[pl.ds(c0, CPT)], ub)
        pltpu.sync_copy(vv.at[pl.ds(c0, CPT)], vb)
        def initb(kb, carry):
            r2 = pl.multiple_of(s * RPT + kb * CH, 8)
            pltpu.sync_copy(tabf.at[pl.ds(r2, CH)], rslot(0))
            pltpu.sync_copy(rslot(0), acc.at[pl.ds(r2, CH)])
            return carry

        lax.fori_loop(0, RPT // CH, initb, 0)
        plsc.subcore_barrier()

        def widen(b):
            base = b * CH

            def row(r, carry):
                for g in range(DPK // 16):
                    xi = rbf[base + r, pl.ds(16 * g, 16)]
                    lo = lax.bitcast_convert_type(
                        lax.shift_left(xi, 16), jnp.float32)
                    hi = lax.bitcast_convert_type(
                        lax.bitwise_and(xi, jnp.int32(-65536)), jnp.float32)
                    rows[base + r, pl.ds(16 * g, 16)] = lo
                    rows[base + r, pl.ds(DPK + 16 * g, 16)] = hi
                return carry

            lax.fori_loop(0, CH, row, 0)

        def pass_loop(gtab):
            def g_start(k, b):
                pltpu.async_copy(gtab.at[ub.at[k]], bslot(b), gsem.at[b])

            def g_wait(k, b):
                pltpu.make_async_copy(gtab.at[ub.at[k]], bslot(b),
                                      gsem.at[b]).wait()

            def s_start(k, b):
                pltpu.async_copy(rslot(b), acc.at[vb.at[k]], ssem.at[b],
                                 add=True)

            def s_wait(k, b):
                pltpu.make_async_copy(rslot(b), acc.at[vb.at[k]],
                                      ssem.at[b]).wait()

            g_start(0, 0)

            def turn(j, carry):
                for b in range(NSLOT):
                    k = j * NSLOT + b
                    g_wait(k, b)

                    @pl.when(k >= 1)
                    def _():
                        s_wait(k - 1, 1 - b)

                    @pl.when(k + 1 < CPT)
                    def _():
                        g_start(k + 1, 1 - b)

                    widen(b)
                    s_start(k, b)
                return carry

            lax.fori_loop(0, NTURN, turn, 0)
            s_wait(CPT - 1, (CPT - 1) % NSLOT)

        pass_loop(tab)
        plsc.subcore_barrier()

        def zblock(kb, carry):
            r2 = pl.multiple_of(s * RPT + kb * CH, 8)
            pltpu.sync_copy(acc.at[pl.ds(r2, CH)], rslot(0))
            pltpu.sync_copy(rslot(0), zout.at[pl.ds(r2, CH)])

            def row(r, carry2):
                for g in range(DPK // 16):
                    lo = _rne_hi16(rows[r, pl.ds(16 * g, 16)])
                    hi = _rne_hi16(rows[r, pl.ds(DPK + 16 * g, 16)])
                    rbf[r, pl.ds(16 * g, 16)] = lax.bitwise_or(
                        lax.shift_right_logical(lo, 16), hi)
                return carry2

            lax.fori_loop(0, CH, row, 0)
            pltpu.sync_copy(rbf.at[pl.ds(0, CH)], zpk.at[pl.ds(r2, CH)])
            return carry

        lax.fori_loop(0, RPT // CH, zblock, 0)
        plsc.subcore_barrier()

        pass_loop(zpk)
        plsc.subcore_barrier()

        def woutb(kb, carry):
            r2 = pl.multiple_of(s * RPT + kb * CH, 8)
            pltpu.sync_copy(acc.at[pl.ds(r2, CH)], rslot(0))
            pltpu.sync_copy(rslot(0), wout.at[pl.ds(r2, CH)])
            return carry

        lax.fori_loop(0, RPT // CH, woutb, 0)

    @pl.when(c == 0)
    def _():
        run(tb0, tf0, z0, w0, zp0)

    @pl.when(c == 1)
    def _():
        run(tb1, tf1, z1, w1, zp1)


_seg = functools.partial(
    pl.kernel,
    out_type=(jax.ShapeDtypeStruct((NP, DHALF), jnp.float32),
              jax.ShapeDtypeStruct((NP, DHALF), jnp.float32),
              jax.ShapeDtypeStruct((NP, DHALF), jnp.float32),
              jax.ShapeDtypeStruct((NP, DHALF), jnp.float32),
              jax.ShapeDtypeStruct((NP, DPK), jnp.int32),
              jax.ShapeDtypeStruct((NP, DPK), jnp.int32)),
    mesh=plsc.VectorSubcoreMesh(core_axis_name="c", subcore_axis_name="s"),
    scratch_types=[
        pltpu.VMEM((CPT, CH), jnp.int32),
        pltpu.VMEM((CPT, CH), jnp.int32),
        pltpu.VMEM((NSLOT * CH, DPK), jnp.int32),
        pltpu.VMEM((NSLOT * CH, DHALF), jnp.float32),
        pltpu.SemaphoreType.DMA((NSLOT,)),
        pltpu.SemaphoreType.DMA((NSLOT,)),
        pltpu.VMEM_SHARED((NP, DHALF), jnp.float32),
    ],
    compiler_params=pltpu.CompilerParams(use_tc_tiling_on_sc=False),
)(_seg_body)


def _mm_body(za1, wa0, wa1, w1a, w1b, b1, w2, b2, out):
    t = jnp.dot(wa0[...], w1a[...], preferred_element_type=jnp.float32)
    t += jnp.dot(wa1[...], w1b[...], preferred_element_type=jnp.float32)
    t += za1[:, ONES_COL:ONES_COL + 1] * b1[...]
    out[...] = jnp.dot(t, w2[...], preferred_element_type=jnp.float32) + b2[...]


_mm = pl.pallas_call(
    _mm_body,
    grid=(N // BLK,),
    in_specs=[
        pl.BlockSpec((BLK, DHALF), lambda i: (i, 0)),
        pl.BlockSpec((BLK, DHALF), lambda i: (i, 0)),
        pl.BlockSpec((BLK, DHALF), lambda i: (i, 0)),
        pl.BlockSpec((DHALF, DH), lambda i: (0, 0)),
        pl.BlockSpec((DHALF, DH), lambda i: (0, 0)),
        pl.BlockSpec((1, DH), lambda i: (0, 0)),
        pl.BlockSpec((DH, DH), lambda i: (0, 0)),
        pl.BlockSpec((1, DH), lambda i: (0, 0)),
    ],
    out_specs=pl.BlockSpec((BLK, DH), lambda i: (i, 0)),
    out_shape=jax.ShapeDtypeStruct((N, DH), jnp.float32),
)


def _pack_cols(t):
    lo = lax.shift_right_logical(_rne_hi16(t[:, :DPK]), 16)
    hi = _rne_hi16(t[:, DPK:])
    return lax.bitwise_or(lo, hi)


def kernel(x, edge_index, W1, b1, W2, b2):
    pad = jnp.full((EP - E,), N, jnp.int32)
    u = jnp.concatenate([edge_index[0].astype(jnp.int32), pad]).reshape(
        NCHUNK, CH)
    v = jnp.concatenate([edge_index[1].astype(jnp.int32), pad]).reshape(
        NCHUNK, CH)
    xa0 = jnp.pad(x[:, :DHALF], ((0, NP - N), (0, 0)))
    xa1 = jnp.pad(
        jnp.concatenate([x[:, DHALF:], jnp.ones((N, 1), jnp.float32)],
                        axis=1),
        ((0, NP - N), (0, DHALF - (DIN - DHALF) - 1)))
    xb0 = _pack_cols(xa0)
    xb1 = _pack_cols(xa1)
    za0, za1, wa0, wa1, _, _ = _seg(xb0, xb1, xa0, xa1, u, v)
    w1a = W1[:DHALF]
    w1b = jnp.pad(W1[DHALF:], ((0, DHALF - (DIN - DHALF)), (0, 0)))
    return _mm(za1[:N], wa0[:N], wa1[:N], w1a, w1b, b1.reshape(1, DH), W2,
               b2.reshape(1, DH))

# --- scband reference (transcript-rebuilt; emitter-appended) ---
"""Pipeline reference for scband-sp-gcn-58025008169643 (READ-ONLY COPY).

The authoritative reference and input builder live on the scoring server;
editing this copy changes nothing except your own understanding.
"""

import jax, jax.numpy as jnp
import numpy as np

N_NODES = 10000
N_EDGES = 160000
D_IN = 162
D_H1 = 512
D_H2 = 512


def setup_inputs(seed: int = 0) -> dict:
    key = jax.random.key(seed)
    k_x, k_e, k_w1, k_b1, k_w2, k_b2 = jax.random.split(key, 6)
    x = jax.random.normal(k_x, (N_NODES, D_IN), dtype=jnp.float32)
    edge_index = jax.random.randint(k_e, (2, N_EDGES), 0, N_NODES, dtype=jnp.int64)
    # Linear params (stored as [in, out] for jax matmul); kaiming-uniform-like init
    lim1 = 1.0 / np.sqrt(D_IN)
    W1 = jax.random.uniform(k_w1, (D_IN, D_H1), minval=-lim1, maxval=lim1, dtype=jnp.float32)
    b1 = jax.random.uniform(k_b1, (D_H1,), minval=-lim1, maxval=lim1, dtype=jnp.float32)
    lim2 = 1.0 / np.sqrt(D_H1)
    W2 = jax.random.uniform(k_w2, (D_H1, D_H2), minval=-lim2, maxval=lim2, dtype=jnp.float32)
    b2 = jax.random.uniform(k_b2, (D_H2,), minval=-lim2, maxval=lim2, dtype=jnp.float32)
    return {"x": x, "edge_index": edge_index, "W1": W1, "b1": b1, "W2": W2, "b2": b2}


def reference(x, edge_index, W1, b1, W2, b2):
    # Sp_GCN forward: two stacked DGL GINConv('sum') layers with eps=0 (default, not learned).
    # GINConv: h_v = apply_func((1+eps)*x_v + sum_{u in N(v)} x_u); apply_func = nn.Linear.
    # dgl.graph((u, v)) sends messages from src u to dst v.
    u = edge_index[0]
    v = edge_index[1]
    n = x.shape[0]
    # layer 1
    agg1 = jax.ops.segment_sum(jnp.take(x, u, axis=0), v, num_segments=n)
    h = (x + agg1) @ W1 + b1
    # layer 2
    agg2 = jax.ops.segment_sum(jnp.take(h, u, axis=0), v, num_segments=n)
    out = (h + agg2) @ W2 + b2
    return out

if __name__ == "__main__":
    import jax
    _d = setup_inputs()
    print(jax.jit(kernel)(*tuple(_d.values())))

</pallas_src>

<mosaic_0001>
#map = affine_map<(d0, d1) -> (0, 0)>
module attributes {stable_mosaic.version = 14 : i64} {
  func.func @_seg_body(%arg0: i32, %arg1: i32, %arg2: memref<10240x48xi32, #tpu.memory_space<hbm>>, %arg3: memref<10240x48xi32, #tpu.memory_space<hbm>>, %arg4: memref<10240x96xf32, #tpu.memory_space<hbm>>, %arg5: memref<10240x96xf32, #tpu.memory_space<hbm>>, %arg6: memref<1280x128xi32, #tpu.memory_space<hbm>>, %arg7: memref<1280x128xi32, #tpu.memory_space<hbm>>, %arg8: memref<10240x96xf32, #tpu.memory_space<hbm>>, %arg9: memref<10240x96xf32, #tpu.memory_space<hbm>>, %arg10: memref<10240x96xf32, #tpu.memory_space<hbm>>, %arg11: memref<10240x96xf32, #tpu.memory_space<hbm>>, %arg12: memref<10240x48xi32, #tpu.memory_space<hbm>>, %arg13: memref<10240x48xi32, #tpu.memory_space<hbm>>, %arg14: memref<80x128xi32, #tpu.memory_space<vmem>>, %arg15: memref<80x128xi32, #tpu.memory_space<vmem>>, %arg16: memref<256x48xi32, #tpu.memory_space<vmem>>, %arg17: memref<256x96xf32, #tpu.memory_space<vmem>>, %arg18: memref<2x!tpu.dma_semaphore, #tpu.memory_space<semaphore_mem>>, %arg19: memref<2x!tpu.dma_semaphore, #tpu.memory_space<semaphore_mem>>, %arg20: memref<10240x96xf32, #tpu.memory_space<vmem_shared>>) attributes {dimension_semantics = [#tpu.dimension_semantics<core_parallel>, #tpu.dimension_semantics<subcore_parallel>], iteration_bounds = array<i64: 2, 16>, scalar_prefetch = 0 : i64, scratch_operands = 7 : i64, tpu.core_type = #tpu.core_type<sc_vector_subcore>, window_params = [{transform_indices = #map}, {transform_indices = #map}, {transform_indices = #map}, {transform_indices = #map}, {transform_indices = #map}, {transform_indices = #map}, {transform_indices = #map}, {transform_indices = #map}, {transform_indices = #map}, {transform_indices = #map}, {transform_indices = #map}, {transform_indices = #map}]} {
    %eq3A = arith.constant 0 : i32
    %eq3A_0 = arith.cmpi eq, %arg0, %eq3A : i32
    %convert_element_type3A = arith.extui %eq3A_0 : i1 to i32
    %cond3A = arith.constant 0 : i32
    %cond3A_1 = arith.cmpi ne, %convert_element_type3A, %cond3A : i32
    scf.if %cond3A_1 {
      %mul3A = arith.constant 80 : i32
      %mul3A_7 = arith.muli %arg1, %mul3A : i32
      %multiple_of3A = tpu.assume_multiple %mul3A_7, 8 : i32
      "tpu.region"() ({
        %run_scoped3A = tpu.sem_alloc : memref<!tpu.dma_semaphore, #tpu.memory_space<semaphore_mem>>
        %dma_start3A_90 = arith.constant 0 : i32
        %dma_start3A_91 = tpu.memref_slice %arg6[%multiple_of3A, %dma_start3A_90] : memref<1280x128xi32, #tpu.memory_space<hbm>> -> memref<80x128xi32, #tpu.memory_space<hbm>>
        %dma_start3A_92 = arith.constant 0 : i32
        %dma_start3A_93 = tpu.memref_slice %arg6[%multiple_of3A, %dma_start3A_92] : memref<1280x128xi32, #tpu.memory_space<hbm>> -> memref<80x128xi32, #tpu.memory_space<hbm>>
        tpu.enqueue_dma source(%dma_start3A_93 : memref<80x128xi32, #tpu.memory_space<hbm>>) target(%arg14 : memref<80x128xi32, #tpu.memory_space<vmem>>) target_semaphore(%run_scoped3A : memref<!tpu.dma_semaphore, #tpu.memory_space<semaphore_mem>>)
        %dma_wait3A_94 = arith.constant 0 : i32
        %dma_wait3A_95 = tpu.memref_slice %arg6[%multiple_of3A, %dma_wait3A_94] : memref<1280x128xi32, #tpu.memory_space<hbm>> -> memref<80x128xi32, #tpu.memory_space<hbm>>
        %dma_wait3A_96 = arith.constant 0 : i32
        %dma_wait3A_97 = tpu.memref_slice %arg6[%multiple_of3A, %dma_wait3A_96] : memref<1280x128xi32, #tpu.memory_space<hbm>> -> memref<80x128xi32, #tpu.memory_space<hbm>>
        tpu.wait_dma2 semaphore(%run_scoped3A : memref<!tpu.dma_semaphore, #tpu.memory_space<semaphore_mem>>) src(%dma_wait3A_97 : memref<80x128xi32, #tpu.memory_space<hbm>>) dst(%arg14 : memref<80x128xi32, #tpu.memory_space<vmem>>)
        tpu.yield
      }) : () -> ()
      "tpu.region"() ({
        %run_scoped3A = tpu.sem_alloc : memref<!tpu.dma_semaphore, #tpu.memory_space<semaphore_mem>>
        %dma_start3A_90 = arith.constant 0 : i32
        %dma_start3A_91 = tpu.memref_slice %arg7[%multiple_of3A, %dma_start3A_90] : memref<1280x128xi32, #tpu.memory_space<hbm>> -> memref<80x128xi32, #tpu.memory_space<hbm>>
        %dma_start3A_92 = arith.constant 0 : i32
        %dma_start3A_93 = tpu.memref_slice %arg7[%multiple_of3A, %dma_start3A_92] : memref<1280x128xi32, #tpu.memory_space<hbm>> -> memref<80x128xi32, #tpu.memory_space<hbm>>
        tpu.enqueue_dma source(%dma_start3A_93 : memref<80x128xi32, #tpu.memory_space<hbm>>) target(%arg15 : memref<80x128xi32, #tpu.memory_space<vmem>>) target_semaphore(%run_scoped3A : memref<!tpu.dma_semaphore, #tpu.memory_space<semaphore_mem>>)
        %dma_wait3A_94 = arith.constant 0 : i32
        %dma_wait3A_95 = tpu.memref_slice %arg7[%multiple_of3A, %dma_wait3A_94] : memref<1280x128xi32, #tpu.memory_space<hbm>> -> memref<80x128xi32, #tpu.memory_space<hbm>>
        %dma_wait3A_96 = arith.constant 0 : i32
        %dma_wait3A_97 = tpu.memref_slice %arg7[%multiple_of3A, %dma_wait3A_96] : memref<1280x128xi32, #tpu.memory_space<hbm>> -> memref<80x128xi32, #tpu.memory_space<hbm>>
        tpu.wait_dma2 semaphore(%run_scoped3A : memref<!tpu.dma_semaphore, #tpu.memory_space<semaphore_mem>>) src(%dma_wait3A_97 : memref<80x128xi32, #tpu.memory_space<hbm>>) dst(%arg15 : memref<80x128xi32, #tpu.memory_space<vmem>>)
        tpu.yield
      }) : () -> ()
      %scan3A = arith.constant 0 : i32
      %scan3A_8 = arith.constant 0 : i32
      %scan3A_9 = arith.constant 5 : i32
      %scan3A_10 = arith.addi %scan3A_8, %scan3A_9 : i32
      %scan3A_11 = arith.constant 1 : i32
      scf.for %scan3A_90 = %scan3A_8 to %scan3A_10 step %scan3A_11  : i32 {
        %mul3A_91 = arith.constant 640 : i32
        %mul3A_92 = arith.muli %arg1, %mul3A_91 : i32
        %mul3A_93 = arith.constant 128 : i32
        %mul3A_94 = arith.muli %scan3A_90, %mul3A_93 : i32
        %add3A = arith.addi %mul3A_92, %mul3A_94 : i32
        %multiple_of3A_95 = tpu.assume_multiple %add3A, 8 : i32
        "tpu.region"() ({
          %run_scoped3A = tpu.sem_alloc : memref<!tpu.dma_semaphore, #tpu.memory_space<semaphore_mem>>
          %dma_start3A_96 = arith.constant 0 : i32
          %dma_start3A_97 = arith.constant 0 : i32
          %dma_start3A_98 = tpu.memref_slice %arg17[%dma_start3A_96, %dma_start3A_97] : memref<256x96xf32, #tpu.memory_space<vmem>> -> memref<128x96xf32, #tpu.memory_space<vmem>>
          %dma_start3A_99 = arith.constant 0 : i32
          %dma_start3A_100 = tpu.memref_slice %arg4[%multiple_of3A_95, %dma_start3A_99] : memref<10240x96xf32, #tpu.memory_space<hbm>> -> memref<128x96xf32, #tpu.memory_space<hbm>>
          %dma_start3A_101 = arith.constant 0 : i32
          %dma_start3A_102 = arith.constant 0 : i32
          %dma_start3A_103 = tpu.memref_slice %arg17[%dma_start3A_101, %dma_start3A_102] : memref<256x96xf32, #tpu.memory_space<vmem>> -> memref<128x96xf32, #tpu.memory_space<vmem>>
          %dma_start3A_104 = arith.constant 0 : i32
          %dma_start3A_105 = tpu.memref_slice %arg4[%multiple_of3A_95, %dma_start3A_104] : memref<10240x96xf32, #tpu.memory_space<hbm>> -> memref<128x96xf32, #tpu.memory_space<hbm>>
          tpu.enqueue_dma source(%dma_start3A_105 : memref<128x96xf32, #tpu.memory_space<hbm>>) target(%dma_start3A_103 : memref<128x96xf32, #tpu.memory_space<vmem>>) target_semaphore(%run_scoped3A : memref<!tpu.dma_semaphore, #tpu.memory_space<semaphore_mem>>)
          %dma_wait3A_106 = arith.constant 0 : i32
          %dma_wait3A_107 = arith.constant 0 : i32
          %dma_wait3A_108 = tpu.memref_slice %arg17[%dma_wait3A_106, %dma_wait3A_107] : memref<256x96xf32, #tpu.memory_space<vmem>> -> memref<128x96xf32, #tpu.memory_space<vmem>>
          %dma_wait3A_109 = arith.constant 0 : i32
          %dma_wait3A_110 = tpu.memref_slice %arg4[%multiple_of3A_95, %dma_wait3A_109] : memref<10240x96xf32, #tpu.memory_space<hbm>> -> memref<128x96xf32, #tpu.memory_space<hbm>>
          %dma_wait3A_111 = arith.constant 0 : i32
          %dma_wait3A_112 = arith.constant 0 : i32
          %dma_wait3A_113 = tpu.memref_slice %arg17[%dma_wait3A_111, %dma_wait3A_112] : memref<256x96xf32, #tpu.memory_space<vmem>> -> memref<128x96xf32, #tpu.memory_space<vmem>>
          %dma_wait3A_114 = arith.constant 0 : i32
          %dma_wait3A_115 = tpu.memref_slice %arg4[%multiple_of3A_95, %dma_wait3A_114] : memref<10240x96xf32, #tpu.memory_space<hbm>> -> memref<128x96xf32, #tpu.memory_space<hbm>>
          tpu.wait_dma2 semaphore(%run_scoped3A : memref<!tpu.dma_semaphore, #tpu.memory_space<semaphore_mem>>) src(%dma_wait3A_115 : memref<128x96xf32, #tpu.memory_space<hbm>>) dst(%dma_wait3A_113 : memref<128x96xf32, #tpu.memory_space<vmem>>)
          tpu.yield
        }) : () -> ()
        "tpu.region"() ({
          %run_scoped3A = tpu.sem_alloc : memref<!tpu.dma_semaphore, #tpu.memory_space<semaphore_mem>>
          %dma_start3A_96 = arith.constant 0 : i32
          %dma_start3A_97 = arith.constant 0 : i32
          %dma_start3A_98 = tpu.memref_slice %arg17[%dma_start3A_96, %dma_start3A_97] : memref<256x96xf32, #tpu.memory_space<vmem>> -> memref<128x96xf32, #tpu.memory_space<vmem>>
          %dma_start3A_99 = arith.constant 0 : i32
          %dma_start3A_100 = tpu.memref_slice %arg20[%multiple_of3A_95, %dma_start3A_99] : memref<10240x96xf32, #tpu.memory_space<vmem_shared>> -> memref<128x96xf32, #tpu.memory_space<vmem_shared>>
          %dma_start3A_101 = arith.constant 0 : i32
          %dma_start3A_102 = tpu.memref_slice %arg20[%multiple_of3A_95, %dma_start3A_101] : memref<10240x96xf32, #tpu.memory_space<vmem_shared>> -> memref<128x96xf32, #tpu.memory_space<vmem_shared>>
          %dma_start3A_103 = arith.constant 0 : i32
          %dma_start3A_104 = arith.constant 0 : i32
          %dma_start3A_105 = tpu.memref_slice %arg17[%dma_start3A_103, %dma_start3A_104] : memref<256x96xf32, #tpu.memory_space<vmem>> -> memref<128x96xf32, #tpu.memory_space<vmem>>
          tpu.enqueue_dma source(%dma_start3A_105 : memref<128x96xf32, #tpu.memory_space<vmem>>) target(%dma_start3A_102 : memref<128x96xf32, #tpu.memory_space<vmem_shared>>) target_semaphore(%run_scoped3A : memref<!tpu.dma_semaphore, #tpu.memory_space<semaphore_mem>>)
          %dma_wait3A_106 = arith.constant 0 : i32
          %dma_wait3A_107 = arith.constant 0 : i32
          %dma_wait3A_108 = tpu.memref_slice %arg17[%dma_wait3A_106, %dma_wait3A_107] : memref<256x96xf32, #tpu.memory_space<vmem>> -> memref<128x96xf32, #tpu.memory_space<vmem>>
          %dma_wait3A_109 = arith.constant 0 : i32
          %dma_wait3A_110 = tpu.memref_slice %arg20[%multiple_of3A_95, %dma_wait3A_109] : memref<10240x96xf32, #tpu.memory_space<vmem_shared>> -> memref<128x96xf32, #tpu.memory_space<vmem_shared>>
          %dma_wait3A_111 = arith.constant 0 : i32
          %dma_wait3A_112 = tpu.memref_slice %arg20[%multiple_of3A_95, %dma_wait3A_111] : memref<10240x96xf32, #tpu.memory_space<vmem_shared>> -> memref<128x96xf32, #tpu.memory_space<vmem_shared>>
          %dma_wait3A_113 = arith.constant 0 : i32
          %dma_wait3A_114 = arith.constant 0 : i32
          %dma_wait3A_115 = tpu.memref_slice %arg17[%dma_wait3A_113, %dma_wait3A_114] : memref<256x96xf32, #tpu.memory_space<vmem>> -> memref<128x96xf32, #tpu.memory_space<vmem>>
          tpu.wait_dma2 semaphore(%run_scoped3A : memref<!tpu.dma_semaphore, #tpu.memory_space<semaphore_mem>>) src(%dma_wait3A_115 : memref<128x96xf32, #tpu.memory_space<vmem>>) dst(%dma_wait3A_112 : memref<128x96xf32, #tpu.memory_space<vmem_shared>>)
          tpu.yield
        }) : () -> ()
      }
      %scan3A_12 = arith.constant 5 : i32
      %barrier3A = arith.constant 0 : index
      tpu.barrier barrier_id(%barrier3A)
      %dma_start3A = arith.constant 0 : i32
      %dma_start3A_13 = arith.constant 0 : i32
      %dma_start3A_14 = arith.constant 0 : i32
      %dma_start3A_15 = arith.constant 0 : i32
      %dma_start3A_16 = tpu.memref_slice %arg16[%dma_start3A_14, %dma_start3A_15] : memref<256x48xi32, #tpu.memory_space<vmem>> -> memref<128x48xi32, #tpu.memory_space<vmem>>
      %dma_start3A_17 = arith.constant 0 : i32
      %dma_start3A_18 = tpu.memref_slice %arg14[%dma_start3A, %dma_start3A_17] : memref<80x128xi32, #tpu.memory_space<vmem>> -> memref<1x128xi32, #tpu.memory_space<vmem>>
      %dma_start3A_19 = tpu.memref_squeeze %dma_start3A_18 : memref<1x128xi32, #tpu.memory_space<vmem>> -> memref<128xi32, #tpu.memory_space<vmem>>
      %dma_start3A_20 = arith.constant 0 : i32
      %dma_start3A_21 = arith.constant 0 : i32
      %dma_start3A_22 = tpu.memref_slice %arg2[%dma_start3A_20, %dma_start3A_21] : memref<10240x48xi32, #tpu.memory_space<hbm>> -> memref<10240x48xi32, #tpu.memory_space<hbm>>
      %dma_start3A_23 = tpu.memref_slice %arg18[%dma_start3A_13] : memref<2x!tpu.dma_semaphore, #tpu.memory_space<semaphore_mem>> -> memref<1x!tpu.dma_semaphore, #tpu.memory_space<semaphore_mem>>
      %dma_start3A_24 = tpu.memref_squeeze %dma_start3A_23 : memref<1x!tpu.dma_semaphore, #tpu.memory_space<semaphore_mem>> -> memref<!tpu.dma_semaphore, #tpu.memory_space<semaphore_mem>>
      tpu.enqueue_indirect_dma source(%dma_start3A_22 : memref<10240x48xi32, #tpu.memory_space<hbm>>) target(%dma_start3A_16 : memref<128x48xi32, #tpu.memory_space<vmem>>) offsets(%dma_start3A_19 : memref<128xi32, #tpu.memory_space<vmem>>) semaphore(%dma_start3A_24 : memref<!tpu.dma_semaphore, #tpu.memory_space<semaphore_mem>>)
      %scan3A_25 = arith.constant 0 : i32
      %scan3A_26 = arith.constant 0 : i32
      %scan3A_27 = arith.constant 40 : i32
      %scan3A_28 = arith.addi %scan3A_26, %scan3A_27 : i32
      %scan3A_29 = arith.constant 1 : i32
      scf.for %scan3A_90 = %scan3A_26 to %scan3A_28 step %scan3A_29  : i32 {
        %mul3A_91 = arith.constant 2 : i32
        %mul3A_92 = arith.muli %scan3A_90, %mul3A_91 : i32
        %add3A = arith.constant 0 : i32
        %add3A_93 = arith.addi %mul3A_92, %add3A : i32
        %dma_wait3A_94 = arith.constant 0 : i32
        %dma_wait3A_95 = arith.constant 0 : i32
        %dma_wait3A_96 = arith.constant 0 : i32
        %dma_wait3A_97 = tpu.memref_slice %arg16[%dma_wait3A_95, %dma_wait3A_96] : memref<256x48xi32, #tpu.memory_space<vmem>> -> memref<128x48xi32, #tpu.memory_space<vmem>>
        %dma_wait3A_98 = arith.constant 0 : i32
        %dma_wait3A_99 = tpu.memref_slice %arg14[%add3A_93, %dma_wait3A_98] : memref<80x128xi32, #tpu.memory_space<vmem>> -> memref<1x128xi32, #tpu.memory_space<vmem>>
        %dma_wait3A_100 = tpu.memref_squeeze %dma_wait3A_99 : memref<1x128xi32, #tpu.memory_space<vmem>> -> memref<128xi32, #tpu.memory_space<vmem>>
        %dma_wait3A_101 = arith.constant 0 : i32
        %dma_wait3A_102 = arith.constant 0 : i32
        %dma_wait3A_103 = tpu.memref_slice %arg2[%dma_wait3A_101, %dma_wait3A_102] : memref<10240x48xi32, #tpu.memory_space<hbm>> -> memref<10240x48xi32, #tpu.memory_space<hbm>>
        %dma_wait3A_104 = tpu.memref_slice %arg18[%dma_wait3A_94] : memref<2x!tpu.dma_semaphore, #tpu.memory_space<semaphore_mem>> -> memref<1x!tpu.dma_semaphore, #tpu.memory_space<semaphore_mem>>
        %dma_wait3A_105 = tpu.memref_squeeze %dma_wait3A_104 : memref<1x!tpu.dma_semaphore, #tpu.memory_space<semaphore_mem>> -> memref<!tpu.dma_semaphore, #tpu.memory_space<semaphore_mem>>
        tpu.wait_indirect_dma semaphore(%dma_wait3A_105 : memref<!tpu.dma_semaphore, #tpu.memory_space<semaphore_mem>>) src(%dma_wait3A_103 : memref<10240x48xi32, #tpu.memory_space<hbm>>) dst(%dma_wait3A_97 : memref<128x48xi32, #tpu.memory_space<vmem>>)
        %ge3A = arith.constant 1 : i32
        %ge3A_106 = arith.cmpi sge, %add3A_93, %ge3A : i32
        %convert_element_type3A_107 = arith.extui %ge3A_106 : i1 to i32
        %cond3A_108 = arith.constant 0 : i32
        %cond3A_109 = arith.cmpi ne, %convert_element_type3A_107, %cond3A_108 : i32
        scf.if %cond3A_109 {
          %sub3A = arith.constant 1 : i32
          %sub3A_180 = arith.subi %add3A_93, %sub3A : i32
          %dma_wait3A_181 = arith.constant 1 : i32
          %dma_wait3A_182 = arith.constant 128 : i32
          %dma_wait3A_183 = arith.constant 0 : i32
          %dma_wait3A_184 = tpu.memref_slice %arg17[%dma_wait3A_182, %dma_wait3A_183] : memref<256x96xf32, #tpu.memory_space<vmem>> -> memref<128x96xf32, #tpu.memory_space<vmem>>
          %dma_wait3A_185 = arith.constant 0 : i32
          %dma_wait3A_186 = tpu.memref_slice %arg15[%sub3A_180, %dma_wait3A_185] : memref<80x128xi32, #tpu.memory_space<vmem>> -> memref<1x128xi32, #tpu.memory_space<vmem>>
          %dma_wait3A_187 = tpu.memref_squeeze %dma_wait3A_186 : memref<1x128xi32, #tpu.memory_space<vmem>> -> memref<128xi32, #tpu.memory_space<vmem>>
          %dma_wait3A_188 = arith.constant 0 : i32
          %dma_wait3A_189 = arith.constant 0 : i32
          %dma_wait3A_190 = tpu.memref_slice %arg20[%dma_wait3A_188, %dma_wait3A_189] : memref<10240x96xf32, #tpu.memory_space<vmem_shared>> -> memref<10240x96xf32, #tpu.memory_space<vmem_shared>>
          %dma_wait3A_191 = tpu.memref_slice %arg19[%dma_wait3A_181] : memref<2x!tpu.dma_semaphore, #tpu.memory_space<semaphore_mem>> -> memref<1x!tpu.dma_semaphore, #tpu.memory_space<semaphore_mem>>
          %dma_wait3A_192 = tpu.memref_squeeze %dma_wait3A_191 : memref<1x!tpu.dma_semaphore, #tpu.memory_space<semaphore_mem>> -> memref<!tpu.dma_semaphore, #tpu.memory_space<semaphore_mem>>
          tpu.wait_indirect_dma semaphore(%dma_wait3A_192 : memref<!tpu.dma_semaphore, #tpu.memory_space<semaphore_mem>>) src(%dma_wait3A_184 : memref<128x96xf32, #tpu.memory_space<vmem>>) dst(%dma_wait3A_190 : memref<10240x96xf32, #tpu.memory_space<vmem_shared>>)
        } else {
        }
        %add3A_110 = arith.constant 1 : i32
        %add3A_111 = arith.addi %add3A_93, %add3A_110 : i32
        %lt3A = arith.constant 80 : i32
        %lt3A_112 = arith.cmpi slt, %add3A_111, %lt3A : i32
        %convert_element_type3A_113 = arith.extui %lt3A_112 : i1 to i32
        %cond3A_114 = arith.constant 0 : i32
        %cond3A_115 = arith.cmpi ne, %convert_element_type3A_113, %cond3A_114 : i32
        scf.if %cond3A_115 {
          %add3A_180 = arith.constant 1 : i32
          %add3A_181 = arith.addi %add3A_93, %add3A_180 : i32
          %dma_start3A_182 = arith.constant 1 : i32
          %dma_start3A_183 = arith.constant 128 : i32
          %dma_start3A_184 = arith.constant 0 : i32
          %dma_start3A_185 = tpu.memref_slice %arg16[%dma_start3A_183, %dma_start3A_184] : memref<256x48xi32, #tpu.memory_space<vmem>> -> memref<128x48xi32, #tpu.memory_space<vmem>>
          %dma_start3A_186 = arith.constant 0 : i32
          %dma_start3A_187 = tpu.memref_slice %arg14[%add3A_181, %dma_start3A_186] : memref<80x128xi32, #tpu.memory_space<vmem>> -> memref<1x128xi32, #tpu.memory_space<vmem>>
          %dma_start3A_188 = tpu.memref_squeeze %dma_start3A_187 : memref<1x128xi32, #tpu.memory_space<vmem>> -> memref<128xi32, #tpu.memory_space<vmem>>
          %dma_start3A_189 = arith.constant 0 : i32
          %dma_start3A_190 = arith.constant 0 : i32
          %dma_start3A_191 = tpu.memref_slice %arg2[%dma_start3A_189, %dma_start3A_190] : memref<10240x48xi32, #tpu.memory_space<hbm>> -> memref<10240x48xi32, #tpu.memory_space<hbm>>
          %dma_start3A_192 = tpu.memref_slice %arg18[%dma_start3A_182] : memref<2x!tpu.dma_semaphore, #tpu.memory_space<semaphore_mem>> -> memref<1x!tpu.dma_semaphore, #tpu.memory_space<semaphore_mem>>
          %dma_start3A_193 = tpu.memref_squeeze %dma_start3A_192 : memref<1x!tpu.dma_semaphore, #tpu.memory_space<semaphore_mem>> -> memref<!tpu.dma_semaphore, #tpu.memory_space<semaphore_mem>>
          tpu.enqueue_indirect_dma source(%dma_start3A_191 : memref<10240x48xi32, #tpu.memory_space<hbm>>) target(%dma_start3A_185 : memref<128x48xi32, #tpu.memory_space<vmem>>) offsets(%dma_start3A_188 : memref<128xi32, #tpu.memory_space<vmem>>) semaphore(%dma_start3A_193 : memref<!tpu.dma_semaphore, #tpu.memory_space<semaphore_mem>>)
        } else {
        }
        %scan3A_116 = arith.constant 0 : i32
        %scan3A_117 = arith.constant 0 : i32
        %scan3A_118 = arith.constant 128 : i32
        %scan3A_119 = arith.addi %scan3A_117, %scan3A_118 : i32
        %scan3A_120 = arith.constant 1 : i32
        scf.for %scan3A_180 = %scan3A_117 to %scan3A_119 step %scan3A_120  : i32 {
          %add3A_181 = arith.constant 0 : i32
          %add3A_182 = arith.addi %add3A_181, %scan3A_180 : i32
          %get3A = arith.index_cast %add3A_182 : i32 to index
          %get3A_183 = arith.constant 0 : index
          %get3A_184 = tpu.vector_load %arg16[%get3A, %get3A_183] {strides = array<i32>} : memref<256x48xi32, #tpu.memory_space<vmem>>, vector<1x16xi32>,
          %get3A_185 = vector.shape_cast %get3A_184 : vector<1x16xi32> to vector<16xi32>
          %shift_left3A = arith.constant 16 : i32
          %shift_left3A_186 = vector.broadcast %shift_left3A : i32 to vector<16xi32>
          %shift_left3A_187 = arith.shli %get3A_185, %shift_left3A_186 : vector<16xi32>
          %bitcast_convert_type3A = tpu.bitcast %shift_left3A_187 : vector<16xi32> -> vector<16xf32>
          %and3A = arith.constant -65536 : i32
          %and3A_188 = vector.broadcast %and3A : i32 to vector<16xi32>
          %and3A_189 = arith.andi %get3A_185, %and3A_188 : vector<16xi32>
          %bitcast_convert_type3A_190 = tpu.bitcast %and3A_189 : vector<16xi32> -> vector<16xf32>
          %add3A_191 = arith.constant 0 : i32
          %add3A_192 = arith.addi %add3A_191, %scan3A_180 : i32
          %swap3A = arith.index_cast %add3A_192 : i32 to index
          %swap3A_193 = arith.constant 0 : index
          %swap3A_194 = tpu.vector_load %arg17[%swap3A, %swap3A_193] {strides = array<i32>} : memref<256x96xf32, #tpu.memory_space<vmem>>, vector<1x16xf32>,
          %swap3A_195 = vector.shape_cast %swap3A_194 : vector<1x16xf32> to vector<16xf32>
          %swap3A_196 = vector.shape_cast %bitcast_convert_type3A : vector<16xf32> to vector<1x16xf32>
          tpu.vector_store %arg17[%swap3A, %swap3A_193], %swap3A_196 {strides = array<i32>} : memref<256x96xf32, #tpu.memory_space<vmem>>, vector<1x16xf32>,
          %add3A_197 = arith.constant 0 : i32
          %add3A_198 = arith.addi %add3A_197, %scan3A_180 : i32
          %swap3A_199 = arith.index_cast %add3A_198 : i32 to index
          %swap3A_200 = arith.constant 48 : index
          %swap3A_201 = tpu.vector_load %arg17[%swap3A_199, %swap3A_200] {strides = array<i32>} : memref<256x96xf32, #tpu.memory_space<vmem>>, vector<1x16xf32>,
          %swap3A_202 = vector.shape_cast %swap3A_201 : vector<1x16xf32> to vector<16xf32>
          %swap3A_203 = vector.shape_cast %bitcast_convert_type3A_190 : vector<16xf32> to vector<1x16xf32>
          tpu.vector_store %arg17[%swap3A_199, %swap3A_200], %swap3A_203 {strides = array<i32>} : memref<256x96xf32, #tpu.memory_space<vmem>>, vector<1x16xf32>,
          %add3A_204 = arith.constant 0 : i32
          %add3A_205 = arith.addi %add3A_204, %scan3A_180 : i32
          %get3A_206 = arith.index_cast %add3A_205 : i32 to index
          %get3A_207 = arith.constant 16 : index
          %get3A_208 = tpu.vector_load %arg16[%get3A_206, %get3A_207] {strides = array<i32>} : memref<256x48xi32, #tpu.memory_space<vmem>>, vector<1x16xi32>,
          %get3A_209 = vector.shape_cast %get3A_208 : vector<1x16xi32> to vector<16xi32>
          %shift_left3A_210 = arith.constant 16 : i32
          %shift_left3A_211 = vector.broadcast %shift_left3A_210 : i32 to vector<16xi32>
          %shift_left3A_212 = arith.shli %get3A_209, %shift_left3A_211 : vector<16xi32>
          %bitcast_convert_type3A_213 = tpu.bitcast %shift_left3A_212 : vector<16xi32> -> vector<16xf32>
          %and3A_214 = arith.constant -65536 : i32
          %and3A_215 = vector.broadcast %and3A_214 : i32 to vector<16xi32>
          %and3A_216 = arith.andi %get3A_209, %and3A_215 : vector<16xi32>
          %bitcast_convert_type3A_217 = tpu.bitcast %and3A_216 : vector<16xi32> -> vector<16xf32>
          %add3A_218 = arith.constant 0 : i32
          %add3A_219 = arith.addi %add3A_218, %scan3A_180 : i32
          %swap3A_220 = arith.index_cast %add3A_219 : i32 to index
          %swap3A_221 = arith.constant 16 : index
          %swap3A_222 = tpu.vector_load %arg17[%swap3A_220, %swap3A_221] {strides = array<i32>} : memref<256x96xf32, #tpu.memory_space<vmem>>, vector<1x16xf32>,
          %swap3A_223 = vector.shape_cast %swap3A_222 : vector<1x16xf32> to vector<16xf32>
          %swap3A_224 = vector.shape_cast %bitcast_convert_type3A_213 : vector<16xf32> to vector<1x16xf32>
          tpu.vector_store %arg17[%swap3A_220, %swap3A_221], %swap3A_224 {strides = array<i32>} : memref<256x96xf32, #tpu.memory_space<vmem>>, vector<1x16xf32>,
          %add3A_225 = arith.constant 0 : i32
          %add3A_226 = arith.addi %add3A_225, %scan3A_180 : i32
          %swap3A_227 = arith.index_cast %add3A_226 : i32 to index
          %swap3A_228 = arith.constant 64 : index
          %swap3A_229 = tpu.vector_load %arg17[%swap3A_227, %swap3A_228] {strides = array<i32>} : memref<256x96xf32, #tpu.memory_space<vmem>>, vector<1x16xf32>,
          %swap3A_230 = vector.shape_cast %swap3A_229 : vector<1x16xf32> to vector<16xf32>
          %swap3A_231 = vector.shape_cast %bitcast_convert_type3A_217 : vector<16xf32> to vector<1x16xf32>
          tpu.vector_store %arg17[%swap3A_227, %swap3A_228], %swap3A_231 {strides = array<i32>} : memref<256x96xf32, #tpu.memory_space<vmem>>, vector<1x16xf32>,
          %add3A_232 = arith.constant 0 : i32
          %add3A_233 = arith.addi %add3A_232, %scan3A_180 : i32
          %get3A_234 = arith.index_cast %add3A_233 : i32 to index
          %get3A_235 = arith.constant 32 : index
          %get3A_236 = tpu.vector_load %arg16[%get3A_234, %get3A_235] {strides = array<i32>} : memref<256x48xi32, #tpu.memory_space<vmem>>, vector<1x16xi32>,
          %get3A_237 = vector.shape_cast %get3A_236 : vector<1x16xi32> to vector<16xi32>
          %shift_left3A_238 = arith.constant 16 : i32
          %shift_left3A_239 = vector.broadcast %shift_left3A_238 : i32 to vector<16xi32>
          %shift_left3A_240 = arith.shli %get3A_237, %shift_left3A_239 : vector<16xi32>
          %bitcast_convert_type3A_241 = tpu.bitcast %shift_left3A_240 : vector<16xi32> -> vector<16xf32>
          %and3A_242 = arith.constant -65536 : i32
          %and3A_243 = vector.broadcast %and3A_242 : i32 to vector<16xi32>
          %and3A_244 = arith.andi %get3A_237, %and3A_243 : vector<16xi32>
          %bitcast_convert_type3A_245 = tpu.bitcast %and3A_244 : vector<16xi32> -> vector<16xf32>
          %add3A_246 = arith.constant 0 : i32
          %add3A_247 = arith.addi %add3A_246, %scan3A_180 : i32
          %swap3A_248 = arith.index_cast %add3A_247 : i32 to index
          %swap3A_249 = arith.constant 32 : index
          %swap3A_250 = tpu.vector_load %arg17[%swap3A_248, %swap3A_249] {strides = array<i32>} : memref<256x96xf32, #tpu.memory_space<vmem>>, vector<1x16xf32>,
          %swap3A_251 = vector.shape_cast %swap3A_250 : vector<1x16xf32> to vector<16xf32>
          %swap3A_252 = vector.shape_cast %bitcast_convert_type3A_241 : vector<16xf32> to vector<1x16xf32>
          tpu.vector_store %arg17[%swap3A_248, %swap3A_249], %swap3A_252 {strides = array<i32>} : memref<256x96xf32, #tpu.memory_space<vmem>>, vector<1x16xf32>,
          %add3A_253 = arith.constant 0 : i32
          %add3A_254 = arith.addi %add3A_253, %scan3A_180 : i32
          %swap3A_255 = arith.index_cast %add3A_254 : i32 to index
          %swap3A_256 = arith.constant 80 : index
          %swap3A_257 = tpu.vector_load %arg17[%swap3A_255, %swap3A_256] {strides = array<i32>} : memref<256x96xf32, #tpu.memory_space<vmem>>, vector<1x16xf32>,
          %swap3A_258 = vector.shape_cast %swap3A_257 : vector<1x16xf32> to vector<16xf32>
          %swap3A_259 = vector.shape_cast %bitcast_convert_type3A_245 : vector<16xf32> to vector<1x16xf32>
          tpu.vector_store %arg17[%swap3A_255, %swap3A_256], %swap3A_259 {strides = array<i32>} : memref<256x96xf32, #tpu.memory_space<vmem>>, vector<1x16xf32>,
        }
        %scan3A_121 = arith.constant 128 : i32
        %dma_start3A_122 = arith.constant 0 : i32
        %dma_start3A_123 = arith.constant 0 : i32
        %dma_start3A_124 = arith.constant 0 : i32
        %dma_start3A_125 = tpu.memref_slice %arg17[%dma_start3A_123, %dma_start3A_124] : memref<256x96xf32, #tpu.memory_space<vmem>> -> memref<128x96xf32, #tpu.memory_space<vmem>>
        %dma_start3A_126 = arith.constant 0 : i32
        %dma_start3A_127 = tpu.memref_slice %arg15[%add3A_93, %dma_start3A_126] : memref<80x128xi32, #tpu.memory_space<vmem>> -> memref<1x128xi32, #tpu.memory_space<vmem>>
        %dma_start3A_128 = tpu.memref_squeeze %dma_start3A_127 : memref<1x128xi32, #tpu.memory_space<vmem>> -> memref<128xi32, #tpu.memory_space<vmem>>
        %dma_start3A_129 = arith.constant 0 : i32
        %dma_start3A_130 = arith.constant 0 : i32
        %dma_start3A_131 = tpu.memref_slice %arg20[%dma_start3A_129, %dma_start3A_130] : memref<10240x96xf32, #tpu.memory_space<vmem_shared>> -> memref<10240x96xf32, #tpu.memory_space<vmem_shared>>
        %dma_start3A_132 = tpu.memref_slice %arg19[%dma_start3A_122] : memref<2x!tpu.dma_semaphore, #tpu.memory_space<semaphore_mem>> -> memref<1x!tpu.dma_semaphore, #tpu.memory_space<semaphore_mem>>
        %dma_start3A_133 = tpu.memref_squeeze %dma_start3A_132 : memref<1x!tpu.dma_semaphore, #tpu.memory_space<semaphore_mem>> -> memref<!tpu.dma_semaphore, #tpu.memory_space<semaphore_mem>>
        tpu.enqueue_indirect_dma source(%dma_start3A_125 : memref<128x96xf32, #tpu.memory_space<vmem>>) target(%dma_start3A_131 : memref<10240x96xf32, #tpu.memory_space<vmem_shared>>) offsets(%dma_start3A_128 : memref<128xi32, #tpu.memory_space<vmem>>) semaphore(%dma_start3A_133 : memref<!tpu.dma_semaphore, #tpu.memory_space<semaphore_mem>>) {add = true}
        %mul3A_134 = arith.constant 2 : i32
        %mul3A_135 = arith.muli %scan3A_90, %mul3A_134 : i32
        %add3A_136 = arith.constant 1 : i32
        %add3A_137 = arith.addi %mul3A_135, %add3A_136 : i32
        %dma_wait3A_138 = arith.constant 1 : i32
        %dma_wait3A_139 = arith.constant 128 : i32
        %dma_wait3A_140 = arith.constant 0 : i32
        %dma_wait3A_141 = tpu.memref_slice %arg16[%dma_wait3A_139, %dma_wait3A_140] : memref<256x48xi32, #tpu.memory_space<vmem>> -> memref<128x48xi32, #tpu.memory_space<vmem>>
        %dma_wait3A_142 = arith.constant 0 : i32
        %dma_wait3A_143 = tpu.memref_slice %arg14[%add3A_137, %dma_wait3A_142] : memref<80x128xi32, #tpu.memory_space<vmem>> -> memref<1x128xi32, #tpu.memory_space<vmem>>
        %dma_wait3A_144 = tpu.memref_squeeze %dma_wait3A_143 : memref<1x128xi32, #tpu.memory_space<vmem>> -> memref<128xi32, #tpu.memory_space<vmem>>
        %dma_wait3A_145 = arith.constant 0 : i32
        %dma_wait3A_146 = arith.constant 0 : i32
        %dma_wait3A_147 = tpu.memref_slice %arg2[%dma_wait3A_145, %dma_wait3A_146] : memref<10240x48xi32, #tpu.memory_space<hbm>> -> memref<10240x48xi32, #tpu.memory_space<hbm>>
        %dma_wait3A_148 = tpu.memref_slice %arg18[%dma_wait3A_138] : memref<2x!tpu.dma_semaphore, #tpu.memory_space<semaphore_mem>> -> memref<1x!tpu.dma_semaphore, #tpu.memory_space<semaphore_mem>>
        %dma_wait3A_149 = tpu.memref_squeeze %dma_wait3A_148 : memref<1x!tpu.dma_semaphore, #tpu.memory_space<semaphore_mem>> -> memref<!tpu.dma_semaphore, #tpu.memory_space<semaphore_mem>>
        tpu.wait_indirect_dma semaphore(%dma_wait3A_149 : memref<!tpu.dma_semaphore, #tpu.memory_space<semaphore_mem>>) src(%dma_wait3A_147 : memref<10240x48xi32, #tpu.memory_space<hbm>>) dst(%dma_wait3A_141 : memref<128x48xi32, #tpu.memory_space<vmem>>)
        %ge3A_150 = arith.constant 1 : i32
        %ge3A_151 = arith.cmpi sge, %add3A_137, %ge3A_150 : i32
        %convert_element_type3A_152 = arith.extui %ge3A_151 : i1 to i32
        %cond3A_153 = arith.constant 0 : i32
        %cond3A_154 = arith.cmpi ne, %convert_element_type3A_152, %cond3A_153 : i32
        scf.if %cond3A_154 {
          %sub3A = arith.constant 1 : i32
          %sub3A_180 = arith.subi %add3A_137, %sub3A : i32
          %dma_wait3A_181 = arith.constant 0 : i32
          %dma_wait3A_182 = arith.constant 0 : i32
          %dma_wait3A_183 = arith.constant 0 : i32
          %dma_wait3A_184 = tpu.memref_slice %arg17[%dma_wait3A_182, %dma_wait3A_183] : memref<256x96xf32, #tpu.memory_space<vmem>> -> memref<128x96xf32, #tpu.memory_space<vmem>>
          %dma_wait3A_185 = arith.constant 0 : i32
          %dma_wait3A_186 = tpu.memref_slice %arg15[%sub3A_180, %dma_wait3A_185] : memref<80x128xi32, #tpu.memory_space<vmem>> -> memref<1x128xi32, #tpu.memory_space<vmem>>
          %dma_wait3A_187 = tpu.memref_squeeze %dma_wait3A_186 : memref<1x128xi32, #tpu.memory_space<vmem>> -> memref<128xi32, #tpu.memory_space<vmem>>
          %dma_wait3A_188 = arith.constant 0 : i32
          %dma_wait3A_189 = arith.constant 0 : i32
          %dma_wait3A_190 = tpu.memref_slice %arg20[%dma_wait3A_188, %dma_wait3A_189] : memref<10240x96xf32, #tpu.memory_space<vmem_shared>> -> memref<10240x96xf32, #tpu.memory_space<vmem_shared>>
          %dma_wait3A_191 = tpu.memref_slice %arg19[%dma_wait3A_181] : memref<2x!tpu.dma_semaphore, #tpu.memory_space<semaphore_mem>> -> memref<1x!tpu.dma_semaphore, #tpu.memory_space<semaphore_mem>>
          %dma_wait3A_192 = tpu.memref_squeeze %dma_wait3A_191 : memref<1x!tpu.dma_semaphore, #tpu.memory_space<semaphore_mem>> -> memref<!tpu.dma_semaphore, #tpu.memory_space<semaphore_mem>>
          tpu.wait_indirect_dma semaphore(%dma_wait3A_192 : memref<!tpu.dma_semaphore, #tpu.memory_space<semaphore_mem>>) src(%dma_wait3A_184 : memref<128x96xf32, #tpu.memory_space<vmem>>) dst(%dma_wait3A_190 : memref<10240x96xf32, #tpu.memory_space<vmem_shared>>)
        } else {
        }
        %add3A_155 = arith.constant 1 : i32
        %add3A_156 = arith.addi %add3A_137, %add3A_155 : i32
        %lt3A_157 = arith.constant 80 : i32
        %lt3A_158 = arith.cmpi slt, %add3A_156, %lt3A_157 : i32
        %convert_element_type3A_159 = arith.extui %lt3A_158 : i1 to i32
        %cond3A_160 = arith.constant 0 : i32
        %cond3A_161 = arith.cmpi ne, %convert_element_type3A_159, %cond3A_160 : i32
        scf.if %cond3A_161 {
          %add3A_180 = arith.constant 1 : i32
          %add3A_181 = arith.addi %add3A_137, %add3A_180 : i32
          %dma_start3A_182 = arith.constant 0 : i32
          %dma_start3A_183 = arith.constant 0 : i32
          %dma_start3A_184 = arith.constant 0 : i32
          %dma_start3A_185 = tpu.memref_slice %arg16[%dma_start3A_183, %dma_start3A_184] : memref<256x48xi32, #tpu.memory_space<vmem>> -> memref<128x48xi32, #tpu.memory_space<vmem>>
          %dma_start3A_186 = arith.constant 0 : i32
          %dma_start3A_187 = tpu.memref_slice %arg14[%add3A_181, %dma_start3A_186] : memref<80x128xi32, #tpu.memory_space<vmem>> -> memref<1x128xi32, #tpu.memory_space<vmem>>
          %dma_start3A_188 = tpu.memref_squeeze %dma_start3A_187 : memref<1x128xi32, #tpu.memory_space<vmem>> -> memref<128xi32, #tpu.memory_space<vmem>>
          %dma_start3A_189 = arith.constant 0 : i32
          %dma_start3A_190 = arith.constant 0 : i32
          %dma_start3A_191 = tpu.memref_slice %arg2[%dma_start3A_189, %dma_start3A_190] : memref<10240x48xi32, #tpu.memory_space<hbm>> -> memref<10240x48xi32, #tpu.memory_space<hbm>>
          %dma_start3A_192 = tpu.memref_slice %arg18[%dma_start3A_182] : memref<2x!tpu.dma_semaphore, #tpu.memory_space<semaphore_mem>> -> memref<1x!tpu.dma_semaphore, #tpu.memory_space<semaphore_mem>>
          %dma_start3A_193 = tpu.memref_squeeze %dma_start3A_192 : memref<1x!tpu.dma_semaphore, #tpu.memory_space<semaphore_mem>> -> memref<!tpu.dma_semaphore, #tpu.memory_space<semaphore_mem>>
          tpu.enqueue_indirect_dma source(%dma_start3A_191 : memref<10240x48xi32, #tpu.memory_space<hbm>>) target(%dma_start3A_185 : memref<128x48xi32, #tpu.memory_space<vmem>>) offsets(%dma_start3A_188 : memref<128xi32, #tpu.memory_space<vmem>>) semaphore(%dma_start3A_193 : memref<!tpu.dma_semaphore, #tpu.memory_space<semaphore_mem>>)
        } else {
        }
        %scan3A_162 = arith.constant 0 : i32
        %scan3A_163 = arith.constant 0 : i32
        %scan3A_164 = arith.constant 128 : i32
        %scan3A_165 = arith.addi %scan3A_163, %scan3A_164 : i32
        %scan3A_166 = arith.constant 1 : i32
        scf.for %scan3A_180 = %scan3A_163 to %scan3A_165 step %scan3A_166  : i32 {
          %add3A_181 = arith.constant 128 : i32
          %add3A_182 = arith.addi %add3A_181, %scan3A_180 : i32
          %get3A = arith.index_cast %add3A_182 : i32 to index
          %get3A_183 = arith.constant 0 : index
          %get3A_184 = tpu.vector_load %arg16[%get3A, %get3A_183] {strides = array<i32>} : memref<256x48xi32, #tpu.memory_space<vmem>>, vector<1x16xi32>,
          %get3A_185 = vector.shape_cast %get3A_184 : vector<1x16xi32> to vector<16xi32>
          %shift_left3A = arith.constant 16 : i32
          %shift_left3A_186 = vector.broadcast %shift_left3A : i32 to vector<16xi32>
          %shift_left3A_187 = arith.shli %get3A_185, %shift_left3A_186 : vector<16xi32>
          %bitcast_convert_type3A = tpu.bitcast %shift_left3A_187 : vector<16xi32> -> vector<16xf32>
          %and3A = arith.constant -65536 : i32
          %and3A_188 = vector.broadcast %and3A : i32 to vector<16xi32>
          %and3A_189 = arith.andi %get3A_185, %and3A_188 : vector<16xi32>
          %bitcast_convert_type3A_190 = tpu.bitcast %and3A_189 : vector<16xi32> -> vector<16xf32>
          %add3A_191 = arith.constant 128 : i32
          %add3A_192 = arith.addi %add3A_191, %scan3A_180 : i32
          %swap3A = arith.index_cast %add3A_192 : i32 to index
          %swap3A_193 = arith.constant 0 : index
          %swap3A_194 = tpu.vector_load %arg17[%swap3A, %swap3A_193] {strides = array<i32>} : memref<256x96xf32, #tpu.memory_space<vmem>>, vector<1x16xf32>,
          %swap3A_195 = vector.shape_cast %swap3A_194 : vector<1x16xf32> to vector<16xf32>
          %swap3A_196 = vector.shape_cast %bitcast_convert_type3A : vector<16xf32> to vector<1x16xf32>
          tpu.vector_store %arg17[%swap3A, %swap3A_193], %swap3A_196 {strides = array<i32>} : memref<256x96xf32, #tpu.memory_space<vmem>>, vector<1x16xf32>,
          %add3A_197 = arith.constant 128 : i32
          %add3A_198 = arith.addi %add3A_197, %scan3A_180 : i32
          %swap3A_199 = arith.index_cast %add3A_198 : i32 to index
          %swap3A_200 = arith.constant 48 : index
          %swap3A_201 = tpu.vector_load %arg17[%swap3A_199, %swap3A_200] {strides = array<i32>} : memref<256x96xf32, #tpu.memory_space<vmem>>, vector<1x16xf32>,
          %swap3A_202 = vector.shape_cast %swap3A_201 : vector<1x16xf32> to vector<16xf32>
          %swap3A_203 = vector.shape_cast %bitcast_convert_type3A_190 : vector<16xf32> to vector<1x16xf32>
          tpu.vector_store %arg17[%swap3A_199, %swap3A_200], %swap3A_203 {strides = array<i32>} : memref<256x96xf32, #tpu.memory_space<vmem>>, vector<1x16xf32>,
          %add3A_204 = arith.constant 128 : i32
          %add3A_205 = arith.addi %add3A_204, %scan3A_180 : i32
          %get3A_206 = arith.index_cast %add3A_205 : i32 to index
          %get3A_207 = arith.constant 16 : index
          %get3A_208 = tpu.vector_load %arg16[%get3A_206, %get3A_207] {strides = array<i32>} : memref<256x48xi32, #tpu.memory_space<vmem>>, vector<1x16xi32>,
          %get3A_209 = vector.shape_cast %get3A_208 : vector<1x16xi32> to vector<16xi32>
          %shift_left3A_210 = arith.constant 16 : i32
          %shift_left3A_211 = vector.broadcast %shift_left3A_210 : i32 to vector<16xi32>
          %shift_left3A_212 = arith.shli %get3A_209, %shift_left3A_211 : vector<16xi32>
          %bitcast_convert_type3A_213 = tpu.bitcast %shift_left3A_212 : vector<16xi32> -> vector<16xf32>
          %and3A_214 = arith.constant -65536 : i32
          %and3A_215 = vector.broadcast %and3A_214 : i32 to vector<16xi32>
          %and3A_216 = arith.andi %get3A_209, %and3A_215 : vector<16xi32>
          %bitcast_convert_type3A_217 = tpu.bitcast %and3A_216 : vector<16xi32> -> vector<16xf32>
          %add3A_218 = arith.constant 128 : i32
          %add3A_219 = arith.addi %add3A_218, %scan3A_180 : i32
          %swap3A_220 = arith.index_cast %add3A_219 : i32 to index
          %swap3A_221 = arith.constant 16 : index
          %swap3A_222 = tpu.vector_load %arg17[%swap3A_220, %swap3A_221] {strides = array<i32>} : memref<256x96xf32, #tpu.memory_space<vmem>>, vector<1x16xf32>,
          %swap3A_223 = vector.shape_cast %swap3A_222 : vector<1x16xf32> to vector<16xf32>
          %swap3A_224 = vector.shape_cast %bitcast_convert_type3A_213 : vector<16xf32> to vector<1x16xf32>
          tpu.vector_store %arg17[%swap3A_220, %swap3A_221], %swap3A_224 {strides = array<i32>} : memref<256x96xf32, #tpu.memory_space<vmem>>, vector<1x16xf32>,
          %add3A_225 = arith.constant 128 : i32
          %add3A_226 = arith.addi %add3A_225, %scan3A_180 : i32
          %swap3A_227 = arith.index_cast %add3A_226 : i32 to index
          %swap3A_228 = arith.constant 64 : index
          %swap3A_229 = tpu.vector_load %arg17[%swap3A_227, %swap3A_228] {strides = array<i32>} : memref<256x96xf32, #tpu.memory_space<vmem>>, vector<1x16xf32>,
          %swap3A_230 = vector.shape_cast %swap3A_229 : vector<1x16xf32> to vector<16xf32>
          %swap3A_231 = vector.shape_cast %bitcast_convert_type3A_217 : vector<16xf32> to vector<1x16xf32>
          tpu.vector_store %arg17[%swap3A_227, %swap3A_228], %swap3A_231 {strides = array<i32>} : memref<256x96xf32, #tpu.memory_space<vmem>>, vector<1x16xf32>,
          %add3A_232 = arith.constant 128 : i32
          %add3A_233 = arith.addi %add3A_232, %scan3A_180 : i32
          %get3A_234 = arith.index_cast %add3A_233 : i32 to index
          %get3A_235 = arith.constant 32 : index
          %get3A_236 = tpu.vector_load %arg16[%get3A_234, %get3A_235] {strides = array<i32>} : memref<256x48xi32, #tpu.memory_space<vmem>>, vector<1x16xi32>,
          %get3A_237 = vector.shape_cast %get3A_236 : vector<1x16xi32> to vector<16xi32>
          %shift_left3A_238 = arith.constant 16 : i32
          %shift_left3A_239 = vector.broadcast %shift_left3A_238 : i32 to vector<16xi32>
          %shift_left3A_240 = arith.shli %get3A_237, %shift_left3A_239 : vector<16xi32>
          %bitcast_convert_type3A_241 = tpu.bitcast %shift_left3A_240 : vector<16xi32> -> vector<16xf32>
          %and3A_242 = arith.constant -65536 : i32
          %and3A_243 = vector.broadcast %and3A_242 : i32 to vector<16xi32>
          %and3A_244 = arith.andi %get3A_237, %and3A_243 : vector<16xi32>
          %bitcast_convert_type3A_245 = tpu.bitcast %and3A_244 : vector<16xi32> -> vector<16xf32>
          %add3A_246 = arith.constant 128 : i32
          %add3A_247 = arith.addi %add3A_246, %scan3A_180 : i32
          %swap3A_248 = arith.index_cast %add3A_247 : i32 to index
          %swap3A_249 = arith.constant 32 : index
          %swap3A_250 = tpu.vector_load %arg17[%swap3A_248, %swap3A_249] {strides = array<i32>} : memref<256x96xf32, #tpu.memory_space<vmem>>, vector<1x16xf32>,
          %swap3A_251 = vector.shape_cast %swap3A_250 : vector<1x16xf32> to vector<16xf32>
          %swap3A_252 = vector.shape_cast %bitcast_convert_type3A_241 : vector<16xf32> to vector<1x16xf32>
          tpu.vector_store %arg17[%swap3A_248, %swap3A_249], %swap3A_252 {strides = array<i32>} : memref<256x96xf32, #tpu.memory_space<vmem>>, vector<1x16xf32>,
          %add3A_253 = arith.constant 128 : i32
          %add3A_254 = arith.addi %add3A_253, %scan3A_180 : i32
          %swap3A_255 = arith.index_cast %add3A_254 : i32 to index
          %swap3A_256 = arith.constant 80 : index
          %swap3A_257 = tpu.vector_load %arg17[%swap3A_255, %swap3A_256] {strides = array<i32>} : memref<256x96xf32, #tpu.memory_space<vmem>>, vector<1x16xf32>,
          %swap3A_258 = vector.shape_cast %swap3A_257 : vector<1x16xf32> to vector<16xf32>
          %swap3A_259 = vector.shape_cast %bitcast_convert_type3A_245 : vector<16xf32> to vector<1x16xf32>
          tpu.vector_store %arg17[%swap3A_255, %swap3A_256], %swap3A_259 {strides = array<i32>} : memref<256x96xf32, #tpu.memory_space<vmem>>, vector<1x16xf32>,
        }
        %scan3A_167 = arith.constant 128 : i32
        %dma_start3A_168 = arith.constant 1 : i32
        %dma_start3A_169 = arith.constant 128 : i32
        %dma_start3A_170 = arith.constant 0 : i32
        %dma_start3A_171 = tpu.memref_slice %arg17[%dma_start3A_169, %dma_start3A_170] : memref<256x96xf32, #tpu.memory_space<vmem>> -> memref<128x96xf32, #tpu.memory_space<vmem>>
        %dma_start3A_172 = arith.constant 0 : i32
        %dma_start3A_173 = tpu.memref_slice %arg15[%add3A_137, %dma_start3A_172] : memref<80x128xi32, #tpu.memory_space<vmem>> -> memref<1x128xi32, #tpu.memory_space<vmem>>
        %dma_start3A_174 = tpu.memref_squeeze %dma_start3A_173 : memref<1x128xi32, #tpu.memory_space<vmem>> -> memref<128xi32, #tpu.memory_space<vmem>>
        %dma_start3A_175 = arith.constant 0 : i32
        %dma_start3A_176 = arith.constant 0 : i32
        %dma_start3A_177 = tpu.memref_slice %arg20[%dma_start3A_175, %dma_start3A_176] : memref<10240x96xf32, #tpu.memory_space<vmem_shared>> -> memref<10240x96xf32, #tpu.memory_space<vmem_shared>>
        %dma_start3A_178 = tpu.memref_slice %arg19[%dma_start3A_168] : memref<2x!tpu.dma_semaphore, #tpu.memory_space<semaphore_mem>> -> memref<1x!tpu.dma_semaphore, #tpu.memory_space<semaphore_mem>>
        %dma_start3A_179 = tpu.memref_squeeze %dma_start3A_178 : memref<1x!tpu.dma_semaphore, #tpu.memory_space<semaphore_mem>> -> memref<!tpu.dma_semaphore, #tpu.memory_space<semaphore_mem>>
        tpu.enqueue_indirect_dma source(%dma_start3A_171 : memref<128x96xf32, #tpu.memory_space<vmem>>) target(%dma_start3A_177 : memref<10240x96xf32, #tpu.memory_space<vmem_shared>>) offsets(%dma_start3A_174 : memref<128xi32, #tpu.memory_space<vmem>>) semaphore(%dma_start3A_179 : memref<!tpu.dma_semaphore, #tpu.memory_space<semaphore_mem>>) {add = true}
      }
      %scan3A_30 = arith.constant 40 : i32
      %dma_wait3A = arith.constant 79 : i32
      %dma_wait3A_31 = arith.constant 1 : i32
      %dma_wait3A_32 = arith.constant 128 : i32
      %dma_wait3A_33 = arith.constant 0 : i32
      %dma_wait3A_34 = tpu.memref_slice %arg17[%dma_wait3A_32, %dma_wait3A_33] : memref<256x96xf32, #tpu.memory_space<vmem>> -> memref<128x96xf32, #tpu.memory_space<vmem>>
      %dma_wait3A_35 = arith.constant 0 : i32
      %dma_wait3A_36 = tpu.memref_slice %arg15[%dma_wait3A, %dma_wait3A_35] : memref<80x128xi32, #tpu.memory_space<vmem>> -> memref<1x128xi32, #tpu.memory_space<vmem>>
      %dma_wait3A_37 = tpu.memref_squeeze %dma_wait3A_36 : memref<1x128xi32, #tpu.memory_space<vmem>> -> memref<128xi32, #tpu.memory_space<vmem>>
      %dma_wait3A_38 = arith.constant 0 : i32
      %dma_wait3A_39 = arith.constant 0 : i32
      %dma_wait3A_40 = tpu.memref_slice %arg20[%dma_wait3A_38, %dma_wait3A_39] : memref<10240x96xf32, #tpu.memory_space<vmem_shared>> -> memref<10240x96xf32, #tpu.memory_space<vmem_shared>>
      %dma_wait3A_41 = tpu.memref_slice %arg19[%dma_wait3A_31] : memref<2x!tpu.dma_semaphore, #tpu.memory_space<semaphore_mem>> -> memref<1x!tpu.dma_semaphore, #tpu.memory_space<semaphore_mem>>
      %dma_wait3A_42 = tpu.memref_squeeze %dma_wait3A_41 : memref<1x!tpu.dma_semaphore, #tpu.memory_space<semaphore_mem>> -> memref<!tpu.dma_semaphore, #tpu.memory_space<semaphore_mem>>
      tpu.wait_indirect_dma semaphore(%dma_wait3A_42 : memref<!tpu.dma_semaphore, #tpu.memory_space<semaphore_mem>>) src(%dma_wait3A_34 : memref<128x96xf32, #tpu.memory_space<vmem>>) dst(%dma_wait3A_40 : memref<10240x96xf32, #tpu.memory_space<vmem_shared>>)
      %barrier3A_43 = arith.constant 0 : index
      tpu.barrier barrier_id(%barrier3A_43)
      %scan3A_44 = arith.constant 0 : i32
      %scan3A_45 = arith.constant 0 : i32
      %scan3A_46 = arith.constant 5 : i32
      %scan3A_47 = arith.addi %scan3A_45, %scan3A_46 : i32
      %scan3A_48 = arith.constant 1 : i32
      scf.for %scan3A_90 = %scan3A_45 to %scan3A_47 step %scan3A_48  : i32 {
        %mul3A_91 = arith.constant 640 : i32
        %mul3A_92 = arith.muli %arg1, %mul3A_91 : i32
        %mul3A_93 = arith.constant 128 : i32
        %mul3A_94 = arith.muli %scan3A_90, %mul3A_93 : i32
        %add3A = arith.addi %mul3A_92, %mul3A_94 : i32
        %multiple_of3A_95 = tpu.assume_multiple %add3A, 8 : i32
        "tpu.region"() ({
          %run_scoped3A = tpu.sem_alloc : memref<!tpu.dma_semaphore, #tpu.memory_space<semaphore_mem>>
          %dma_start3A_102 = arith.constant 0 : i32
          %dma_start3A_103 = arith.constant 0 : i32
          %dma_start3A_104 = tpu.memref_slice %arg17[%dma_start3A_102, %dma_start3A_103] : memref<256x96xf32, #tpu.memory_space<vmem>> -> memref<128x96xf32, #tpu.memory_space<vmem>>
          %dma_start3A_105 = arith.constant 0 : i32
          %dma_start3A_106 = tpu.memref_slice %arg20[%multiple_of3A_95, %dma_start3A_105] : memref<10240x96xf32, #tpu.memory_space<vmem_shared>> -> memref<128x96xf32, #tpu.memory_space<vmem_shared>>
          %dma_start3A_107 = arith.constant 0 : i32
          %dma_start3A_108 = arith.constant 0 : i32
          %dma_start3A_109 = tpu.memref_slice %arg17[%dma_start3A_107, %dma_start3A_108] : memref<256x96xf32, #tpu.memory_space<vmem>> -> memref<128x96xf32, #tpu.memory_space<vmem>>
          %dma_start3A_110 = arith.constant 0 : i32
          %dma_start3A_111 = tpu.memref_slice %arg20[%multiple_of3A_95, %dma_start3A_110] : memref<10240x96xf32, #tpu.memory_space<vmem_shared>> -> memref<128x96xf32, #tpu.memory_space<vmem_shared>>
          tpu.enqueue_dma source(%dma_start3A_111 : memref<128x96xf32, #tpu.memory_space<vmem_shared>>) target(%dma_start3A_109 : memref<128x96xf32, #tpu.memory_space<vmem>>) target_semaphore(%run_scoped3A : memref<!tpu.dma_semaphore, #tpu.memory_space<semaphore_mem>>)
          %dma_wait3A_112 = arith.constant 0 : i32
          %dma_wait3A_113 = arith.constant 0 : i32
          %dma_wait3A_114 = tpu.memref_slice %arg17[%dma_wait3A_112, %dma_wait3A_113] : memref<256x96xf32, #tpu.memory_space<vmem>> -> memref<128x96xf32, #tpu.memory_space<vmem>>
          %dma_wait3A_115 = arith.constant 0 : i32
          %dma_wait3A_116 = tpu.memref_slice %arg20[%multiple_of3A_95, %dma_wait3A_115] : memref<10240x96xf32, #tpu.memory_space<vmem_shared>> -> memref<128x96xf32, #tpu.memory_space<vmem_shared>>
          %dma_wait3A_117 = arith.constant 0 : i32
          %dma_wait3A_118 = arith.constant 0 : i32
          %dma_wait3A_119 = tpu.memref_slice %arg17[%dma_wait3A_117, %dma_wait3A_118] : memref<256x96xf32, #tpu.memory_space<vmem>> -> memref<128x96xf32, #tpu.memory_space<vmem>>
          %dma_wait3A_120 = arith.constant 0 : i32
          %dma_wait3A_121 = tpu.memref_slice %arg20[%multiple_of3A_95, %dma_wait3A_120] : memref<10240x96xf32, #tpu.memory_space<vmem_shared>> -> memref<128x96xf32, #tpu.memory_space<vmem_shared>>
          tpu.wait_dma2 semaphore(%run_scoped3A : memref<!tpu.dma_semaphore, #tpu.memory_space<semaphore_mem>>) src(%dma_wait3A_121 : memref<128x96xf32, #tpu.memory_space<vmem_shared>>) dst(%dma_wait3A_119 : memref<128x96xf32, #tpu.memory_space<vmem>>)
          tpu.yield
        }) : () -> ()
        "tpu.region"() ({
          %run_scoped3A = tpu.sem_alloc : memref<!tpu.dma_semaphore, #tpu.memory_space<semaphore_mem>>
          %dma_start3A_102 = arith.constant 0 : i32
          %dma_start3A_103 = arith.constant 0 : i32
          %dma_start3A_104 = tpu.memref_slice %arg17[%dma_start3A_102, %dma_start3A_103] : memref<256x96xf32, #tpu.memory_space<vmem>> -> memref<128x96xf32, #tpu.memory_space<vmem>>
          %dma_start3A_105 = arith.constant 0 : i32
          %dma_start3A_106 = tpu.memref_slice %arg8[%multiple_of3A_95, %dma_start3A_105] : memref<10240x96xf32, #tpu.memory_space<hbm>> -> memref<128x96xf32, #tpu.memory_space<hbm>>
          %dma_start3A_107 = arith.constant 0 : i32
          %dma_start3A_108 = tpu.memref_slice %arg8[%multiple_of3A_95, %dma_start3A_107] : memref<10240x96xf32, #tpu.memory_space<hbm>> -> memref<128x96xf32, #tpu.memory_space<hbm>>
          %dma_start3A_109 = arith.constant 0 : i32
          %dma_start3A_110 = arith.constant 0 : i32
          %dma_start3A_111 = tpu.memref_slice %arg17[%dma_start3A_109, %dma_start3A_110] : memref<256x96xf32, #tpu.memory_space<vmem>> -> memref<128x96xf32, #tpu.memory_space<vmem>>
          tpu.enqueue_dma source(%dma_start3A_111 : memref<128x96xf32, #tpu.memory_space<vmem>>) target(%dma_start3A_108 : memref<128x96xf32, #tpu.memory_space<hbm>>) target_semaphore(%run_scoped3A : memref<!tpu.dma_semaphore, #tpu.memory_space<semaphore_mem>>)
          %dma_wait3A_112 = arith.constant 0 : i32
          %dma_wait3A_113 = arith.constant 0 : i32
          %dma_wait3A_114 = tpu.memref_slice %arg17[%dma_wait3A_112, %dma_wait3A_113] : memref<256x96xf32, #tpu.memory_space<vmem>> -> memref<128x96xf32, #tpu.memory_space<vmem>>
          %dma_wait3A_115 = arith.constant 0 : i32
          %dma_wait3A_116 = tpu.memref_slice %arg8[%multiple_of3A_95, %dma_wait3A_115] : memref<10240x96xf32, #tpu.memory_space<hbm>> -> memref<128x96xf32, #tpu.memory_space<hbm>>
          %dma_wait3A_117 = arith.constant 0 : i32
          %dma_wait3A_118 = tpu.memref_slice %arg8[%multiple_of3A_95, %dma_wait3A_117] : memref<10240x96xf32, #tpu.memory_space<hbm>> -> memref<128x96xf32, #tpu.memory_space<hbm>>
          %dma_wait3A_119 = arith.constant 0 : i32
          %dma_wait3A_120 = arith.constant 0 : i32
          %dma_wait3A_121 = tpu.memref_slice %arg17[%dma_wait3A_119, %dma_wait3A_120] : memref<256x96xf32, #tpu.memory_space<vmem>> -> memref<128x96xf32, #tpu.memory_space<vmem>>
          tpu.wait_dma2 semaphore(%run_scoped3A : memref<!tpu.dma_semaphore, #tpu.memory_space<semaphore_mem>>) src(%dma_wait3A_121 : memref<128x96xf32, #tpu.memory_space<vmem>>) dst(%dma_wait3A_118 : memref<128x96xf32, #tpu.memory_space<hbm>>)
          tpu.yield
        }) : () -> ()
        %scan3A_96 = arith.constant 0 : i32
        %scan3A_97 = arith.constant 0 : i32
        %scan3A_98 = arith.constant 128 : i32
        %scan3A_99 = arith.addi %scan3A_97, %scan3A_98 : i32
        %scan3A_100 = arith.constant 1 : i32
        scf.for %scan3A_102 = %scan3A_97 to %scan3A_99 step %scan3A_100  : i32 {
          %get3A = arith.index_cast %scan3A_102 : i32 to index
          %get3A_103 = arith.constant 0 : index
          %get3A_104 = tpu.vector_load %arg17[%get3A, %get3A_103] {strides = array<i32>} : memref<256x96xf32, #tpu.memory_space<vmem>>, vector<1x16xf32>,
          %get3A_105 = vector.shape_cast %get3A_104 : vector<1x16xf32> to vector<16xf32>
          %bitcast_convert_type3A = tpu.bitcast %get3A_105 : vector<16xf32> -> vector<16xi32>
          %add3A_106 = arith.constant 32767 : i32
          %add3A_107 = vector.broadcast %add3A_106 : i32 to vector<16xi32>
          %add3A_108 = arith.addi %bitcast_convert_type3A, %add3A_107 : vector<16xi32>
          %shift_right_logical3A = arith.constant 16 : i32
          %shift_right_logical3A_109 = vector.broadcast %shift_right_logical3A : i32 to vector<16xi32>
          %shift_right_logical3A_110 = arith.shrui %bitcast_convert_type3A, %shift_right_logical3A_109 : vector<16xi32>
          %and3A = arith.constant 1 : i32
          %and3A_111 = vector.broadcast %and3A : i32 to vector<16xi32>
          %and3A_112 = arith.andi %shift_right_logical3A_110, %and3A_111 : vector<16xi32>
          %add3A_113 = arith.addi %add3A_108, %and3A_112 : vector<16xi32>
          %and3A_114 = arith.constant -65536 : i32
          %and3A_115 = vector.broadcast %and3A_114 : i32 to vector<16xi32>
          %and3A_116 = arith.andi %add3A_113, %and3A_115 : vector<16xi32>
          %get3A_117 = arith.index_cast %scan3A_102 : i32 to index
          %get3A_118 = arith.constant 48 : index
          %get3A_119 = tpu.vector_load %arg17[%get3A_117, %get3A_118] {strides = array<i32>} : memref<256x96xf32, #tpu.memory_space<vmem>>, vector<1x16xf32>,
          %get3A_120 = vector.shape_cast %get3A_119 : vector<1x16xf32> to vector<16xf32>
          %bitcast_convert_type3A_121 = tpu.bitcast %get3A_120 : vector<16xf32> -> vector<16xi32>
          %add3A_122 = arith.constant 32767 : i32
          %add3A_123 = vector.broadcast %add3A_122 : i32 to vector<16xi32>
          %add3A_124 = arith.addi %bitcast_convert_type3A_121, %add3A_123 : vector<16xi32>
          %shift_right_logical3A_125 = arith.constant 16 : i32
          %shift_right_logical3A_126 = vector.broadcast %shift_right_logical3A_125 : i32 to vector<16xi32>
          %shift_right_logical3A_127 = arith.shrui %bitcast_convert_type3A_121, %shift_right_logical3A_126 : vector<16xi32>
          %and3A_128 = arith.constant 1 : i32
          %and3A_129 = vector.broadcast %and3A_128 : i32 to vector<16xi32>
          %and3A_130 = arith.andi %shift_right_logical3A_127, %and3A_129 : vector<16xi32>
          %add3A_131 = arith.addi %add3A_124, %and3A_130 : vector<16xi32>
          %and3A_132 = arith.constant -65536 : i32
          %and3A_133 = vector.broadcast %and3A_132 : i32 to vector<16xi32>
          %and3A_134 = arith.andi %add3A_131, %and3A_133 : vector<16xi32>
          %shift_right_logical3A_135 = arith.constant 16 : i32
          %shift_right_logical3A_136 = vector.broadcast %shift_right_logical3A_135 : i32 to vector<16xi32>
          %shift_right_logical3A_137 = arith.shrui %and3A_116, %shift_right_logical3A_136 : vector<16xi32>
          %or3A = arith.ori %shift_right_logical3A_137, %and3A_134 : vector<16xi32>
          %swap3A = arith.index_cast %scan3A_102 : i32 to index
          %swap3A_138 = arith.constant 0 : index
          %swap3A_139 = tpu.vector_load %arg16[%swap3A, %swap3A_138] {strides = array<i32>} : memref<256x48xi32, #tpu.memory_space<vmem>>, vector<1x16xi32>,
          %swap3A_140 = vector.shape_cast %swap3A_139 : vector<1x16xi32> to vector<16xi32>
          %swap3A_141 = vector.shape_cast %or3A : vector<16xi32> to vector<1x16xi32>
          tpu.vector_store %arg16[%swap3A, %swap3A_138], %swap3A_141 {strides = array<i32>} : memref<256x48xi32, #tpu.memory_space<vmem>>, vector<1x16xi32>,
          %get3A_142 = arith.index_cast %scan3A_102 : i32 to index
          %get3A_143 = arith.constant 16 : index
          %get3A_144 = tpu.vector_load %arg17[%get3A_142, %get3A_143] {strides = array<i32>} : memref<256x96xf32, #tpu.memory_space<vmem>>, vector<1x16xf32>,
          %get3A_145 = vector.shape_cast %get3A_144 : vector<1x16xf32> to vector<16xf32>
          %bitcast_convert_type3A_146 = tpu.bitcast %get3A_145 : vector<16xf32> -> vector<16xi32>
          %add3A_147 = arith.constant 32767 : i32
          %add3A_148 = vector.broadcast %add3A_147 : i32 to vector<16xi32>
          %add3A_149 = arith.addi %bitcast_convert_type3A_146, %add3A_148 : vector<16xi32>
          %shift_right_logical3A_150 = arith.constant 16 : i32
          %shift_right_logical3A_151 = vector.broadcast %shift_right_logical3A_150 : i32 to vector<16xi32>
          %shift_right_logical3A_152 = arith.shrui %bitcast_convert_type3A_146, %shift_right_logical3A_151 : vector<16xi32>
          %and3A_153 = arith.constant 1 : i32
          %and3A_154 = vector.broadcast %and3A_153 : i32 to vector<16xi32>
          %and3A_155 = arith.andi %shift_right_logical3A_152, %and3A_154 : vector<16xi32>
          %add3A_156 = arith.addi %add3A_149, %and3A_155 : vector<16xi32>
          %and3A_157 = arith.constant -65536 : i32
          %and3A_158 = vector.broadcast %and3A_157 : i32 to vector<16xi32>
          %and3A_159 = arith.andi %add3A_156, %and3A_158 : vector<16xi32>
          %get3A_160 = arith.index_cast %scan3A_102 : i32 to index
          %get3A_161 = arith.constant 64 : index
          %get3A_162 = tpu.vector_load %arg17[%get3A_160, %get3A_161] {strides = array<i32>} : memref<256x96xf32, #tpu.memory_space<vmem>>, vector<1x16xf32>,
          %get3A_163 = vector.shape_cast %get3A_162 : vector<1x16xf32> to vector<16xf32>
          %bitcast_convert_type3A_164 = tpu.bitcast %get3A_163 : vector<16xf32> -> vector<16xi32>
          %add3A_165 = arith.constant 32767 : i32
          %add3A_166 = vector.broadcast %add3A_165 : i32 to vector<16xi32>
          %add3A_167 = arith.addi %bitcast_convert_type3A_164, %add3A_166 : vector<16xi32>
          %shift_right_logical3A_168 = arith.constant 16 : i32
          %shift_right_logical3A_169 = vector.broadcast %shift_right_logical3A_168 : i32 to vector<16xi32>
          %shift_right_logical3A_170 = arith.shrui %bitcast_convert_type3A_164, %shift_right_logical3A_169 : vector<16xi32>
          %and3A_171 = arith.constant 1 : i32
          %and3A_172 = vector.broadcast %and3A_171 : i32 to vector<16xi32>
          %and3A_173 = arith.andi %shift_right_logical3A_170, %and3A_172 : vector<16xi32>
          %add3A_174 = arith.addi %add3A_167, %and3A_173 : vector<16xi32>
          %and3A_175 = arith.constant -65536 : i32
          %and3A_176 = vector.broadcast %and3A_175 : i32 to vector<16xi32>
          %and3A_177 = arith.andi %add3A_174, %and3A_176 : vector<16xi32>
          %shift_right_logical3A_178 = arith.constant 16 : i32
          %shift_right_logical3A_179 = vector.broadcast %shift_right_logical3A_178 : i32 to vector<16xi32>
          %shift_right_logical3A_180 = arith.shrui %and3A_159, %shift_right_logical3A_179 : vector<16xi32>
          %or3A_181 = arith.ori %shift_right_logical3A_180, %and3A_177 : vector<16xi32>
          %swap3A_182 = arith.index_cast %scan3A_102 : i32 to index
          %swap3A_183 = arith.constant 16 : index
          %swap3A_184 = tpu.vector_load %arg16[%swap3A_182, %swap3A_183] {strides = array<i32>} : memref<256x48xi32, #tpu.memory_space<vmem>>, vector<1x16xi32>,
          %swap3A_185 = vector.shape_cast %swap3A_184 : vector<1x16xi32> to vector<16xi32>
          %swap3A_186 = vector.shape_cast %or3A_181 : vector<16xi32> to vector<1x16xi32>
          tpu.vector_store %arg16[%swap3A_182, %swap3A_183], %swap3A_186 {strides = array<i32>} : memref<256x48xi32, #tpu.memory_space<vmem>>, vector<1x16xi32>,
          %get3A_187 = arith.index_cast %scan3A_102 : i32 to index
          %get3A_188 = arith.constant 32 : index
          %get3A_189 = tpu.vector_load %arg17[%get3A_187, %get3A_188] {strides = array<i32>} : memref<256x96xf32, #tpu.memory_space<vmem>>, vector<1x16xf32>,
          %get3A_190 = vector.shape_cast %get3A_189 : vector<1x16xf32> to vector<16xf32>
          %bitcast_convert_type3A_191 = tpu.bitcast %get3A_190 : vector<16xf32> -> vector<16xi32>
          %add3A_192 = arith.constant 32767 : i32
          %add3A_193 = vector.broadcast %add3A_192 : i32 to vector<16xi32>
          %add3A_194 = arith.addi %bitcast_convert_type3A_191, %add3A_193 : vector<16xi32>
          %shift_right_logical3A_195 = arith.constant 16 : i32
          %shift_right_logical3A_196 = vector.broadcast %shift_right_logical3A_195 : i32 to vector<16xi32>
          %shift_right_logical3A_197 = arith.shrui %bitcast_convert_type3A_191, %shift_right_logical3A_196 : vector<16xi32>
          %and3A_198 = arith.constant 1 : i32
          %and3A_199 = vector.broadcast %and3A_198 : i32 to vector<16xi32>
          %and3A_200 = arith.andi %shift_right_logical3A_197, %and3A_199 : vector<16xi32>
          %add3A_201 = arith.addi %add3A_194, %and3A_200 : vector<16xi32>
          %and3A_202 = arith.constant -65536 : i32
          %and3A_203 = vector.broadcast %and3A_202 : i32 to vector<16xi32>
          %and3A_204 = arith.andi %add3A_201, %and3A_203 : vector<16xi32>
          %get3A_205 = arith.index_cast %scan3A_102 : i32 to index
          %get3A_206 = arith.constant 80 : index
          %get3A_207 = tpu.vector_load %arg17[%get3A_205, %get3A_206] {strides = array<i32>} : memref<256x96xf32, #tpu.memory_space<vmem>>, vector<1x16xf32>,
          %get3A_208 = vector.shape_cast %get3A_207 : vector<1x16xf32> to vector<16xf32>
          %bitcast_convert_type3A_209 = tpu.bitcast %get3A_208 : vector<16xf32> -> vector<16xi32>
          %add3A_210 = arith.constant 32767 : i32
          %add3A_211 = vector.broadcast %add3A_210 : i32 to vector<16xi32>
          %add3A_212 = arith.addi %bitcast_convert_type3A_209, %add3A_211 : vector<16xi32>
          %shift_right_logical3A_213 = arith.constant 16 : i32
          %shift_right_logical3A_214 = vector.broadcast %shift_right_logical3A_213 : i32 to vector<16xi32>
          %shift_right_logical3A_215 = arith.shrui %bitcast_convert_type3A_209, %shift_right_logical3A_214 : vector<16xi32>
          %and3A_216 = arith.constant 1 : i32
          %and3A_217 = vector.broadcast %and3A_216 : i32 to vector<16xi32>
          %and3A_218 = arith.andi %shift_right_logical3A_215, %and3A_217 : vector<16xi32>
          %add3A_219 = arith.addi %add3A_212, %and3A_218 : vector<16xi32>
          %and3A_220 = arith.constant -65536 : i32
          %and3A_221 = vector.broadcast %and3A_220 : i32 to vector<16xi32>
          %and3A_222 = arith.andi %add3A_219, %and3A_221 : vector<16xi32>
          %shift_right_logical3A_223 = arith.constant 16 : i32
          %shift_right_logical3A_224 = vector.broadcast %shift_right_logical3A_223 : i32 to vector<16xi32>
          %shift_right_logical3A_225 = arith.shrui %and3A_204, %shift_right_logical3A_224 : vector<16xi32>
          %or3A_226 = arith.ori %shift_right_logical3A_225, %and3A_222 : vector<16xi32>
          %swap3A_227 = arith.index_cast %scan3A_102 : i32 to index
          %swap3A_228 = arith.constant 32 : index
          %swap3A_229 = tpu.vector_load %arg16[%swap3A_227, %swap3A_228] {strides = array<i32>} : memref<256x48xi32, #tpu.memory_space<vmem>>, vector<1x16xi32>,
          %swap3A_230 = vector.shape_cast %swap3A_229 : vector<1x16xi32> to vector<16xi32>
          %swap3A_231 = vector.shape_cast %or3A_226 : vector<16xi32> to vector<1x16xi32>
          tpu.vector_store %arg16[%swap3A_227, %swap3A_228], %swap3A_231 {strides = array<i32>} : memref<256x48xi32, #tpu.memory_space<vmem>>, vector<1x16xi32>,
        }
        %scan3A_101 = arith.constant 128 : i32
        "tpu.region"() ({
          %run_scoped3A = tpu.sem_alloc : memref<!tpu.dma_semaphore, #tpu.memory_space<semaphore_mem>>
          %dma_start3A_102 = arith.constant 0 : i32
          %dma_start3A_103 = arith.constant 0 : i32
          %dma_start3A_104 = tpu.memref_slice %arg16[%dma_start3A_102, %dma_start3A_103] : memref<256x48xi32, #tpu.memory_space<vmem>> -> memref<128x48xi32, #tpu.memory_space<vmem>>
          %dma_start3A_105 = arith.constant 0 : i32
          %dma_start3A_106 = tpu.memref_slice %arg12[%multiple_of3A_95, %dma_start3A_105] : memref<10240x48xi32, #tpu.memory_space<hbm>> -> memref<128x48xi32, #tpu.memory_space<hbm>>
          %dma_start3A_107 = arith.constant 0 : i32
          %dma_start3A_108 = tpu.memref_slice %arg12[%multiple_of3A_95, %dma_start3A_107] : memref<10240x48xi32, #tpu.memory_space<hbm>> -> memref<128x48xi32, #tpu.memory_space<hbm>>
          %dma_start3A_109 = arith.constant 0 : i32
          %dma_start3A_110 = arith.constant 0 : i32
          %dma_start3A_111 = tpu.memref_slice %arg16[%dma_start3A_109, %dma_start3A_110] : memref<256x48xi32, #tpu.memory_space<vmem>> -> memref<128x48xi32, #tpu.memory_space<vmem>>
          tpu.enqueue_dma source(%dma_start3A_111 : memref<128x48xi32, #tpu.memory_space<vmem>>) target(%dma_start3A_108 : memref<128x48xi32, #tpu.memory_space<hbm>>) target_semaphore(%run_scoped3A : memref<!tpu.dma_semaphore, #tpu.memory_space<semaphore_mem>>)
          %dma_wait3A_112 = arith.constant 0 : i32
          %dma_wait3A_113 = arith.constant 0 : i32
          %dma_wait3A_114 = tpu.memref_slice %arg16[%dma_wait3A_112, %dma_wait3A_113] : memref<256x48xi32, #tpu.memory_space<vmem>> -> memref<128x48xi32, #tpu.memory_space<vmem>>
          %dma_wait3A_115 = arith.constant 0 : i32
          %dma_wait3A_116 = tpu.memref_slice %arg12[%multiple_of3A_95, %dma_wait3A_115] : memref<10240x48xi32, #tpu.memory_space<hbm>> -> memref<128x48xi32, #tpu.memory_space<hbm>>
          %dma_wait3A_117 = arith.constant 0 : i32
          %dma_wait3A_118 = tpu.memref_slice %arg12[%multiple_of3A_95, %dma_wait3A_117] : memref<10240x48xi32, #tpu.memory_space<hbm>> -> memref<128x48xi32, #tpu.memory_space<hbm>>
          %dma_wait3A_119 = arith.constant 0 : i32
          %dma_wait3A_120 = arith.constant 0 : i32
          %dma_wait3A_121 = tpu.memref_slice %arg16[%dma_wait3A_119, %dma_wait3A_120] : memref<256x48xi32, #tpu.memory_space<vmem>> -> memref<128x48xi32, #tpu.memory_space<vmem>>
          tpu.wait_dma2 semaphore(%run_scoped3A : memref<!tpu.dma_semaphore, #tpu.memory_space<semaphore_mem>>) src(%dma_wait3A_121 : memref<128x48xi32, #tpu.memory_space<vmem>>) dst(%dma_wait3A_118 : memref<128x48xi32, #tpu.memory_space<hbm>>)
          tpu.yield
        }) : () -> ()
      }
      %scan3A_49 = arith.constant 5 : i32
      %barrier3A_50 = arith.constant 0 : index
      tpu.barrier barrier_id(%barrier3A_50)
      %dma_start3A_51 = arith.constant 0 : i32
      %dma_start3A_52 = arith.constant 0 : i32
      %dma_start3A_53 = arith.constant 0 : i32
      %dma_start3A_54 = arith.constant 0 : i32
      %dma_start3A_55 = tpu.memref_slice %arg16[%dma_start3A_53, %dma_start3A_54] : memref<256x48xi32, #tpu.memory_space<vmem>> -> memref<128x48xi32, #tpu.memory_space<vmem>>
      %dma_start3A_56 = arith.constant 0 : i32
      %dma_start3A_57 = tpu.memref_slice %arg14[%dma_start3A_51, %dma_start3A_56] : memref<80x128xi32, #tpu.memory_space<vmem>> -> memref<1x128xi32, #tpu.memory_space<vmem>>
      %dma_start3A_58 = tpu.memref_squeeze %dma_start3A_57 : memref<1x128xi32, #tpu.memory_space<vmem>> -> memref<128xi32, #tpu.memory_space<vmem>>
      %dma_start3A_59 = arith.constant 0 : i32
      %dma_start3A_60 = arith.constant 0 : i32
      %dma_start3A_61 = tpu.memref_slice %arg12[%dma_start3A_59, %dma_start3A_60] : memref<10240x48xi32, #tpu.memory_space<hbm>> -> memref<10240x48xi32, #tpu.memory_space<hbm>>
      %dma_start3A_62 = tpu.memref_slice %arg18[%dma_start3A_52] : memref<2x!tpu.dma_semaphore, #tpu.memory_space<semaphore_mem>> -> memref<1x!tpu.dma_semaphore, #tpu.memory_space<semaphore_mem>>
      %dma_start3A_63 = tpu.memref_squeeze %dma_start3A_62 : memref<1x!tpu.dma_semaphore, #tpu.memory_space<semaphore_mem>> -> memref<!tpu.dma_semaphore, #tpu.memory_space<semaphore_mem>>
      tpu.enqueue_indirect_dma source(%dma_start3A_61 : memref<10240x48xi32, #tpu.memory_space<hbm>>) target(%dma_start3A_55 : memref<128x48xi32, #tpu.memory_space<vmem>>) offsets(%dma_start3A_58 : memref<128xi32, #tpu.memory_space<vmem>>) semaphore(%dma_start3A_63 : memref<!tpu.dma_semaphore, #tpu.memory_space<semaphore_mem>>)
      %scan3A_64 = arith.constant 0 : i32
      %scan3A_65 = arith.constant 0 : i32
      %scan3A_66 = arith.constant 40 : i32
      %scan3A_67 = arith.addi %scan3A_65, %scan3A_66 : i32
      %scan3A_68 = arith.constant 1 : i32
      scf.for %scan3A_90 = %scan3A_65 to %scan3A_67 step %scan3A_68  : i32 {
        %mul3A_91 = arith.constant 2 : i32
        %mul3A_92 = arith.muli %scan3A_90, %mul3A_91 : i32
        %add3A = arith.constant 0 : i32
        %add3A_93 = arith.addi %mul3A_92, %add3A : i32
        %dma_wait3A_94 = arith.constant 0 : i32
        %dma_wait3A_95 = arith.constant 0 : i32
        %dma_wait3A_96 = arith.constant 0 : i32
        %dma_wait3A_97 = tpu.memref_slice %arg16[%dma_wait3A_95, %dma_wait3A_96] : memref<256x48xi32, #tpu.memory_space<vmem>> -> memref<128x48xi32, #tpu.memory_space<vmem>>
        %dma_wait3A_98 = arith.constant 0 : i32
        %dma_wait3A_99 = tpu.memref_slice %arg14[%add3A_93, %dma_wait3A_98] : memref<80x128xi32, #tpu.memory_space<vmem>> -> memref<1x128xi32, #tpu.memory_space<vmem>>
        %dma_wait3A_100 = tpu.memref_squeeze %dma_wait3A_99 : memref<1x128xi32, #tpu.memory_space<vmem>> -> memref<128xi32, #tpu.memory_space<vmem>>
        %dma_wait3A_101 = arith.constant 0 : i32
        %dma_wait3A_102 = arith.constant 0 : i32
        %dma_wait3A_103 = tpu.memref_slice %arg12[%dma_wait3A_101, %dma_wait3A_102] : memref<10240x48xi32, #tpu.memory_space<hbm>> -> memref<10240x48xi32, #tpu.memory_space<hbm>>
        %dma_wait3A_104 = tpu.memref_slice %arg18[%dma_wait3A_94] : memref<2x!tpu.dma_semaphore, #tpu.memory_space<semaphore_mem>> -> memref<1x!tpu.dma_semaphore, #tpu.memory_space<semaphore_mem>>
        %dma_wait3A_105 = tpu.memref_squeeze %dma_wait3A_104 : memref<1x!tpu.dma_semaphore, #tpu.memory_space<semaphore_mem>> -> memref<!tpu.dma_semaphore, #tpu.memory_space<semaphore_mem>>
        tpu.wait_indirect_dma semaphore(%dma_wait3A_105 : memref<!tpu.dma_semaphore, #tpu.memory_space<semaphore_mem>>) src(%dma_wait3A_103 : memref<10240x48xi32, #tpu.memory_space<hbm>>) dst(%dma_wait3A_97 : memref<128x48xi32, #tpu.memory_space<vmem>>)
        %ge3A = arith.constant 1 : i32
        %ge3A_106 = arith.cmpi sge, %add3A_93, %ge3A : i32
        %convert_element_type3A_107 = arith.extui %ge3A_106 : i1 to i32
        %cond3A_108 = arith.constant 0 : i32
        %cond3A_109 = arith.cmpi ne, %convert_element_type3A_107, %cond3A_108 : i32
        scf.if %cond3A_109 {
          %sub3A = arith.constant 1 : i32
          %sub3A_180 = arith.subi %add3A_93, %sub3A : i32
          %dma_wait3A_181 = arith.constant 1 : i32
          %dma_wait3A_182 = arith.constant 128 : i32
          %dma_wait3A_183 = arith.constant 0 : i32
          %dma_wait3A_184 = tpu.memref_slice %arg17[%dma_wait3A_182, %dma_wait3A_183] : memref<256x96xf32, #tpu.memory_space<vmem>> -> memref<128x96xf32, #tpu.memory_space<vmem>>
          %dma_wait3A_185 = arith.constant 0 : i32
          %dma_wait3A_186 = tpu.memref_slice %arg15[%sub3A_180, %dma_wait3A_185] : memref<80x128xi32, #tpu.memory_space<vmem>> -> memref<1x128xi32, #tpu.memory_space<vmem>>
          %dma_wait3A_187 = tpu.memref_squeeze %dma_wait3A_186 : memref<1x128xi32, #tpu.memory_space<vmem>> -> memref<128xi32, #tpu.memory_space<vmem>>
          %dma_wait3A_188 = arith.constant 0 : i32
          %dma_wait3A_189 = arith.constant 0 : i32
          %dma_wait3A_190 = tpu.memref_slice %arg20[%dma_wait3A_188, %dma_wait3A_189] : memref<10240x96xf32, #tpu.memory_space<vmem_shared>> -> memref<10240x96xf32, #tpu.memory_space<vmem_shared>>
          %dma_wait3A_191 = tpu.memref_slice %arg19[%dma_wait3A_181] : memref<2x!tpu.dma_semaphore, #tpu.memory_space<semaphore_mem>> -> memref<1x!tpu.dma_semaphore, #tpu.memory_space<semaphore_mem>>
          %dma_wait3A_192 = tpu.memref_squeeze %dma_wait3A_191 : memref<1x!tpu.dma_semaphore, #tpu.memory_space<semaphore_mem>> -> memref<!tpu.dma_semaphore, #tpu.memory_space<semaphore_mem>>
          tpu.wait_indirect_dma semaphore(%dma_wait3A_192 : memref<!tpu.dma_semaphore, #tpu.memory_space<semaphore_mem>>) src(%dma_wait3A_184 : memref<128x96xf32, #tpu.memory_space<vmem>>) dst(%dma_wait3A_190 : memref<10240x96xf32, #tpu.memory_space<vmem_shared>>)
        } else {
        }
        %add3A_110 = arith.constant 1 : i32
        %add3A_111 = arith.addi %add3A_93, %add3A_110 : i32
        %lt3A = arith.constant 80 : i32
        %lt3A_112 = arith.cmpi slt, %add3A_111, %lt3A : i32
        %convert_element_type3A_113 = arith.extui %lt3A_112 : i1 to i32
        %cond3A_114 = arith.constant 0 : i32
        %cond3A_115 = arith.cmpi ne, %convert_element_type3A_113, %cond3A_114 : i32
        scf.if %cond3A_115 {
          %add3A_180 = arith.constant 1 : i32
          %add3A_181 = arith.addi %add3A_93, %add3A_180 : i32
          %dma_start3A_182 = arith.constant 1 : i32
          %dma_start3A_183 = arith.constant 128 : i32
          %dma_start3A_184 = arith.constant 0 : i32
          %dma_start3A_185 = tpu.memref_slice %arg16[%dma_start3A_183, %dma_start3A_184] : memref<256x48xi32, #tpu.memory_space<vmem>> -> memref<128x48xi32, #tpu.memory_space<vmem>>
          %dma_start3A_186 = arith.constant 0 : i32
          %dma_start3A_187 = tpu.memref_slice %arg14[%add3A_181, %dma_start3A_186] : memref<80x128xi32, #tpu.memory_space<vmem>> -> memref<1x128xi32, #tpu.memory_space<vmem>>
          %dma_start3A_188 = tpu.memref_squeeze %dma_start3A_187 : memref<1x128xi32, #tpu.memory_space<vmem>> -> memref<128xi32, #tpu.memory_space<vmem>>
          %dma_start3A_189 = arith.constant 0 : i32
          %dma_start3A_190 = arith.constant 0 : i32
          %dma_start3A_191 = tpu.memref_slice %arg12[%dma_start3A_189, %dma_start3A_190] : memref<10240x48xi32, #tpu.memory_space<hbm>> -> memref<10240x48xi32, #tpu.memory_space<hbm>>
          %dma_start3A_192 = tpu.memref_slice %arg18[%dma_start3A_182] : memref<2x!tpu.dma_semaphore, #tpu.memory_space<semaphore_mem>> -> memref<1x!tpu.dma_semaphore, #tpu.memory_space<semaphore_mem>>
          %dma_start3A_193 = tpu.memref_squeeze %dma_start3A_192 : memref<1x!tpu.dma_semaphore, #tpu.memory_space<semaphore_mem>> -> memref<!tpu.dma_semaphore, #tpu.memory_space<semaphore_mem>>
          tpu.enqueue_indirect_dma source(%dma_start3A_191 : memref<10240x48xi32, #tpu.memory_space<hbm>>) target(%dma_start3A_185 : memref<128x48xi32, #tpu.memory_space<vmem>>) offsets(%dma_start3A_188 : memref<128xi32, #tpu.memory_space<vmem>>) semaphore(%dma_start3A_193 : memref<!tpu.dma_semaphore, #tpu.memory_space<semaphore_mem>>)
        } else {
        }
        %scan3A_116 = arith.constant 0 : i32
        %scan3A_117 = arith.constant 0 : i32
        %scan3A_118 = arith.constant 128 : i32
        %scan3A_119 = arith.addi %scan3A_117, %scan3A_118 : i32
        %scan3A_120 = arith.constant 1 : i32
        scf.for %scan3A_180 = %scan3A_117 to %scan3A_119 step %scan3A_120  : i32 {
          %add3A_181 = arith.constant 0 : i32
          %add3A_182 = arith.addi %add3A_181, %scan3A_180 : i32
          %get3A = arith.index_cast %add3A_182 : i32 to index
          %get3A_183 = arith.constant 0 : index
          %get3A_184 = tpu.vector_load %arg16[%get3A, %get3A_183] {strides = array<i32>} : memref<256x48xi32, #tpu.memory_space<vmem>>, vector<1x16xi32>,
          %get3A_185 = vector.shape_cast %get3A_184 : vector<1x16xi32> to vector<16xi32>
          %shift_left3A = arith.constant 16 : i32
          %shift_left3A_186 = vector.broadcast %shift_left3A : i32 to vector<16xi32>
          %shift_left3A_187 = arith.shli %get3A_185, %shift_left3A_186 : vector<16xi32>
          %bitcast_convert_type3A = tpu.bitcast %shift_left3A_187 : vector<16xi32> -> vector<16xf32>
          %and3A = arith.constant -65536 : i32
          %and3A_188 = vector.broadcast %and3A : i32 to vector<16xi32>
          %and3A_189 = arith.andi %get3A_185, %and3A_188 : vector<16xi32>
          %bitcast_convert_type3A_190 = tpu.bitcast %and3A_189 : vector<16xi32> -> vector<16xf32>
          %add3A_191 = arith.constant 0 : i32
          %add3A_192 = arith.addi %add3A_191, %scan3A_180 : i32
          %swap3A = arith.index_cast %add3A_192 : i32 to index
          %swap3A_193 = arith.constant 0 : index
          %swap3A_194 = tpu.vector_load %arg17[%swap3A, %swap3A_193] {strides = array<i32>} : memref<256x96xf32, #tpu.memory_space<vmem>>, vector<1x16xf32>,
          %swap3A_195 = vector.shape_cast %swap3A_194 : vector<1x16xf32> to vector<16xf32>
          %swap3A_196 = vector.shape_cast %bitcast_convert_type3A : vector<16xf32> to vector<1x16xf32>
          tpu.vector_store %arg17[%swap3A, %swap3A_193], %swap3A_196 {strides = array<i32>} : memref<256x96xf32, #tpu.memory_space<vmem>>, vector<1x16xf32>,
          %add3A_197 = arith.constant 0 : i32
          %add3A_198 = arith.addi %add3A_197, %scan3A_180 : i32
          %swap3A_199 = arith.index_cast %add3A_198 : i32 to index
          %swap3A_200 = arith.constant 48 : index
          %swap3A_201 = tpu.vector_load %arg17[%swap3A_199, %swap3A_200] {strides = array<i32>} : memref<256x96xf32, #tpu.memory_space<vmem>>, vector<1x16xf32>,
          %swap3A_202 = vector.shape_cast %swap3A_201 : vector<1x16xf32> to vector<16xf32>
          %swap3A_203 = vector.shape_cast %bitcast_convert_type3A_190 : vector<16xf32> to vector<1x16xf32>
          tpu.vector_store %arg17[%swap3A_199, %swap3A_200], %swap3A_203 {strides = array<i32>} : memref<256x96xf32, #tpu.memory_space<vmem>>, vector<1x16xf32>,
          %add3A_204 = arith.constant 0 : i32
          %add3A_205 = arith.addi %add3A_204, %scan3A_180 : i32
          %get3A_206 = arith.index_cast %add3A_205 : i32 to index
          %get3A_207 = arith.constant 16 : index
          %get3A_208 = tpu.vector_load %arg16[%get3A_206, %get3A_207] {strides = array<i32>} : memref<256x48xi32, #tpu.memory_space<vmem>>, vector<1x16xi32>,
          %get3A_209 = vector.shape_cast %get3A_208 : vector<1x16xi32> to vector<16xi32>
          %shift_left3A_210 = arith.constant 16 : i32
          %shift_left3A_211 = vector.broadcast %shift_left3A_210 : i32 to vector<16xi32>
          %shift_left3A_212 = arith.shli %get3A_209, %shift_left3A_211 : vector<16xi32>
          %bitcast_convert_type3A_213 = tpu.bitcast %shift_left3A_212 : vector<16xi32> -> vector<16xf32>
          %and3A_214 = arith.constant -65536 : i32
          %and3A_215 = vector.broadcast %and3A_214 : i32 to vector<16xi32>
          %and3A_216 = arith.andi %get3A_209, %and3A_215 : vector<16xi32>
          %bitcast_convert_type3A_217 = tpu.bitcast %and3A_216 : vector<16xi32> -> vector<16xf32>
          %add3A_218 = arith.constant 0 : i32
          %add3A_219 = arith.addi %add3A_218, %scan3A_180 : i32
          %swap3A_220 = arith.index_cast %add3A_219 : i32 to index
          %swap3A_221 = arith.constant 16 : index
          %swap3A_222 = tpu.vector_load %arg17[%swap3A_220, %swap3A_221] {strides = array<i32>} : memref<256x96xf32, #tpu.memory_space<vmem>>, vector<1x16xf32>,
          %swap3A_223 = vector.shape_cast %swap3A_222 : vector<1x16xf32> to vector<16xf32>
          %swap3A_224 = vector.shape_cast %bitcast_convert_type3A_213 : vector<16xf32> to vector<1x16xf32>
          tpu.vector_store %arg17[%swap3A_220, %swap3A_221], %swap3A_224 {strides = array<i32>} : memref<256x96xf32, #tpu.memory_space<vmem>>, vector<1x16xf32>,
          %add3A_225 = arith.constant 0 : i32
          %add3A_226 = arith.addi %add3A_225, %scan3A_180 : i32
          %swap3A_227 = arith.index_cast %add3A_226 : i32 to index
          %swap3A_228 = arith.constant 64 : index
          %swap3A_229 = tpu.vector_load %arg17[%swap3A_227, %swap3A_228] {strides = array<i32>} : memref<256x96xf32, #tpu.memory_space<vmem>>, vector<1x16xf32>,
          %swap3A_230 = vector.shape_cast %swap3A_229 : vector<1x16xf32> to vector<16xf32>
          %swap3A_231 = vector.shape_cast %bitcast_convert_type3A_217 : vector<16xf32> to vector<1x16xf32>
          tpu.vector_store %arg17[%swap3A_227, %swap3A_228], %swap3A_231 {strides = array<i32>} : memref<256x96xf32, #tpu.memory_space<vmem>>, vector<1x16xf32>,
          %add3A_232 = arith.constant 0 : i32
          %add3A_233 = arith.addi %add3A_232, %scan3A_180 : i32
          %get3A_234 = arith.index_cast %add3A_233 : i32 to index
          %get3A_235 = arith.constant 32 : index
          %get3A_236 = tpu.vector_load %arg16[%get3A_234, %get3A_235] {strides = array<i32>} : memref<256x48xi32, #tpu.memory_space<vmem>>, vector<1x16xi32>,
          %get3A_237 = vector.shape_cast %get3A_236 : vector<1x16xi32> to vector<16xi32>
          %shift_left3A_238 = arith.constant 16 : i32
          %shift_left3A_239 = vector.broadcast %shift_left3A_238 : i32 to vector<16xi32>
          %shift_left3A_240 = arith.shli %get3A_237, %shift_left3A_239 : vector<16xi32>
          %bitcast_convert_type3A_241 = tpu.bitcast %shift_left3A_240 : vector<16xi32> -> vector<16xf32>
          %and3A_242 = arith.constant -65536 : i32
          %and3A_243 = vector.broadcast %and3A_242 : i32 to vector<16xi32>
          %and3A_244 = arith.andi %get3A_237, %and3A_243 : vector<16xi32>
          %bitcast_convert_type3A_245 = tpu.bitcast %and3A_244 : vector<16xi32> -> vector<16xf32>
          %add3A_246 = arith.constant 0 : i32
          %add3A_247 = arith.addi %add3A_246, %scan3A_180 : i32
          %swap3A_248 = arith.index_cast %add3A_247 : i32 to index
          %swap3A_249 = arith.constant 32 : index
          %swap3A_250 = tpu.vector_load %arg17[%swap3A_248, %swap3A_249] {strides = array<i32>} : memref<256x96xf32, #tpu.memory_space<vmem>>, vector<1x16xf32>,
          %swap3A_251 = vector.shape_cast %swap3A_250 : vector<1x16xf32> to vector<16xf32>
          %swap3A_252 = vector.shape_cast %bitcast_convert_type3A_241 : vector<16xf32> to vector<1x16xf32>
          tpu.vector_store %arg17[%swap3A_248, %swap3A_249], %swap3A_252 {strides = array<i32>} : memref<256x96xf32, #tpu.memory_space<vmem>>, vector<1x16xf32>,
          %add3A_253 = arith.constant 0 : i32
          %add3A_254 = arith.addi %add3A_253, %scan3A_180 : i32
          %swap3A_255 = arith.index_cast %add3A_254 : i32 to index
          %swap3A_256 = arith.constant 80 : index
          %swap3A_257 = tpu.vector_load %arg17[%swap3A_255, %swap3A_256] {strides = array<i32>} : memref<256x96xf32, #tpu.memory_space<vmem>>, vector<1x16xf32>,
          %swap3A_258 = vector.shape_cast %swap3A_257 : vector<1x16xf32> to vector<16xf32>
          %swap3A_259 = vector.shape_cast %bitcast_convert_type3A_245 : vector<16xf32> to vector<1x16xf32>
          tpu.vector_store %arg17[%swap3A_255, %swap3A_256], %swap3A_259 {strides = array<i32>} : memref<256x96xf32, #tpu.memory_space<vmem>>, vector<1x16xf32>,
        }
        %scan3A_121 = arith.constant 128 : i32
        %dma_start3A_122 = arith.constant 0 : i32
        %dma_start3A_123 = arith.constant 0 : i32
        %dma_start3A_124 = arith.constant 0 : i32
        %dma_start3A_125 = tpu.memref_slice %arg17[%dma_start3A_123, %dma_start3A_124] : memref<256x96xf32, #tpu.memory_space<vmem>> -> memref<128x96xf32, #tpu.memory_space<vmem>>
        %dma_start3A_126 = arith.constant 0 : i32
        %dma_start3A_127 = tpu.memref_slice %arg15[%add3A_93, %dma_start3A_126] : memref<80x128xi32, #tpu.memory_space<vmem>> -> memref<1x128xi32, #tpu.memory_space<vmem>>
        %dma_start3A_128 = tpu.memref_squeeze %dma_start3A_127 : memref<1x128xi32, #tpu.memory_space<vmem>> -> memref<128xi32, #tpu.memory_space<vmem>>
        %dma_start3A_129 = arith.constant 0 : i32
        %dma_start3A_130 = arith.constant 0 : i32
        %dma_start3A_131 = tpu.memref_slice %arg20[%dma_start3A_129, %dma_start3A_130] : memref<10240x96xf32, #tpu.memory_space<vmem_shared>> -> memref<10240x96xf32, #tpu.memory_space<vmem_shared>>
        %dma_start3A_132 = tpu.memref_slice %arg19[%dma_start3A_122] : memref<2x!tpu.dma_semaphore, #tpu.memory_space<semaphore_mem>> -> memref<1x!tpu.dma_semaphore, #tpu.memory_space<semaphore_mem>>
        %dma_start3A_133 = tpu.memref_squeeze %dma_start3A_132 : memref<1x!tpu.dma_semaphore, #tpu.memory_space<semaphore_mem>> -> memref<!tpu.dma_semaphore, #tpu.memory_space<semaphore_mem>>
        tpu.enqueue_indirect_dma source(%dma_start3A_125 : memref<128x96xf32, #tpu.memory_space<vmem>>) target(%dma_start3A_131 : memref<10240x96xf32, #tpu.memory_space<vmem_shared>>) offsets(%dma_start3A_128 : memref<128xi32, #tpu.memory_space<vmem>>) semaphore(%dma_start3A_133 : memref<!tpu.dma_semaphore, #tpu.memory_space<semaphore_mem>>) {add = true}
        %mul3A_134 = arith.constant 2 : i32
        %mul3A_135 = arith.muli %scan3A_90, %mul3A_134 : i32
        %add3A_136 = arith.constant 1 : i32
        %add3A_137 = arith.addi %mul3A_135, %add3A_136 : i32
        %dma_wait3A_138 = arith.constant 1 : i32
        %dma_wait3A_139 = arith.constant 128 : i32
        %dma_wait3A_140 = arith.constant 0 : i32
        %dma_wait3A_141 = tpu.memref_slice %arg16[%dma_wait3A_139, %dma_wait3A_140] : memref<256x48xi32, #tpu.memory_space<vmem>> -> memref<128x48xi32, #tpu.memory_space<vmem>>
        %dma_wait3A_142 = arith.constant 0 : i32
        %dma_wait3A_143 = tpu.memref_slice %arg14[%add3A_137, %dma_wait3A_142] : memref<80x128xi32, #tpu.memory_space<vmem>> -> memref<1x128xi32, #tpu.memory_space<vmem>>
        %dma_wait3A_144 = tpu.memref_squeeze %dma_wait3A_143 : memref<1x128xi32, #tpu.memory_space<vmem>> -> memref<128xi32, #tpu.memory_space<vmem>>
        %dma_wait3A_145 = arith.constant 0 : i32
        %dma_wait3A_146 = arith.constant 0 : i32
        %dma_wait3A_147 = tpu.memref_slice %arg12[%dma_wait3A_145, %dma_wait3A_146] : memref<10240x48xi32, #tpu.memory_space<hbm>> -> memref<10240x48xi32, #tpu.memory_space<hbm>>
        %dma_wait3A_148 = tpu.memref_slice %arg18[%dma_wait3A_138] : memref<2x!tpu.dma_semaphore, #tpu.memory_space<semaphore_mem>> -> memref<1x!tpu.dma_semaphore, #tpu.memory_space<semaphore_mem>>
        %dma_wait3A_149 = tpu.memref_squeeze %dma_wait3A_148 : memref<1x!tpu.dma_semaphore, #tpu.memory_space<semaphore_mem>> -> memref<!tpu.dma_semaphore, #tpu.memory_space<semaphore_mem>>
        tpu.wait_indirect_dma semaphore(%dma_wait3A_149 : memref<!tpu.dma_semaphore, #tpu.memory_space<semaphore_mem>>) src(%dma_wait3A_147 : memref<10240x48xi32, #tpu.memory_space<hbm>>) dst(%dma_wait3A_141 : memref<128x48xi32, #tpu.memory_space<vmem>>)
        %ge3A_150 = arith.constant 1 : i32
        %ge3A_151 = arith.cmpi sge, %add3A_137, %ge3A_150 : i32
        %convert_element_type3A_152 = arith.extui %ge3A_151 : i1 to i32
        %cond3A_153 = arith.constant 0 : i32
        %cond3A_154 = arith.cmpi ne, %convert_element_type3A_152, %cond3A_153 : i32
        scf.if %cond3A_154 {
          %sub3A = arith.constant 1 : i32
          %sub3A_180 = arith.subi %add3A_137, %sub3A : i32
          %dma_wait3A_181 = arith.constant 0 : i32
          %dma_wait3A_182 = arith.constant 0 : i32
          %dma_wait3A_183 = arith.constant 0 : i32
          %dma_wait3A_184 = tpu.memref_slice %arg17[%dma_wait3A_182, %dma_wait3A_183] : memref<256x96xf32, #tpu.memory_space<vmem>> -> memref<128x96xf32, #tpu.memory_space<vmem>>
          %dma_wait3A_185 = arith.constant 0 : i32
          %dma_wait3A_186 = tpu.memref_slice %arg15[%sub3A_180, %dma_wait3A_185] : memref<80x128xi32, #tpu.memory_space<vmem>> -> memref<1x128xi32, #tpu.memory_space<vmem>>
          %dma_wait3A_187 = tpu.memref_squeeze %dma_wait3A_186 : memref<1x128xi32, #tpu.memory_space<vmem>> -> memref<128xi32, #tpu.memory_space<vmem>>
          %dma_wait3A_188 = arith.constant 0 : i32
          %dma_wait3A_189 = arith.constant 0 : i32
          %dma_wait3A_190 = tpu.memref_slice %arg20[%dma_wait3A_188, %dma_wait3A_189] : memref<10240x96xf32, #tpu.memory_space<vmem_shared>> -> memref<10240x96xf32, #tpu.memory_space<vmem_shared>>
          %dma_wait3A_191 = tpu.memref_slice %arg19[%dma_wait3A_181] : memref<2x!tpu.dma_semaphore, #tpu.memory_space<semaphore_mem>> -> memref<1x!tpu.dma_semaphore, #tpu.memory_space<semaphore_mem>>
          %dma_wait3A_192 = tpu.memref_squeeze %dma_wait3A_191 : memref<1x!tpu.dma_semaphore, #tpu.memory_space<semaphore_mem>> -> memref<!tpu.dma_semaphore, #tpu.memory_space<semaphore_mem>>
          tpu.wait_indirect_dma semaphore(%dma_wait3A_192 : memref<!tpu.dma_semaphore, #tpu.memory_space<semaphore_mem>>) src(%dma_wait3A_184 : memref<128x96xf32, #tpu.memory_space<vmem>>) dst(%dma_wait3A_190 : memref<10240x96xf32, #tpu.memory_space<vmem_shared>>)
        } else {
        }
        %add3A_155 = arith.constant 1 : i32
        %add3A_156 = arith.addi %add3A_137, %add3A_155 : i32
        %lt3A_157 = arith.constant 80 : i32
        %lt3A_158 = arith.cmpi slt, %add3A_156, %lt3A_157 : i32
        %convert_element_type3A_159 = arith.extui %lt3A_158 : i1 to i32
        %cond3A_160 = arith.constant 0 : i32
        %cond3A_161 = arith.cmpi ne, %convert_element_type3A_159, %cond3A_160 : i32
        scf.if %cond3A_161 {
          %add3A_180 = arith.constant 1 : i32
          %add3A_181 = arith.addi %add3A_137, %add3A_180 : i32
          %dma_start3A_182 = arith.constant 0 : i32
          %dma_start3A_183 = arith.constant 0 : i32
          %dma_start3A_184 = arith.constant 0 : i32
          %dma_start3A_185 = tpu.memref_slice %arg16[%dma_start3A_183, %dma_start3A_184] : memref<256x48xi32, #tpu.memory_space<vmem>> -> memref<128x48xi32, #tpu.memory_space<vmem>>
          %dma_start3A_186 = arith.constant 0 : i32
          %dma_start3A_187 = tpu.memref_slice %arg14[%add3A_181, %dma_start3A_186] : memref<80x128xi32, #tpu.memory_space<vmem>> -> memref<1x128xi32, #tpu.memory_space<vmem>>
          %dma_start3A_188 = tpu.memref_squeeze %dma_start3A_187 : memref<1x128xi32, #tpu.memory_space<vmem>> -> memref<128xi32, #tpu.memory_space<vmem>>
          %dma_start3A_189 = arith.constant 0 : i32
          %dma_start3A_190 = arith.constant 0 : i32
          %dma_start3A_191 = tpu.memref_slice %arg12[%dma_start3A_189, %dma_start3A_190] : memref<10240x48xi32, #tpu.memory_space<hbm>> -> memref<10240x48xi32, #tpu.memory_space<hbm>>
          %dma_start3A_192 = tpu.memref_slice %arg18[%dma_start3A_182] : memref<2x!tpu.dma_semaphore, #tpu.memory_space<semaphore_mem>> -> memref<1x!tpu.dma_semaphore, #tpu.memory_space<semaphore_mem>>
          %dma_start3A_193 = tpu.memref_squeeze %dma_start3A_192 : memref<1x!tpu.dma_semaphore, #tpu.memory_space<semaphore_mem>> -> memref<!tpu.dma_semaphore, #tpu.memory_space<semaphore_mem>>
          tpu.enqueue_indirect_dma source(%dma_start3A_191 : memref<10240x48xi32, #tpu.memory_space<hbm>>) target(%dma_start3A_185 : memref<128x48xi32, #tpu.memory_space<vmem>>) offsets(%dma_start3A_188 : memref<128xi32, #tpu.memory_space<vmem>>) semaphore(%dma_start3A_193 : memref<!tpu.dma_semaphore, #tpu.memory_space<semaphore_mem>>)
        } else {
        }
        %scan3A_162 = arith.constant 0 : i32
        %scan3A_163 = arith.constant 0 : i32
        %scan3A_164 = arith.constant 128 : i32
        %scan3A_165 = arith.addi %scan3A_163, %scan3A_164 : i32
        %scan3A_166 = arith.constant 1 : i32
        scf.for %scan3A_180 = %scan3A_163 to %scan3A_165 step %scan3A_166  : i32 {
          %add3A_181 = arith.constant 128 : i32
          %add3A_182 = arith.addi %add3A_181, %scan3A_180 : i32
          %get3A = arith.index_cast %add3A_182 : i32 to index
          %get3A_183 = arith.constant 0 : index
          %get3A_184 = tpu.vector_load %arg16[%get3A, %get3A_183] {strides = array<i32>} : memref<256x48xi32, #tpu.memory_space<vmem>>, vector<1x16xi32>,
          %get3A_185 = vector.shape_cast %get3A_184 : vector<1x16xi32> to vector<16xi32>
          %shift_left3A = arith.constant 16 : i32
          %shift_left3A_186 = vector.broadcast %shift_left3A : i32 to vector<16xi32>
          %shift_left3A_187 = arith.shli %get3A_185, %shift_left3A_186 : vector<16xi32>
          %bitcast_convert_type3A = tpu.bitcast %shift_left3A_187 : vector<16xi32> -> vector<16xf32>
          %and3A = arith.constant -65536 : i32
          %and3A_188 = vector.broadcast %and3A : i32 to vector<16xi32>
          %and3A_189 = arith.andi %get3A_185, %and3A_188 : vector<16xi32>
          %bitcast_convert_type3A_190 = tpu.bitcast %and3A_189 : vector<16xi32> -> vector<16xf32>
          %add3A_191 = arith.constant 128 : i32
          %add3A_192 = arith.addi %add3A_191, %scan3A_180 : i32
          %swap3A = arith.index_cast %add3A_192 : i32 to index
          %swap3A_193 = arith.constant 0 : index
          %swap3A_194 = tpu.vector_load %arg17[%swap3A, %swap3A_193] {strides = array<i32>} : memref<256x96xf32, #tpu.memory_space<vmem>>, vector<1x16xf32>,
          %swap3A_195 = vector.shape_cast %swap3A_194 : vector<1x16xf32> to vector<16xf32>
          %swap3A_196 = vector.shape_cast %bitcast_convert_type3A : vector<16xf32> to vector<1x16xf32>
          tpu.vector_store %arg17[%swap3A, %swap3A_193], %swap3A_196 {strides = array<i32>} : memref<256x96xf32, #tpu.memory_space<vmem>>, vector<1x16xf32>,
          %add3A_197 = arith.constant 128 : i32
          %add3A_198 = arith.addi %add3A_197, %scan3A_180 : i32
          %swap3A_199 = arith.index_cast %add3A_198 : i32 to index
          %swap3A_200 = arith.constant 48 : index
          %swap3A_201 = tpu.vector_load %arg17[%swap3A_199, %swap3A_200] {strides = array<i32>} : memref<256x96xf32, #tpu.memory_space<vmem>>, vector<1x16xf32>,
          %swap3A_202 = vector.shape_cast %swap3A_201 : vector<1x16xf32> to vector<16xf32>
          %swap3A_203 = vector.shape_cast %bitcast_convert_type3A_190 : vector<16xf32> to vector<1x16xf32>
          tpu.vector_store %arg17[%swap3A_199, %swap3A_200], %swap3A_203 {strides = array<i32>} : memref<256x96xf32, #tpu.memory_space<vmem>>, vector<1x16xf32>,
          %add3A_204 = arith.constant 128 : i32
          %add3A_205 = arith.addi %add3A_204, %scan3A_180 : i32
          %get3A_206 = arith.index_cast %add3A_205 : i32 to index
          %get3A_207 = arith.constant 16 : index
          %get3A_208 = tpu.vector_load %arg16[%get3A_206, %get3A_207] {strides = array<i32>} : memref<256x48xi32, #tpu.memory_space<vmem>>, vector<1x16xi32>,
          %get3A_209 = vector.shape_cast %get3A_208 : vector<1x16xi32> to vector<16xi32>
          %shift_left3A_210 = arith.constant 16 : i32
          %shift_left3A_211 = vector.broadcast %shift_left3A_210 : i32 to vector<16xi32>
          %shift_left3A_212 = arith.shli %get3A_209, %shift_left3A_211 : vector<16xi32>
          %bitcast_convert_type3A_213 = tpu.bitcast %shift_left3A_212 : vector<16xi32> -> vector<16xf32>
          %and3A_214 = arith.constant -65536 : i32
          %and3A_215 = vector.broadcast %and3A_214 : i32 to vector<16xi32>
          %and3A_216 = arith.andi %get3A_209, %and3A_215 : vector<16xi32>
          %bitcast_convert_type3A_217 = tpu.bitcast %and3A_216 : vector<16xi32> -> vector<16xf32>
          %add3A_218 = arith.constant 128 : i32
          %add3A_219 = arith.addi %add3A_218, %scan3A_180 : i32
          %swap3A_220 = arith.index_cast %add3A_219 : i32 to index
          %swap3A_221 = arith.constant 16 : index
          %swap3A_222 = tpu.vector_load %arg17[%swap3A_220, %swap3A_221] {strides = array<i32>} : memref<256x96xf32, #tpu.memory_space<vmem>>, vector<1x16xf32>,
          %swap3A_223 = vector.shape_cast %swap3A_222 : vector<1x16xf32> to vector<16xf32>
          %swap3A_224 = vector.shape_cast %bitcast_convert_type3A_213 : vector<16xf32> to vector<1x16xf32>
          tpu.vector_store %arg17[%swap3A_220, %swap3A_221], %swap3A_224 {strides = array<i32>} : memref<256x96xf32, #tpu.memory_space<vmem>>, vector<1x16xf32>,
          %add3A_225 = arith.constant 128 : i32
          %add3A_226 = arith.addi %add3A_225, %scan3A_180 : i32
          %swap3A_227 = arith.index_cast %add3A_226 : i32 to index
          %swap3A_228 = arith.constant 64 : index
          %swap3A_229 = tpu.vector_load %arg17[%swap3A_227, %swap3A_228] {strides = array<i32>} : memref<256x96xf32, #tpu.memory_space<vmem>>, vector<1x16xf32>,
          %swap3A_230 = vector.shape_cast %swap3A_229 : vector<1x16xf32> to vector<16xf32>
          %swap3A_231 = vector.shape_cast %bitcast_convert_type3A_217 : vector<16xf32> to vector<1x16xf32>
          tpu.vector_store %arg17[%swap3A_227, %swap3A_228], %swap3A_231 {strides = array<i32>} : memref<256x96xf32, #tpu.memory_space<vmem>>, vector<1x16xf32>,
          %add3A_232 = arith.constant 128 : i32
          %add3A_233 = arith.addi %add3A_232, %scan3A_180 : i32
          %get3A_234 = arith.index_cast %add3A_233 : i32 to index
          %get3A_235 = arith.constant 32 : index
          %get3A_236 = tpu.vector_load %arg16[%get3A_234, %get3A_235] {strides = array<i32>} : memref<256x48xi32, #tpu.memory_space<vmem>>, vector<1x16xi32>,
          %get3A_237 = vector.shape_cast %get3A_236 : vector<1x16xi32> to vector<16xi32>
          %shift_left3A_238 = arith.constant 16 : i32
          %shift_left3A_239 = vector.broadcast %shift_left3A_238 : i32 to vector<16xi32>
          %shift_left3A_240 = arith.shli %get3A_237, %shift_left3A_239 : vector<16xi32>
          %bitcast_convert_type3A_241 = tpu.bitcast %shift_left3A_240 : vector<16xi32> -> vector<16xf32>
          %and3A_242 = arith.constant -65536 : i32
          %and3A_243 = vector.broadcast %and3A_242 : i32 to vector<16xi32>
          %and3A_244 = arith.andi %get3A_237, %and3A_243 : vector<16xi32>
          %bitcast_convert_type3A_245 = tpu.bitcast %and3A_244 : vector<16xi32> -> vector<16xf32>
          %add3A_246 = arith.constant 128 : i32
          %add3A_247 = arith.addi %add3A_246, %scan3A_180 : i32
          %swap3A_248 = arith.index_cast %add3A_247 : i32 to index
          %swap3A_249 = arith.constant 32 : index
          %swap3A_250 = tpu.vector_load %arg17[%swap3A_248, %swap3A_249] {strides = array<i32>} : memref<256x96xf32, #tpu.memory_space<vmem>>, vector<1x16xf32>,
          %swap3A_251 = vector.shape_cast %swap3A_250 : vector<1x16xf32> to vector<16xf32>
          %swap3A_252 = vector.shape_cast %bitcast_convert_type3A_241 : vector<16xf32> to vector<1x16xf32>
          tpu.vector_store %arg17[%swap3A_248, %swap3A_249], %swap3A_252 {strides = array<i32>} : memref<256x96xf32, #tpu.memory_space<vmem>>, vector<1x16xf32>,
          %add3A_253 = arith.constant 128 : i32
          %add3A_254 = arith.addi %add3A_253, %scan3A_180 : i32
          %swap3A_255 = arith.index_cast %add3A_254 : i32 to index
          %swap3A_256 = arith.constant 80 : index
          %swap3A_257 = tpu.vector_load %arg17[%swap3A_255, %swap3A_256] {strides = array<i32>} : memref<256x96xf32, #tpu.memory_space<vmem>>, vector<1x16xf32>,
          %swap3A_258 = vector.shape_cast %swap3A_257 : vector<1x16xf32> to vector<16xf32>
          %swap3A_259 = vector.shape_cast %bitcast_convert_type3A_245 : vector<16xf32> to vector<1x16xf32>
          tpu.vector_store %arg17[%swap3A_255, %swap3A_256], %swap3A_259 {strides = array<i32>} : memref<256x96xf32, #tpu.memory_space<vmem>>, vector<1x16xf32>,
        }
        %scan3A_167 = arith.constant 128 : i32
        %dma_start3A_168 = arith.constant 1 : i32
        %dma_start3A_169 = arith.constant 128 : i32
        %dma_start3A_170 = arith.constant 0 : i32
        %dma_start3A_171 = tpu.memref_slice %arg17[%dma_start3A_169, %dma_start3A_170] : memref<256x96xf32, #tpu.memory_space<vmem>> -> memref<128x96xf32, #tpu.memory_space<vmem>>
        %dma_start3A_172 = arith.constant 0 : i32
        %dma_start3A_173 = tpu.memref_slice %arg15[%add3A_137, %dma_start3A_172] : memref<80x128xi32, #tpu.memory_space<vmem>> -> memref<1x128xi32, #tpu.memory_space<vmem>>
        %dma_start3A_174 = tpu.memref_squeeze %dma_start3A_173 : memref<1x128xi32, #tpu.memory_space<vmem>> -> memref<128xi32, #tpu.memory_space<vmem>>
        %dma_start3A_175 = arith.constant 0 : i32
        %dma_start3A_176 = arith.constant 0 : i32
        %dma_start3A_177 = tpu.memref_slice %arg20[%dma_start3A_175, %dma_start3A_176] : memref<10240x96xf32, #tpu.memory_space<vmem_shared>> -> memref<10240x96xf32, #tpu.memory_space<vmem_shared>>
        %dma_start3A_178 = tpu.memref_slice %arg19[%dma_start3A_168] : memref<2x!tpu.dma_semaphore, #tpu.memory_space<semaphore_mem>> -> memref<1x!tpu.dma_semaphore, #tpu.memory_space<semaphore_mem>>
        %dma_start3A_179 = tpu.memref_squeeze %dma_start3A_178 : memref<1x!tpu.dma_semaphore, #tpu.memory_space<semaphore_mem>> -> memref<!tpu.dma_semaphore, #tpu.memory_space<semaphore_mem>>
        tpu.enqueue_indirect_dma source(%dma_start3A_171 : memref<128x96xf32, #tpu.memory_space<vmem>>) target(%dma_start3A_177 : memref<10240x96xf32, #tpu.memory_space<vmem_shared>>) offsets(%dma_start3A_174 : memref<128xi32, #tpu.memory_space<vmem>>) semaphore(%dma_start3A_179 : memref<!tpu.dma_semaphore, #tpu.memory_space<semaphore_mem>>) {add = true}
      }
      %scan3A_69 = arith.constant 40 : i32
      %dma_wait3A_70 = arith.constant 79 : i32
      %dma_wait3A_71 = arith.constant 1 : i32
      %dma_wait3A_72 = arith.constant 128 : i32
      %dma_wait3A_73 = arith.constant 0 : i32
      %dma_wait3A_74 = tpu.memref_slice %arg17[%dma_wait3A_72, %dma_wait3A_73] : memref<256x96xf32, #tpu.memory_space<vmem>> -> memref<128x96xf32, #tpu.memory_space<vmem>>
      %dma_wait3A_75 = arith.constant 0 : i32
      %dma_wait3A_76 = tpu.memref_slice %arg15[%dma_wait3A_70, %dma_wait3A_75] : memref<80x128xi32, #tpu.memory_space<vmem>> -> memref<1x128xi32, #tpu.memory_space<vmem>>
      %dma_wait3A_77 = tpu.memref_squeeze %dma_wait3A_76 : memref<1x128xi32, #tpu.memory_space<vmem>> -> memref<128xi32, #tpu.memory_space<vmem>>
      %dma_wait3A_78 = arith.constant 0 : i32
      %dma_wait3A_79 = arith.constant 0 : i32
      %dma_wait3A_80 = tpu.memref_slice %arg20[%dma_wait3A_78, %dma_wait3A_79] : memref<10240x96xf32, #tpu.memory_space<vmem_shared>> -> memref<10240x96xf32, #tpu.memory_space<vmem_shared>>
      %dma_wait3A_81 = tpu.memref_slice %arg19[%dma_wait3A_71] : memref<2x!tpu.dma_semaphore, #tpu.memory_space<semaphore_mem>> -> memref<1x!tpu.dma_semaphore, #tpu.memory_space<semaphore_mem>>
      %dma_wait3A_82 = tpu.memref_squeeze %dma_wait3A_81 : memref<1x!tpu.dma_semaphore, #tpu.memory_space<semaphore_mem>> -> memref<!tpu.dma_semaphore, #tpu.memory_space<semaphore_mem>>
      tpu.wait_indirect_dma semaphore(%dma_wait3A_82 : memref<!tpu.dma_semaphore, #tpu.memory_space<semaphore_mem>>) src(%dma_wait3A_74 : memref<128x96xf32, #tpu.memory_space<vmem>>) dst(%dma_wait3A_80 : memref<10240x96xf32, #tpu.memory_space<vmem_shared>>)
      %barrier3A_83 = arith.constant 0 : index
      tpu.barrier barrier_id(%barrier3A_83)
      %scan3A_84 = arith.constant 0 : i32
      %scan3A_85 = arith.constant 0 : i32
      %scan3A_86 = arith.constant 5 : i32
      %scan3A_87 = arith.addi %scan3A_85, %scan3A_86 : i32
      %scan3A_88 = arith.constant 1 : i32
      scf.for %scan3A_90 = %scan3A_85 to %scan3A_87 step %scan3A_88  : i32 {
        %mul3A_91 = arith.constant 640 : i32
        %mul3A_92 = arith.muli %arg1, %mul3A_91 : i32
        %mul3A_93 = arith.constant 128 : i32
        %mul3A_94 = arith.muli %scan3A_90, %mul3A_93 : i32
        %add3A = arith.addi %mul3A_92, %mul3A_94 : i32
        %multiple_of3A_95 = tpu.assume_multiple %add3A, 8 : i32
        "tpu.region"() ({
          %run_scoped3A = tpu.sem_alloc : memref<!tpu.dma_semaphore, #tpu.memory_space<semaphore_mem>>
          %dma_start3A_96 = arith.constant 0 : i32
          %dma_start3A_97 = arith.constant 0 : i32
          %dma_start3A_98 = tpu.memref_slice %arg17[%dma_start3A_96, %dma_start3A_97] : memref<256x96xf32, #tpu.memory_space<vmem>> -> memref<128x96xf32, #tpu.memory_space<vmem>>
          %dma_start3A_99 = arith.constant 0 : i32
          %dma_start3A_100 = tpu.memref_slice %arg20[%multiple_of3A_95, %dma_start3A_99] : memref<10240x96xf32, #tpu.memory_space<vmem_shared>> -> memref<128x96xf32, #tpu.memory_space<vmem_shared>>
          %dma_start3A_101 = arith.constant 0 : i32
          %dma_start3A_102 = arith.constant 0 : i32
          %dma_start3A_103 = tpu.memref_slice %arg17[%dma_start3A_101, %dma_start3A_102] : memref<256x96xf32, #tpu.memory_space<vmem>> -> memref<128x96xf32, #tpu.memory_space<vmem>>
          %dma_start3A_104 = arith.constant 0 : i32
          %dma_start3A_105 = tpu.memref_slice %arg20[%multiple_of3A_95, %dma_start3A_104] : memref<10240x96xf32, #tpu.memory_space<vmem_shared>> -> memref<128x96xf32, #tpu.memory_space<vmem_shared>>
          tpu.enqueue_dma source(%dma_start3A_105 : memref<128x96xf32, #tpu.memory_space<vmem_shared>>) target(%dma_start3A_103 : memref<128x96xf32, #tpu.memory_space<vmem>>) target_semaphore(%run_scoped3A : memref<!tpu.dma_semaphore, #tpu.memory_space<semaphore_mem>>)
          %dma_wait3A_106 = arith.constant 0 : i32
          %dma_wait3A_107 = arith.constant 0 : i32
          %dma_wait3A_108 = tpu.memref_slice %arg17[%dma_wait3A_106, %dma_wait3A_107] : memref<256x96xf32, #tpu.memory_space<vmem>> -> memref<128x96xf32, #tpu.memory_space<vmem>>
          %dma_wait3A_109 = arith.constant 0 : i32
          %dma_wait3A_110 = tpu.memref_slice %arg20[%multiple_of3A_95, %dma_wait3A_109] : memref<10240x96xf32, #tpu.memory_space<vmem_shared>> -> memref<128x96xf32, #tpu.memory_space<vmem_shared>>
          %dma_wait3A_111 = arith.constant 0 : i32
          %dma_wait3A_112 = arith.constant 0 : i32
          %dma_wait3A_113 = tpu.memref_slice %arg17[%dma_wait3A_111, %dma_wait3A_112] : memref<256x96xf32, #tpu.memory_space<vmem>> -> memref<128x96xf32, #tpu.memory_space<vmem>>
          %dma_wait3A_114 = arith.constant 0 : i32
          %dma_wait3A_115 = tpu.memref_slice %arg20[%multiple_of3A_95, %dma_wait3A_114] : memref<10240x96xf32, #tpu.memory_space<vmem_shared>> -> memref<128x96xf32, #tpu.memory_space<vmem_shared>>
          tpu.wait_dma2 semaphore(%run_scoped3A : memref<!tpu.dma_semaphore, #tpu.memory_space<semaphore_mem>>) src(%dma_wait3A_115 : memref<128x96xf32, #tpu.memory_space<vmem_shared>>) dst(%dma_wait3A_113 : memref<128x96xf32, #tpu.memory_space<vmem>>)
          tpu.yield
        }) : () -> ()
        "tpu.region"() ({
          %run_scoped3A = tpu.sem_alloc : memref<!tpu.dma_semaphore, #tpu.memory_space<semaphore_mem>>
          %dma_start3A_96 = arith.constant 0 : i32
          %dma_start3A_97 = arith.constant 0 : i32
          %dma_start3A_98 = tpu.memref_slice %arg17[%dma_start3A_96, %dma_start3A_97] : memref<256x96xf32, #tpu.memory_space<vmem>> -> memref<128x96xf32, #tpu.memory_space<vmem>>
          %dma_start3A_99 = arith.constant 0 : i32
          %dma_start3A_100 = tpu.memref_slice %arg10[%multiple_of3A_95, %dma_start3A_99] : memref<10240x96xf32, #tpu.memory_space<hbm>> -> memref<128x96xf32, #tpu.memory_space<hbm>>
          %dma_start3A_101 = arith.constant 0 : i32
          %dma_start3A_102 = tpu.memref_slice %arg10[%multiple_of3A_95, %dma_start3A_101] : memref<10240x96xf32, #tpu.memory_space<hbm>> -> memref<128x96xf32, #tpu.memory_space<hbm>>
          %dma_start3A_103 = arith.constant 0 : i32
          %dma_start3A_104 = arith.constant 0 : i32
          %dma_start3A_105 = tpu.memref_slice %arg17[%dma_start3A_103, %dma_start3A_104] : memref<256x96xf32, #tpu.memory_space<vmem>> -> memref<128x96xf32, #tpu.memory_space<vmem>>
          tpu.enqueue_dma source(%dma_start3A_105 : memref<128x96xf32, #tpu.memory_space<vmem>>) target(%dma_start3A_102 : memref<128x96xf32, #tpu.memory_space<hbm>>) target_semaphore(%run_scoped3A : memref<!tpu.dma_semaphore, #tpu.memory_space<semaphore_mem>>)
          %dma_wait3A_106 = arith.constant 0 : i32
          %dma_wait3A_107 = arith.constant 0 : i32
          %dma_wait3A_108 = tpu.memref_slice %arg17[%dma_wait3A_106, %dma_wait3A_107] : memref<256x96xf32, #tpu.memory_space<vmem>> -> memref<128x96xf32, #tpu.memory_space<vmem>>
          %dma_wait3A_109 = arith.constant 0 : i32
          %dma_wait3A_110 = tpu.memref_slice %arg10[%multiple_of3A_95, %dma_wait3A_109] : memref<10240x96xf32, #tpu.memory_space<hbm>> -> memref<128x96xf32, #tpu.memory_space<hbm>>
          %dma_wait3A_111 = arith.constant 0 : i32
          %dma_wait3A_112 = tpu.memref_slice %arg10[%multiple_of3A_95, %dma_wait3A_111] : memref<10240x96xf32, #tpu.memory_space<hbm>> -> memref<128x96xf32, #tpu.memory_space<hbm>>
          %dma_wait3A_113 = arith.constant 0 : i32
          %dma_wait3A_114 = arith.constant 0 : i32
          %dma_wait3A_115 = tpu.memref_slice %arg17[%dma_wait3A_113, %dma_wait3A_114] : memref<256x96xf32, #tpu.memory_space<vmem>> -> memref<128x96xf32, #tpu.memory_space<vmem>>
          tpu.wait_dma2 semaphore(%run_scoped3A : memref<!tpu.dma_semaphore, #tpu.memory_space<semaphore_mem>>) src(%dma_wait3A_115 : memref<128x96xf32, #tpu.memory_space<vmem>>) dst(%dma_wait3A_112 : memref<128x96xf32, #tpu.memory_space<hbm>>)
          tpu.yield
        }) : () -> ()
      }
      %scan3A_89 = arith.constant 5 : i32
    } else {
    }
    %eq3A_2 = arith.constant 1 : i32
    %eq3A_3 = arith.cmpi eq, %arg0, %eq3A_2 : i32
    %convert_element_type3A_4 = arith.extui %eq3A_3 : i1 to i32
    %cond3A_5 = arith.constant 0 : i32
    %cond3A_6 = arith.cmpi ne, %convert_element_type3A_4, %cond3A_5 : i32
    scf.if %cond3A_6 {
      %mul3A = arith.constant 80 : i32
      %mul3A_7 = arith.muli %arg1, %mul3A : i32
      %multiple_of3A = tpu.assume_multiple %mul3A_7, 8 : i32
      "tpu.region"() ({
        %run_scoped3A = tpu.sem_alloc : memref<!tpu.dma_semaphore, #tpu.memory_space<semaphore_mem>>
        %dma_start3A_90 = arith.constant 0 : i32
        %dma_start3A_91 = tpu.memref_slice %arg6[%multiple_of3A, %dma_start3A_90] : memref<1280x128xi32, #tpu.memory_space<hbm>> -> memref<80x128xi32, #tpu.memory_space<hbm>>
        %dma_start3A_92 = arith.constant 0 : i32
        %dma_start3A_93 = tpu.memref_slice %arg6[%multiple_of3A, %dma_start3A_92] : memref<1280x128xi32, #tpu.memory_space<hbm>> -> memref<80x128xi32, #tpu.memory_space<hbm>>
        tpu.enqueue_dma source(%dma_start3A_93 : memref<80x128xi32, #tpu.memory_space<hbm>>) target(%arg14 : memref<80x128xi32, #tpu.memory_space<vmem>>) target_semaphore(%run_scoped3A : memref<!tpu.dma_semaphore, #tpu.memory_space<semaphore_mem>>)
        %dma_wait3A_94 = arith.constant 0 : i32
        %dma_wait3A_95 = tpu.memref_slice %arg6[%multiple_of3A, %dma_wait3A_94] : memref<1280x128xi32, #tpu.memory_space<hbm>> -> memref<80x128xi32, #tpu.memory_space<hbm>>
        %dma_wait3A_96 = arith.constant 0 : i32
        %dma_wait3A_97 = tpu.memref_slice %arg6[%multiple_of3A, %dma_wait3A_96] : memref<1280x128xi32, #tpu.memory_space<hbm>> -> memref<80x128xi32, #tpu.memory_space<hbm>>
        tpu.wait_dma2 semaphore(%run_scoped3A : memref<!tpu.dma_semaphore, #tpu.memory_space<semaphore_mem>>) src(%dma_wait3A_97 : memref<80x128xi32, #tpu.memory_space<hbm>>) dst(%arg14 : memref<80x128xi32, #tpu.memory_space<vmem>>)
        tpu.yield
      }) : () -> ()
      "tpu.region"() ({
        %run_scoped3A = tpu.sem_alloc : memref<!tpu.dma_semaphore, #tpu.memory_space<semaphore_mem>>
        %dma_start3A_90 = arith.constant 0 : i32
        %dma_start3A_91 = tpu.memref_slice %arg7[%multiple_of3A, %dma_start3A_90] : memref<1280x128xi32, #tpu.memory_space<hbm>> -> memref<80x128xi32, #tpu.memory_space<hbm>>
        %dma_start3A_92 = arith.constant 0 : i32
        %dma_start3A_93 = tpu.memref_slice %arg7[%multiple_of3A, %dma_start3A_92] : memref<1280x128xi32, #tpu.memory_space<hbm>> -> memref<80x128xi32, #tpu.memory_space<hbm>>
        tpu.enqueue_dma source(%dma_start3A_93 : memref<80x128xi32, #tpu.memory_space<hbm>>) target(%arg15 : memref<80x128xi32, #tpu.memory_space<vmem>>) target_semaphore(%run_scoped3A : memref<!tpu.dma_semaphore, #tpu.memory_space<semaphore_mem>>)
        %dma_wait3A_94 = arith.constant 0 : i32
        %dma_wait3A_95 = tpu.memref_slice %arg7[%multiple_of3A, %dma_wait3A_94] : memref<1280x128xi32, #tpu.memory_space<hbm>> -> memref<80x128xi32, #tpu.memory_space<hbm>>
        %dma_wait3A_96 = arith.constant 0 : i32
        %dma_wait3A_97 = tpu.memref_slice %arg7[%multiple_of3A, %dma_wait3A_96] : memref<1280x128xi32, #tpu.memory_space<hbm>> -> memref<80x128xi32, #tpu.memory_space<hbm>>
        tpu.wait_dma2 semaphore(%run_scoped3A : memref<!tpu.dma_semaphore, #tpu.memory_space<semaphore_mem>>) src(%dma_wait3A_97 : memref<80x128xi32, #tpu.memory_space<hbm>>) dst(%arg15 : memref<80x128xi32, #tpu.memory_space<vmem>>)
        tpu.yield
      }) : () -> ()
      %scan3A = arith.constant 0 : i32
      %scan3A_8 = arith.constant 0 : i32
      %scan3A_9 = arith.constant 5 : i32
      %scan3A_10 = arith.addi %scan3A_8, %scan3A_9 : i32
      %scan3A_11 = arith.constant 1 : i32
      scf.for %scan3A_90 = %scan3A_8 to %scan3A_10 step %scan3A_11  : i32 {
        %mul3A_91 = arith.constant 640 : i32
        %mul3A_92 = arith.muli %arg1, %mul3A_91 : i32
        %mul3A_93 = arith.constant 128 : i32
        %mul3A_94 = arith.muli %scan3A_90, %mul3A_93 : i32
        %add3A = arith.addi %mul3A_92, %mul3A_94 : i32
        %multiple_of3A_95 = tpu.assume_multiple %add3A, 8 : i32
        "tpu.region"() ({
          %run_scoped3A = tpu.sem_alloc : memref<!tpu.dma_semaphore, #tpu.memory_space<semaphore_mem>>
          %dma_start3A_96 = arith.constant 0 : i32
          %dma_start3A_97 = arith.constant 0 : i32
          %dma_start3A_98 = tpu.memref_slice %arg17[%dma_start3A_96, %dma_start3A_97] : memref<256x96xf32, #tpu.memory_space<vmem>> -> memref<128x96xf32, #tpu.memory_space<vmem>>
          %dma_start3A_99 = arith.constant 0 : i32
          %dma_start3A_100 = tpu.memref_slice %arg5[%multiple_of3A_95, %dma_start3A_99] : memref<10240x96xf32, #tpu.memory_space<hbm>> -> memref<128x96xf32, #tpu.memory_space<hbm>>
          %dma_start3A_101 = arith.constant 0 : i32
          %dma_start3A_102 = arith.constant 0 : i32
          %dma_start3A_103 = tpu.memref_slice %arg17[%dma_start3A_101, %dma_start3A_102] : memref<256x96xf32, #tpu.memory_space<vmem>> -> memref<128x96xf32, #tpu.memory_space<vmem>>
          %dma_start3A_104 = arith.constant 0 : i32
          %dma_start3A_105 = tpu.memref_slice %arg5[%multiple_of3A_95, %dma_start3A_104] : memref<10240x96xf32, #tpu.memory_space<hbm>> -> memref<128x96xf32, #tpu.memory_space<hbm>>
          tpu.enqueue_dma source(%dma_start3A_105 : memref<128x96xf32, #tpu.memory_space<hbm>>) target(%dma_start3A_103 : memref<128x96xf32, #tpu.memory_space<vmem>>) target_semaphore(%run_scoped3A : memref<!tpu.dma_semaphore, #tpu.memory_space<semaphore_mem>>)
          %dma_wait3A_106 = arith.constant 0 : i32
          %dma_wait3A_107 = arith.constant 0 : i32
          %dma_wait3A_108 = tpu.memref_slice %arg17[%dma_wait3A_106, %dma_wait3A_107] : memref<256x96xf32, #tpu.memory_space<vmem>> -> memref<128x96xf32, #tpu.memory_space<vmem>>
          %dma_wait3A_109 = arith.constant 0 : i32
          %dma_wait3A_110 = tpu.memref_slice %arg5[%multiple_of3A_95, %dma_wait3A_109] : memref<10240x96xf32, #tpu.memory_space<hbm>> -> memref<128x96xf32, #tpu.memory_space<hbm>>
          %dma_wait3A_111 = arith.constant 0 : i32
          %dma_wait3A_112 = arith.constant 0 : i32
          %dma_wait3A_113 = tpu.memref_slice %arg17[%dma_wait3A_111, %dma_wait3A_112] : memref<256x96xf32, #tpu.memory_space<vmem>> -> memref<128x96xf32, #tpu.memory_space<vmem>>
          %dma_wait3A_114 = arith.constant 0 : i32
          %dma_wait3A_115 = tpu.memref_slice %arg5[%multiple_of3A_95, %dma_wait3A_114] : memref<10240x96xf32, #tpu.memory_space<hbm>> -> memref<128x96xf32, #tpu.memory_space<hbm>>
          tpu.wait_dma2 semaphore(%run_scoped3A : memref<!tpu.dma_semaphore, #tpu.memory_space<semaphore_mem>>) src(%dma_wait3A_115 : memref<128x96xf32, #tpu.memory_space<hbm>>) dst(%dma_wait3A_113 : memref<128x96xf32, #tpu.memory_space<vmem>>)
          tpu.yield
        }) : () -> ()
        "tpu.region"() ({
          %run_scoped3A = tpu.sem_alloc : memref<!tpu.dma_semaphore, #tpu.memory_space<semaphore_mem>>
          %dma_start3A_96 = arith.constant 0 : i32
          %dma_start3A_97 = arith.constant 0 : i32
          %dma_start3A_98 = tpu.memref_slice %arg17[%dma_start3A_96, %dma_start3A_97] : memref<256x96xf32, #tpu.memory_space<vmem>> -> memref<128x96xf32, #tpu.memory_space<vmem>>
          %dma_start3A_99 = arith.constant 0 : i32
          %dma_start3A_100 = tpu.memref_slice %arg20[%multiple_of3A_95, %dma_start3A_99] : memref<10240x96xf32, #tpu.memory_space<vmem_shared>> -> memref<128x96xf32, #tpu.memory_space<vmem_shared>>
          %dma_start3A_101 = arith.constant 0 : i32
          %dma_start3A_102 = tpu.memref_slice %arg20[%multiple_of3A_95, %dma_start3A_101] : memref<10240x96xf32, #tpu.memory_space<vmem_shared>> -> memref<128x96xf32, #tpu.memory_space<vmem_shared>>
          %dma_start3A_103 = arith.constant 0 : i32
          %dma_start3A_104 = arith.constant 0 : i32
          %dma_start3A_105 = tpu.memref_slice %arg17[%dma_start3A_103, %dma_start3A_104] : memref<256x96xf32, #tpu.memory_space<vmem>> -> memref<128x96xf32, #tpu.memory_space<vmem>>
          tpu.enqueue_dma source(%dma_start3A_105 : memref<128x96xf32, #tpu.memory_space<vmem>>) target(%dma_start3A_102 : memref<128x96xf32, #tpu.memory_space<vmem_shared>>) target_semaphore(%run_scoped3A : memref<!tpu.dma_semaphore, #tpu.memory_space<semaphore_mem>>)
          %dma_wait3A_106 = arith.constant 0 : i32
          %dma_wait3A_107 = arith.constant 0 : i32
          %dma_wait3A_108 = tpu.memref_slice %arg17[%dma_wait3A_106, %dma_wait3A_107] : memref<256x96xf32, #tpu.memory_space<vmem>> -> memref<128x96xf32, #tpu.memory_space<vmem>>
          %dma_wait3A_109 = arith.constant 0 : i32
          %dma_wait3A_110 = tpu.memref_slice %arg20[%multiple_of3A_95, %dma_wait3A_109] : memref<10240x96xf32, #tpu.memory_space<vmem_shared>> -> memref<128x96xf32, #tpu.memory_space<vmem_shared>>
          %dma_wait3A_111 = arith.constant 0 : i32
          %dma_wait3A_112 = tpu.memref_slice %arg20[%multiple_of3A_95, %dma_wait3A_111] : memref<10240x96xf32, #tpu.memory_space<vmem_shared>> -> memref<128x96xf32, #tpu.memory_space<vmem_shared>>
          %dma_wait3A_113 = arith.constant 0 : i32
          %dma_wait3A_114 = arith.constant 0 : i32
          %dma_wait3A_115 = tpu.memref_slice %arg17[%dma_wait3A_113, %dma_wait3A_114] : memref<256x96xf32, #tpu.memory_space<vmem>> -> memref<128x96xf32, #tpu.memory_space<vmem>>
          tpu.wait_dma2 semaphore(%run_scoped3A : memref<!tpu.dma_semaphore, #tpu.memory_space<semaphore_mem>>) src(%dma_wait3A_115 : memref<128x96xf32, #tpu.memory_space<vmem>>) dst(%dma_wait3A_112 : memref<128x96xf32, #tpu.memory_space<vmem_shared>>)
          tpu.yield
        }) : () -> ()
      }
      %scan3A_12 = arith.constant 5 : i32
      %barrier3A = arith.constant 0 : index
      tpu.barrier barrier_id(%barrier3A)
      %dma_start3A = arith.constant 0 : i32
      %dma_start3A_13 = arith.constant 0 : i32
      %dma_start3A_14 = arith.constant 0 : i32
      %dma_start3A_15 = arith.constant 0 : i32
      %dma_start3A_16 = tpu.memref_slice %arg16[%dma_start3A_14, %dma_start3A_15] : memref<256x48xi32, #tpu.memory_space<vmem>> -> memref<128x48xi32, #tpu.memory_space<vmem>>
      %dma_start3A_17 = arith.constant 0 : i32
      %dma_start3A_18 = tpu.memref_slice %arg14[%dma_start3A, %dma_start3A_17] : memref<80x128xi32, #tpu.memory_space<vmem>> -> memref<1x128xi32, #tpu.memory_space<vmem>>
      %dma_start3A_19 = tpu.memref_squeeze %dma_start3A_18 : memref<1x128xi32, #tpu.memory_space<vmem>> -> memref<128xi32, #tpu.memory_space<vmem>>
      %dma_start3A_20 = arith.constant 0 : i32
      %dma_start3A_21 = arith.constant 0 : i32
      %dma_start3A_22 = tpu.memref_slice %arg3[%dma_start3A_20, %dma_start3A_21] : memref<10240x48xi32, #tpu.memory_space<hbm>> -> memref<10240x48xi32, #tpu.memory_space<hbm>>
      %dma_start3A_23 = tpu.memref_slice %arg18[%dma_start3A_13] : memref<2x!tpu.dma_semaphore, #tpu.memory_space<semaphore_mem>> -> memref<1x!tpu.dma_semaphore, #tpu.memory_space<semaphore_mem>>
      %dma_start3A_24 = tpu.memref_squeeze %dma_start3A_23 : memref<1x!tpu.dma_semaphore, #tpu.memory_space<semaphore_mem>> -> memref<!tpu.dma_semaphore, #tpu.memory_space<semaphore_mem>>
      tpu.enqueue_indirect_dma source(%dma_start3A_22 : memref<10240x48xi32, #tpu.memory_space<hbm>>) target(%dma_start3A_16 : memref<128x48xi32, #tpu.memory_space<vmem>>) offsets(%dma_start3A_19 : memref<128xi32, #tpu.memory_space<vmem>>) semaphore(%dma_start3A_24 : memref<!tpu.dma_semaphore, #tpu.memory_space<semaphore_mem>>)
      %scan3A_25 = arith.constant 0 : i32
      %scan3A_26 = arith.constant 0 : i32
      %scan3A_27 = arith.constant 40 : i32
      %scan3A_28 = arith.addi %scan3A_26, %scan3A_27 : i32
      %scan3A_29 = arith.constant 1 : i32
      scf.for %scan3A_90 = %scan3A_26 to %scan3A_28 step %scan3A_29  : i32 {
        %mul3A_91 = arith.constant 2 : i32
        %mul3A_92 = arith.muli %scan3A_90, %mul3A_91 : i32
        %add3A = arith.constant 0 : i32
        %add3A_93 = arith.addi %mul3A_92, %add3A : i32
        %dma_wait3A_94 = arith.constant 0 : i32
        %dma_wait3A_95 = arith.constant 0 : i32
        %dma_wait3A_96 = arith.constant 0 : i32
        %dma_wait3A_97 = tpu.memref_slice %arg16[%dma_wait3A_95, %dma_wait3A_96] : memref<256x48xi32, #tpu.memory_space<vmem>> -> memref<128x48xi32, #tpu.memory_space<vmem>>
        %dma_wait3A_98 = arith.constant 0 : i32
        %dma_wait3A_99 = tpu.memref_slice %arg14[%add3A_93, %dma_wait3A_98] : memref<80x128xi32, #tpu.memory_space<vmem>> -> memref<1x128xi32, #tpu.memory_space<vmem>>
        %dma_wait3A_100 = tpu.memref_squeeze %dma_wait3A_99 : memref<1x128xi32, #tpu.memory_space<vmem>> -> memref<128xi32, #tpu.memory_space<vmem>>
        %dma_wait3A_101 = arith.constant 0 : i32
        %dma_wait3A_102 = arith.constant 0 : i32
        %dma_wait3A_103 = tpu.memref_slice %arg3[%dma_wait3A_101, %dma_wait3A_102] : memref<10240x48xi32, #tpu.memory_space<hbm>> -> memref<10240x48xi32, #tpu.memory_space<hbm>>
        %dma_wait3A_104 = tpu.memref_slice %arg18[%dma_wait3A_94] : memref<2x!tpu.dma_semaphore, #tpu.memory_space<semaphore_mem>> -> memref<1x!tpu.dma_semaphore, #tpu.memory_space<semaphore_mem>>
        %dma_wait3A_105 = tpu.memref_squeeze %dma_wait3A_104 : memref<1x!tpu.dma_semaphore, #tpu.memory_space<semaphore_mem>> -> memref<!tpu.dma_semaphore, #tpu.memory_space<semaphore_mem>>
        tpu.wait_indirect_dma semaphore(%dma_wait3A_105 : memref<!tpu.dma_semaphore, #tpu.memory_space<semaphore_mem>>) src(%dma_wait3A_103 : memref<10240x48xi32, #tpu.memory_space<hbm>>) dst(%dma_wait3A_97 : memref<128x48xi32, #tpu.memory_space<vmem>>)
        %ge3A = arith.constant 1 : i32
        %ge3A_106 = arith.cmpi sge, %add3A_93, %ge3A : i32
        %convert_element_type3A_107 = arith.extui %ge3A_106 : i1 to i32
        %cond3A_108 = arith.constant 0 : i32
        %cond3A_109 = arith.cmpi ne, %convert_element_type3A_107, %cond3A_108 : i32
        scf.if %cond3A_109 {
          %sub3A = arith.constant 1 : i32
          %sub3A_180 = arith.subi %add3A_93, %sub3A : i32
          %dma_wait3A_181 = arith.constant 1 : i32
          %dma_wait3A_182 = arith.constant 128 : i32
          %dma_wait3A_183 = arith.constant 0 : i32
          %dma_wait3A_184 = tpu.memref_slice %arg17[%dma_wait3A_182, %dma_wait3A_183] : memref<256x96xf32, #tpu.memory_space<vmem>> -> memref<128x96xf32, #tpu.memory_space<vmem>>
          %dma_wait3A_185 = arith.constant 0 : i32
          %dma_wait3A_186 = tpu.memref_slice %arg15[%sub3A_180, %dma_wait3A_185] : memref<80x128xi32, #tpu.memory_space<vmem>> -> memref<1x128xi32, #tpu.memory_space<vmem>>
          %dma_wait3A_187 = tpu.memref_squeeze %dma_wait3A_186 : memref<1x128xi32, #tpu.memory_space<vmem>> -> memref<128xi32, #tpu.memory_space<vmem>>
          %dma_wait3A_188 = arith.constant 0 : i32
          %dma_wait3A_189 = arith.constant 0 : i32
          %dma_wait3A_190 = tpu.memref_slice %arg20[%dma_wait3A_188, %dma_wait3A_189] : memref<10240x96xf32, #tpu.memory_space<vmem_shared>> -> memref<10240x96xf32, #tpu.memory_space<vmem_shared>>
          %dma_wait3A_191 = tpu.memref_slice %arg19[%dma_wait3A_181] : memref<2x!tpu.dma_semaphore, #tpu.memory_space<semaphore_mem>> -> memref<1x!tpu.dma_semaphore, #tpu.memory_space<semaphore_mem>>
          %dma_wait3A_192 = tpu.memref_squeeze %dma_wait3A_191 : memref<1x!tpu.dma_semaphore, #tpu.memory_space<semaphore_mem>> -> memref<!tpu.dma_semaphore, #tpu.memory_space<semaphore_mem>>
          tpu.wait_indirect_dma semaphore(%dma_wait3A_192 : memref<!tpu.dma_semaphore, #tpu.memory_space<semaphore_mem>>) src(%dma_wait3A_184 : memref<128x96xf32, #tpu.memory_space<vmem>>) dst(%dma_wait3A_190 : memref<10240x96xf32, #tpu.memory_space<vmem_shared>>)
        } else {
        }
        %add3A_110 = arith.constant 1 : i32
        %add3A_111 = arith.addi %add3A_93, %add3A_110 : i32
        %lt3A = arith.constant 80 : i32
        %lt3A_112 = arith.cmpi slt, %add3A_111, %lt3A : i32
        %convert_element_type3A_113 = arith.extui %lt3A_112 : i1 to i32
        %cond3A_114 = arith.constant 0 : i32
        %cond3A_115 = arith.cmpi ne, %convert_element_type3A_113, %cond3A_114 : i32
        scf.if %cond3A_115 {
          %add3A_180 = arith.constant 1 : i32
          %add3A_181 = arith.addi %add3A_93, %add3A_180 : i32
          %dma_start3A_182 = arith.constant 1 : i32
          %dma_start3A_183 = arith.constant 128 : i32
          %dma_start3A_184 = arith.constant 0 : i32
          %dma_start3A_185 = tpu.memref_slice %arg16[%dma_start3A_183, %dma_start3A_184] : memref<256x48xi32, #tpu.memory_space<vmem>> -> memref<128x48xi32, #tpu.memory_space<vmem>>
          %dma_start3A_186 = arith.constant 0 : i32
          %dma_start3A_187 = tpu.memref_slice %arg14[%add3A_181, %dma_start3A_186] : memref<80x128xi32, #tpu.memory_space<vmem>> -> memref<1x128xi32, #tpu.memory_space<vmem>>
          %dma_start3A_188 = tpu.memref_squeeze %dma_start3A_187 : memref<1x128xi32, #tpu.memory_space<vmem>> -> memref<128xi32, #tpu.memory_space<vmem>>
          %dma_start3A_189 = arith.constant 0 : i32
          %dma_start3A_190 = arith.constant 0 : i32
          %dma_start3A_191 = tpu.memref_slice %arg3[%dma_start3A_189, %dma_start3A_190] : memref<10240x48xi32, #tpu.memory_space<hbm>> -> memref<10240x48xi32, #tpu.memory_space<hbm>>
          %dma_start3A_192 = tpu.memref_slice %arg18[%dma_start3A_182] : memref<2x!tpu.dma_semaphore, #tpu.memory_space<semaphore_mem>> -> memref<1x!tpu.dma_semaphore, #tpu.memory_space<semaphore_mem>>
          %dma_start3A_193 = tpu.memref_squeeze %dma_start3A_192 : memref<1x!tpu.dma_semaphore, #tpu.memory_space<semaphore_mem>> -> memref<!tpu.dma_semaphore, #tpu.memory_space<semaphore_mem>>
          tpu.enqueue_indirect_dma source(%dma_start3A_191 : memref<10240x48xi32, #tpu.memory_space<hbm>>) target(%dma_start3A_185 : memref<128x48xi32, #tpu.memory_space<vmem>>) offsets(%dma_start3A_188 : memref<128xi32, #tpu.memory_space<vmem>>) semaphore(%dma_start3A_193 : memref<!tpu.dma_semaphore, #tpu.memory_space<semaphore_mem>>)
        } else {
        }
        %scan3A_116 = arith.constant 0 : i32
        %scan3A_117 = arith.constant 0 : i32
        %scan3A_118 = arith.constant 128 : i32
        %scan3A_119 = arith.addi %scan3A_117, %scan3A_118 : i32
        %scan3A_120 = arith.constant 1 : i32
        scf.for %scan3A_180 = %scan3A_117 to %scan3A_119 step %scan3A_120  : i32 {
          %add3A_181 = arith.constant 0 : i32
          %add3A_182 = arith.addi %add3A_181, %scan3A_180 : i32
          %get3A = arith.index_cast %add3A_182 : i32 to index
          %get3A_183 = arith.constant 0 : index
          %get3A_184 = tpu.vector_load %arg16[%get3A, %get3A_183] {strides = array<i32>} : memref<256x48xi32, #tpu.memory_space<vmem>>, vector<1x16xi32>,
          %get3A_185 = vector.shape_cast %get3A_184 : vector<1x16xi32> to vector<16xi32>
          %shift_left3A = arith.constant 16 : i32
          %shift_left3A_186 = vector.broadcast %shift_left3A : i32 to vector<16xi32>
          %shift_left3A_187 = arith.shli %get3A_185, %shift_left3A_186 : vector<16xi32>
          %bitcast_convert_type3A = tpu.bitcast %shift_left3A_187 : vector<16xi32> -> vector<16xf32>
          %and3A = arith.constant -65536 : i32
          %and3A_188 = vector.broadcast %and3A : i32 to vector<16xi32>
          %and3A_189 = arith.andi %get3A_185, %and3A_188 : vector<16xi32>
          %bitcast_convert_type3A_190 = tpu.bitcast %and3A_189 : vector<16xi32> -> vector<16xf32>
          %add3A_191 = arith.constant 0 : i32
          %add3A_192 = arith.addi %add3A_191, %scan3A_180 : i32
          %swap3A = arith.index_cast %add3A_192 : i32 to index
          %swap3A_193 = arith.constant 0 : index
          %swap3A_194 = tpu.vector_load %arg17[%swap3A, %swap3A_193] {strides = array<i32>} : memref<256x96xf32, #tpu.memory_space<vmem>>, vector<1x16xf32>,
          %swap3A_195 = vector.shape_cast %swap3A_194 : vector<1x16xf32> to vector<16xf32>
          %swap3A_196 = vector.shape_cast %bitcast_convert_type3A : vector<16xf32> to vector<1x16xf32>
          tpu.vector_store %arg17[%swap3A, %swap3A_193], %swap3A_196 {strides = array<i32>} : memref<256x96xf32, #tpu.memory_space<vmem>>, vector<1x16xf32>,
          %add3A_197 = arith.constant 0 : i32
          %add3A_198 = arith.addi %add3A_197, %scan3A_180 : i32
          %swap3A_199 = arith.index_cast %add3A_198 : i32 to index
          %swap3A_200 = arith.constant 48 : index
          %swap3A_201 = tpu.vector_load %arg17[%swap3A_199, %swap3A_200] {strides = array<i32>} : memref<256x96xf32, #tpu.memory_space<vmem>>, vector<1x16xf32>,
          %swap3A_202 = vector.shape_cast %swap3A_201 : vector<1x16xf32> to vector<16xf32>
          %swap3A_203 = vector.shape_cast %bitcast_convert_type3A_190 : vector<16xf32> to vector<1x16xf32>
          tpu.vector_store %arg17[%swap3A_199, %swap3A_200], %swap3A_203 {strides = array<i32>} : memref<256x96xf32, #tpu.memory_space<vmem>>, vector<1x16xf32>,
          %add3A_204 = arith.constant 0 : i32
          %add3A_205 = arith.addi %add3A_204, %scan3A_180 : i32
          %get3A_206 = arith.index_cast %add3A_205 : i32 to index
          %get3A_207 = arith.constant 16 : index
          %get3A_208 = tpu.vector_load %arg16[%get3A_206, %get3A_207] {strides = array<i32>} : memref<256x48xi32, #tpu.memory_space<vmem>>, vector<1x16xi32>,
          %get3A_209 = vector.shape_cast %get3A_208 : vector<1x16xi32> to vector<16xi32>
          %shift_left3A_210 = arith.constant 16 : i32
          %shift_left3A_211 = vector.broadcast %shift_left3A_210 : i32 to vector<16xi32>
          %shift_left3A_212 = arith.shli %get3A_209, %shift_left3A_211 : vector<16xi32>
          %bitcast_convert_type3A_213 = tpu.bitcast %shift_left3A_212 : vector<16xi32> -> vector<16xf32>
          %and3A_214 = arith.constant -65536 : i32
          %and3A_215 = vector.broadcast %and3A_214 : i32 to vector<16xi32>
          %and3A_216 = arith.andi %get3A_209, %and3A_215 : vector<16xi32>
          %bitcast_convert_type3A_217 = tpu.bitcast %and3A_216 : vector<16xi32> -> vector<16xf32>
          %add3A_218 = arith.constant 0 : i32
          %add3A_219 = arith.addi %add3A_218, %scan3A_180 : i32
          %swap3A_220 = arith.index_cast %add3A_219 : i32 to index
          %swap3A_221 = arith.constant 16 : index
          %swap3A_222 = tpu.vector_load %arg17[%swap3A_220, %swap3A_221] {strides = array<i32>} : memref<256x96xf32, #tpu.memory_space<vmem>>, vector<1x16xf32>,
          %swap3A_223 = vector.shape_cast %swap3A_222 : vector<1x16xf32> to vector<16xf32>
          %swap3A_224 = vector.shape_cast %bitcast_convert_type3A_213 : vector<16xf32> to vector<1x16xf32>
          tpu.vector_store %arg17[%swap3A_220, %swap3A_221], %swap3A_224 {strides = array<i32>} : memref<256x96xf32, #tpu.memory_space<vmem>>, vector<1x16xf32>,
          %add3A_225 = arith.constant 0 : i32
          %add3A_226 = arith.addi %add3A_225, %scan3A_180 : i32
          %swap3A_227 = arith.index_cast %add3A_226 : i32 to index
          %swap3A_228 = arith.constant 64 : index
          %swap3A_229 = tpu.vector_load %arg17[%swap3A_227, %swap3A_228] {strides = array<i32>} : memref<256x96xf32, #tpu.memory_space<vmem>>, vector<1x16xf32>,
          %swap3A_230 = vector.shape_cast %swap3A_229 : vector<1x16xf32> to vector<16xf32>
          %swap3A_231 = vector.shape_cast %bitcast_convert_type3A_217 : vector<16xf32> to vector<1x16xf32>
          tpu.vector_store %arg17[%swap3A_227, %swap3A_228], %swap3A_231 {strides = array<i32>} : memref<256x96xf32, #tpu.memory_space<vmem>>, vector<1x16xf32>,
          %add3A_232 = arith.constant 0 : i32
          %add3A_233 = arith.addi %add3A_232, %scan3A_180 : i32
          %get3A_234 = arith.index_cast %add3A_233 : i32 to index
          %get3A_235 = arith.constant 32 : index
          %get3A_236 = tpu.vector_load %arg16[%get3A_234, %get3A_235] {strides = array<i32>} : memref<256x48xi32, #tpu.memory_space<vmem>>, vector<1x16xi32>,
          %get3A_237 = vector.shape_cast %get3A_236 : vector<1x16xi32> to vector<16xi32>
          %shift_left3A_238 = arith.constant 16 : i32
          %shift_left3A_239 = vector.broadcast %shift_left3A_238 : i32 to vector<16xi32>
          %shift_left3A_240 = arith.shli %get3A_237, %shift_left3A_239 : vector<16xi32>
          %bitcast_convert_type3A_241 = tpu.bitcast %shift_left3A_240 : vector<16xi32> -> vector<16xf32>
          %and3A_242 = arith.constant -65536 : i32
          %and3A_243 = vector.broadcast %and3A_242 : i32 to vector<16xi32>
          %and3A_244 = arith.andi %get3A_237, %and3A_243 : vector<16xi32>
          %bitcast_convert_type3A_245 = tpu.bitcast %and3A_244 : vector<16xi32> -> vector<16xf32>
          %add3A_246 = arith.constant 0 : i32
          %add3A_247 = arith.addi %add3A_246, %scan3A_180 : i32
          %swap3A_248 = arith.index_cast %add3A_247 : i32 to index
          %swap3A_249 = arith.constant 32 : index
          %swap3A_250 = tpu.vector_load %arg17[%swap3A_248, %swap3A_249] {strides = array<i32>} : memref<256x96xf32, #tpu.memory_space<vmem>>, vector<1x16xf32>,
          %swap3A_251 = vector.shape_cast %swap3A_250 : vector<1x16xf32> to vector<16xf32>
          %swap3A_252 = vector.shape_cast %bitcast_convert_type3A_241 : vector<16xf32> to vector<1x16xf32>
          tpu.vector_store %arg17[%swap3A_248, %swap3A_249], %swap3A_252 {strides = array<i32>} : memref<256x96xf32, #tpu.memory_space<vmem>>, vector<1x16xf32>,
          %add3A_253 = arith.constant 0 : i32
          %add3A_254 = arith.addi %add3A_253, %scan3A_180 : i32
          %swap3A_255 = arith.index_cast %add3A_254 : i32 to index
          %swap3A_256 = arith.constant 80 : index
          %swap3A_257 = tpu.vector_load %arg17[%swap3A_255, %swap3A_256] {strides = array<i32>} : memref<256x96xf32, #tpu.memory_space<vmem>>, vector<1x16xf32>,
          %swap3A_258 = vector.shape_cast %swap3A_257 : vector<1x16xf32> to vector<16xf32>
          %swap3A_259 = vector.shape_cast %bitcast_convert_type3A_245 : vector<16xf32> to vector<1x16xf32>
          tpu.vector_store %arg17[%swap3A_255, %swap3A_256], %swap3A_259 {strides = array<i32>} : memref<256x96xf32, #tpu.memory_space<vmem>>, vector<1x16xf32>,
        }
        %scan3A_121 = arith.constant 128 : i32
        %dma_start3A_122 = arith.constant 0 : i32
        %dma_start3A_123 = arith.constant 0 : i32
        %dma_start3A_124 = arith.constant 0 : i32
        %dma_start3A_125 = tpu.memref_slice %arg17[%dma_start3A_123, %dma_start3A_124] : memref<256x96xf32, #tpu.memory_space<vmem>> -> memref<128x96xf32, #tpu.memory_space<vmem>>
        %dma_start3A_126 = arith.constant 0 : i32
        %dma_start3A_127 = tpu.memref_slice %arg15[%add3A_93, %dma_start3A_126] : memref<80x128xi32, #tpu.memory_space<vmem>> -> memref<1x128xi32, #tpu.memory_space<vmem>>
        %dma_start3A_128 = tpu.memref_squeeze %dma_start3A_127 : memref<1x128xi32, #tpu.memory_space<vmem>> -> memref<128xi32, #tpu.memory_space<vmem>>
        %dma_start3A_129 = arith.constant 0 : i32
        %dma_start3A_130 = arith.constant 0 : i32
        %dma_start3A_131 = tpu.memref_slice %arg20[%dma_start3A_129, %dma_start3A_130] : memref<10240x96xf32, #tpu.memory_space<vmem_shared>> -> memref<10240x96xf32, #tpu.memory_space<vmem_shared>>
        %dma_start3A_132 = tpu.memref_slice %arg19[%dma_start3A_122] : memref<2x!tpu.dma_semaphore, #tpu.memory_space<semaphore_mem>> -> memref<1x!tpu.dma_semaphore, #tpu.memory_space<semaphore_mem>>
        %dma_start3A_133 = tpu.memref_squeeze %dma_start3A_132 : memref<1x!tpu.dma_semaphore, #tpu.memory_space<semaphore_mem>> -> memref<!tpu.dma_semaphore, #tpu.memory_space<semaphore_mem>>
        tpu.enqueue_indirect_dma source(%dma_start3A_125 : memref<128x96xf32, #tpu.memory_space<vmem>>) target(%dma_start3A_131 : memref<10240x96xf32, #tpu.memory_space<vmem_shared>>) offsets(%dma_start3A_128 : memref<128xi32, #tpu.memory_space<vmem>>) semaphore(%dma_start3A_133 : memref<!tpu.dma_semaphore, #tpu.memory_space<semaphore_mem>>) {add = true}
        %mul3A_134 = arith.constant 2 : i32
        %mul3A_135 = arith.muli %scan3A_90, %mul3A_134 : i32
        %add3A_136 = arith.constant 1 : i32
        %add3A_137 = arith.addi %mul3A_135, %add3A_136 : i32
        %dma_wait3A_138 = arith.constant 1 : i32
        %dma_wait3A_139 = arith.constant 128 : i32
        %dma_wait3A_140 = arith.constant 0 : i32
        %dma_wait3A_141 = tpu.memref_slice %arg16[%dma_wait3A_139, %dma_wait3A_140] : memref<256x48xi32, #tpu.memory_space<vmem>> -> memref<128x48xi32, #tpu.memory_space<vmem>>
        %dma_wait3A_142 = arith.constant 0 : i32
        %dma_wait3A_143 = tpu.memref_slice %arg14[%add3A_137, %dma_wait3A_142] : memref<80x128xi32, #tpu.memory_space<vmem>> -> memref<1x128xi32, #tpu.memory_space<vmem>>
        %dma_wait3A_144 = tpu.memref_squeeze %dma_wait3A_143 : memref<1x128xi32, #tpu.memory_space<vmem>> -> memref<128xi32, #tpu.memory_space<vmem>>
        %dma_wait3A_145 = arith.constant 0 : i32
        %dma_wait3A_146 = arith.constant 0 : i32
        %dma_wait3A_147 = tpu.memref_slice %arg3[%dma_wait3A_145, %dma_wait3A_146] : memref<10240x48xi32, #tpu.memory_space<hbm>> -> memref<10240x48xi32, #tpu.memory_space<hbm>>
        %dma_wait3A_148 = tpu.memref_slice %arg18[%dma_wait3A_138] : memref<2x!tpu.dma_semaphore, #tpu.memory_space<semaphore_mem>> -> memref<1x!tpu.dma_semaphore, #tpu.memory_space<semaphore_mem>>
        %dma_wait3A_149 = tpu.memref_squeeze %dma_wait3A_148 : memref<1x!tpu.dma_semaphore, #tpu.memory_space<semaphore_mem>> -> memref<!tpu.dma_semaphore, #tpu.memory_space<semaphore_mem>>
        tpu.wait_indirect_dma semaphore(%dma_wait3A_149 : memref<!tpu.dma_semaphore, #tpu.memory_space<semaphore_mem>>) src(%dma_wait3A_147 : memref<10240x48xi32, #tpu.memory_space<hbm>>) dst(%dma_wait3A_141 : memref<128x48xi32, #tpu.memory_space<vmem>>)
        %ge3A_150 = arith.constant 1 : i32
        %ge3A_151 = arith.cmpi sge, %add3A_137, %ge3A_150 : i32
        %convert_element_type3A_152 = arith.extui %ge3A_151 : i1 to i32
        %cond3A_153 = arith.constant 0 : i32
        %cond3A_154 = arith.cmpi ne, %convert_element_type3A_152, %cond3A_153 : i32
        scf.if %cond3A_154 {
          %sub3A = arith.constant 1 : i32
          %sub3A_180 = arith.subi %add3A_137, %sub3A : i32
          %dma_wait3A_181 = arith.constant 0 : i32
          %dma_wait3A_182 = arith.constant 0 : i32
          %dma_wait3A_183 = arith.constant 0 : i32
          %dma_wait3A_184 = tpu.memref_slice %arg17[%dma_wait3A_182, %dma_wait3A_183] : memref<256x96xf32, #tpu.memory_space<vmem>> -> memref<128x96xf32, #tpu.memory_space<vmem>>
          %dma_wait3A_185 = arith.constant 0 : i32
          %dma_wait3A_186 = tpu.memref_slice %arg15[%sub3A_180, %dma_wait3A_185] : memref<80x128xi32, #tpu.memory_space<vmem>> -> memref<1x128xi32, #tpu.memory_space<vmem>>
          %dma_wait3A_187 = tpu.memref_squeeze %dma_wait3A_186 : memref<1x128xi32, #tpu.memory_space<vmem>> -> memref<128xi32, #tpu.memory_space<vmem>>
          %dma_wait3A_188 = arith.constant 0 : i32
          %dma_wait3A_189 = arith.constant 0 : i32
          %dma_wait3A_190 = tpu.memref_slice %arg20[%dma_wait3A_188, %dma_wait3A_189] : memref<10240x96xf32, #tpu.memory_space<vmem_shared>> -> memref<10240x96xf32, #tpu.memory_space<vmem_shared>>
          %dma_wait3A_191 = tpu.memref_slice %arg19[%dma_wait3A_181] : memref<2x!tpu.dma_semaphore, #tpu.memory_space<semaphore_mem>> -> memref<1x!tpu.dma_semaphore, #tpu.memory_space<semaphore_mem>>
          %dma_wait3A_192 = tpu.memref_squeeze %dma_wait3A_191 : memref<1x!tpu.dma_semaphore, #tpu.memory_space<semaphore_mem>> -> memref<!tpu.dma_semaphore, #tpu.memory_space<semaphore_mem>>
          tpu.wait_indirect_dma semaphore(%dma_wait3A_192 : memref<!tpu.dma_semaphore, #tpu.memory_space<semaphore_mem>>) src(%dma_wait3A_184 : memref<128x96xf32, #tpu.memory_space<vmem>>) dst(%dma_wait3A_190 : memref<10240x96xf32, #tpu.memory_space<vmem_shared>>)
        } else {
        }
        %add3A_155 = arith.constant 1 : i32
        %add3A_156 = arith.addi %add3A_137, %add3A_155 : i32
        %lt3A_157 = arith.constant 80 : i32
        %lt3A_158 = arith.cmpi slt, %add3A_156, %lt3A_157 : i32
        %convert_element_type3A_159 = arith.extui %lt3A_158 : i1 to i32
        %cond3A_160 = arith.constant 0 : i32
        %cond3A_161 = arith.cmpi ne, %convert_element_type3A_159, %cond3A_160 : i32
        scf.if %cond3A_161 {
          %add3A_180 = arith.constant 1 : i32
          %add3A_181 = arith.addi %add3A_137, %add3A_180 : i32
          %dma_start3A_182 = arith.constant 0 : i32
          %dma_start3A_183 = arith.constant 0 : i32
          %dma_start3A_184 = arith.constant 0 : i32
          %dma_start3A_185 = tpu.memref_slice %arg16[%dma_start3A_183, %dma_start3A_184] : memref<256x48xi32, #tpu.memory_space<vmem>> -> memref<128x48xi32, #tpu.memory_space<vmem>>
          %dma_start3A_186 = arith.constant 0 : i32
          %dma_start3A_187 = tpu.memref_slice %arg14[%add3A_181, %dma_start3A_186] : memref<80x128xi32, #tpu.memory_space<vmem>> -> memref<1x128xi32, #tpu.memory_space<vmem>>
          %dma_start3A_188 = tpu.memref_squeeze %dma_start3A_187 : memref<1x128xi32, #tpu.memory_space<vmem>> -> memref<128xi32, #tpu.memory_space<vmem>>
          %dma_start3A_189 = arith.constant 0 : i32
          %dma_start3A_190 = arith.constant 0 : i32
          %dma_start3A_191 = tpu.memref_slice %arg3[%dma_start3A_189, %dma_start3A_190] : memref<10240x48xi32, #tpu.memory_space<hbm>> -> memref<10240x48xi32, #tpu.memory_space<hbm>>
          %dma_start3A_192 = tpu.memref_slice %arg18[%dma_start3A_182] : memref<2x!tpu.dma_semaphore, #tpu.memory_space<semaphore_mem>> -> memref<1x!tpu.dma_semaphore, #tpu.memory_space<semaphore_mem>>
          %dma_start3A_193 = tpu.memref_squeeze %dma_start3A_192 : memref<1x!tpu.dma_semaphore, #tpu.memory_space<semaphore_mem>> -> memref<!tpu.dma_semaphore, #tpu.memory_space<semaphore_mem>>
          tpu.enqueue_indirect_dma source(%dma_start3A_191 : memref<10240x48xi32, #tpu.memory_space<hbm>>) target(%dma_start3A_185 : memref<128x48xi32, #tpu.memory_space<vmem>>) offsets(%dma_start3A_188 : memref<128xi32, #tpu.memory_space<vmem>>) semaphore(%dma_start3A_193 : memref<!tpu.dma_semaphore, #tpu.memory_space<semaphore_mem>>)
        } else {
        }
        %scan3A_162 = arith.constant 0 : i32
        %scan3A_163 = arith.constant 0 : i32
        %scan3A_164 = arith.constant 128 : i32
        %scan3A_165 = arith.addi %scan3A_163, %scan3A_164 : i32
        %scan3A_166 = arith.constant 1 : i32
        scf.for %scan3A_180 = %scan3A_163 to %scan3A_165 step %scan3A_166  : i32 {
          %add3A_181 = arith.constant 128 : i32
          %add3A_182 = arith.addi %add3A_181, %scan3A_180 : i32
          %get3A = arith.index_cast %add3A_182 : i32 to index
          %get3A_183 = arith.constant 0 : index
          %get3A_184 = tpu.vector_load %arg16[%get3A, %get3A_183] {strides = array<i32>} : memref<256x48xi32, #tpu.memory_space<vmem>>, vector<1x16xi32>,
          %get3A_185 = vector.shape_cast %get3A_184 : vector<1x16xi32> to vector<16xi32>
          %shift_left3A = arith.constant 16 : i32
          %shift_left3A_186 = vector.broadcast %shift_left3A : i32 to vector<16xi32>
          %shift_left3A_187 = arith.shli %get3A_185, %shift_left3A_186 : vector<16xi32>
          %bitcast_convert_type3A = tpu.bitcast %shift_left3A_187 : vector<16xi32> -> vector<16xf32>
          %and3A = arith.constant -65536 : i32
          %and3A_188 = vector.broadcast %and3A : i32 to vector<16xi32>
          %and3A_189 = arith.andi %get3A_185, %and3A_188 : vector<16xi32>
          %bitcast_convert_type3A_190 = tpu.bitcast %and3A_189 : vector<16xi32> -> vector<16xf32>
          %add3A_191 = arith.constant 128 : i32
          %add3A_192 = arith.addi %add3A_191, %scan3A_180 : i32
          %swap3A = arith.index_cast %add3A_192 : i32 to index
          %swap3A_193 = arith.constant 0 : index
          %swap3A_194 = tpu.vector_load %arg17[%swap3A, %swap3A_193] {strides = array<i32>} : memref<256x96xf32, #tpu.memory_space<vmem>>, vector<1x16xf32>,
          %swap3A_195 = vector.shape_cast %swap3A_194 : vector<1x16xf32> to vector<16xf32>
          %swap3A_196 = vector.shape_cast %bitcast_convert_type3A : vector<16xf32> to vector<1x16xf32>
          tpu.vector_store %arg17[%swap3A, %swap3A_193], %swap3A_196 {strides = array<i32>} : memref<256x96xf32, #tpu.memory_space<vmem>>, vector<1x16xf32>,
          %add3A_197 = arith.constant 128 : i32
          %add3A_198 = arith.addi %add3A_197, %scan3A_180 : i32
          %swap3A_199 = arith.index_cast %add3A_198 : i32 to index
          %swap3A_200 = arith.constant 48 : index
          %swap3A_201 = tpu.vector_load %arg17[%swap3A_199, %swap3A_200] {strides = array<i32>} : memref<256x96xf32, #tpu.memory_space<vmem>>, vector<1x16xf32>,
          %swap3A_202 = vector.shape_cast %swap3A_201 : vector<1x16xf32> to vector<16xf32>
          %swap3A_203 = vector.shape_cast %bitcast_convert_type3A_190 : vector<16xf32> to vector<1x16xf32>
          tpu.vector_store %arg17[%swap3A_199, %swap3A_200], %swap3A_203 {strides = array<i32>} : memref<256x96xf32, #tpu.memory_space<vmem>>, vector<1x16xf32>,
          %add3A_204 = arith.constant 128 : i32
          %add3A_205 = arith.addi %add3A_204, %scan3A_180 : i32
          %get3A_206 = arith.index_cast %add3A_205 : i32 to index
          %get3A_207 = arith.constant 16 : index
          %get3A_208 = tpu.vector_load %arg16[%get3A_206, %get3A_207] {strides = array<i32>} : memref<256x48xi32, #tpu.memory_space<vmem>>, vector<1x16xi32>,
          %get3A_209 = vector.shape_cast %get3A_208 : vector<1x16xi32> to vector<16xi32>
          %shift_left3A_210 = arith.constant 16 : i32
          %shift_left3A_211 = vector.broadcast %shift_left3A_210 : i32 to vector<16xi32>
          %shift_left3A_212 = arith.shli %get3A_209, %shift_left3A_211 : vector<16xi32>
          %bitcast_convert_type3A_213 = tpu.bitcast %shift_left3A_212 : vector<16xi32> -> vector<16xf32>
          %and3A_214 = arith.constant -65536 : i32
          %and3A_215 = vector.broadcast %and3A_214 : i32 to vector<16xi32>
          %and3A_216 = arith.andi %get3A_209, %and3A_215 : vector<16xi32>
          %bitcast_convert_type3A_217 = tpu.bitcast %and3A_216 : vector<16xi32> -> vector<16xf32>
          %add3A_218 = arith.constant 128 : i32
          %add3A_219 = arith.addi %add3A_218, %scan3A_180 : i32
          %swap3A_220 = arith.index_cast %add3A_219 : i32 to index
          %swap3A_221 = arith.constant 16 : index
          %swap3A_222 = tpu.vector_load %arg17[%swap3A_220, %swap3A_221] {strides = array<i32>} : memref<256x96xf32, #tpu.memory_space<vmem>>, vector<1x16xf32>,
          %swap3A_223 = vector.shape_cast %swap3A_222 : vector<1x16xf32> to vector<16xf32>
          %swap3A_224 = vector.shape_cast %bitcast_convert_type3A_213 : vector<16xf32> to vector<1x16xf32>
          tpu.vector_store %arg17[%swap3A_220, %swap3A_221], %swap3A_224 {strides = array<i32>} : memref<256x96xf32, #tpu.memory_space<vmem>>, vector<1x16xf32>,
          %add3A_225 = arith.constant 128 : i32
          %add3A_226 = arith.addi %add3A_225, %scan3A_180 : i32
          %swap3A_227 = arith.index_cast %add3A_226 : i32 to index
          %swap3A_228 = arith.constant 64 : index
          %swap3A_229 = tpu.vector_load %arg17[%swap3A_227, %swap3A_228] {strides = array<i32>} : memref<256x96xf32, #tpu.memory_space<vmem>>, vector<1x16xf32>,
          %swap3A_230 = vector.shape_cast %swap3A_229 : vector<1x16xf32> to vector<16xf32>
          %swap3A_231 = vector.shape_cast %bitcast_convert_type3A_217 : vector<16xf32> to vector<1x16xf32>
          tpu.vector_store %arg17[%swap3A_227, %swap3A_228], %swap3A_231 {strides = array<i32>} : memref<256x96xf32, #tpu.memory_space<vmem>>, vector<1x16xf32>,
          %add3A_232 = arith.constant 128 : i32
          %add3A_233 = arith.addi %add3A_232, %scan3A_180 : i32
          %get3A_234 = arith.index_cast %add3A_233 : i32 to index
          %get3A_235 = arith.constant 32 : index
          %get3A_236 = tpu.vector_load %arg16[%get3A_234, %get3A_235] {strides = array<i32>} : memref<256x48xi32, #tpu.memory_space<vmem>>, vector<1x16xi32>,
          %get3A_237 = vector.shape_cast %get3A_236 : vector<1x16xi32> to vector<16xi32>
          %shift_left3A_238 = arith.constant 16 : i32
          %shift_left3A_239 = vector.broadcast %shift_left3A_238 : i32 to vector<16xi32>
          %shift_left3A_240 = arith.shli %get3A_237, %shift_left3A_239 : vector<16xi32>
          %bitcast_convert_type3A_241 = tpu.bitcast %shift_left3A_240 : vector<16xi32> -> vector<16xf32>
          %and3A_242 = arith.constant -65536 : i32
          %and3A_243 = vector.broadcast %and3A_242 : i32 to vector<16xi32>
          %and3A_244 = arith.andi %get3A_237, %and3A_243 : vector<16xi32>
          %bitcast_convert_type3A_245 = tpu.bitcast %and3A_244 : vector<16xi32> -> vector<16xf32>
          %add3A_246 = arith.constant 128 : i32
          %add3A_247 = arith.addi %add3A_246, %scan3A_180 : i32
          %swap3A_248 = arith.index_cast %add3A_247 : i32 to index
          %swap3A_249 = arith.constant 32 : index
          %swap3A_250 = tpu.vector_load %arg17[%swap3A_248, %swap3A_249] {strides = array<i32>} : memref<256x96xf32, #tpu.memory_space<vmem>>, vector<1x16xf32>,
          %swap3A_251 = vector.shape_cast %swap3A_250 : vector<1x16xf32> to vector<16xf32>
          %swap3A_252 = vector.shape_cast %bitcast_convert_type3A_241 : vector<16xf32> to vector<1x16xf32>
          tpu.vector_store %arg17[%swap3A_248, %swap3A_249], %swap3A_252 {strides = array<i32>} : memref<256x96xf32, #tpu.memory_space<vmem>>, vector<1x16xf32>,
          %add3A_253 = arith.constant 128 : i32
          %add3A_254 = arith.addi %add3A_253, %scan3A_180 : i32
          %swap3A_255 = arith.index_cast %add3A_254 : i32 to index
          %swap3A_256 = arith.constant 80 : index
          %swap3A_257 = tpu.vector_load %arg17[%swap3A_255, %swap3A_256] {strides = array<i32>} : memref<256x96xf32, #tpu.memory_space<vmem>>, vector<1x16xf32>,
          %swap3A_258 = vector.shape_cast %swap3A_257 : vector<1x16xf32> to vector<16xf32>
          %swap3A_259 = vector.shape_cast %bitcast_convert_type3A_245 : vector<16xf32> to vector<1x16xf32>
          tpu.vector_store %arg17[%swap3A_255, %swap3A_256], %swap3A_259 {strides = array<i32>} : memref<256x96xf32, #tpu.memory_space<vmem>>, vector<1x16xf32>,
        }
        %scan3A_167 = arith.constant 128 : i32
        %dma_start3A_168 = arith.constant 1 : i32
        %dma_start3A_169 = arith.constant 128 : i32
        %dma_start3A_170 = arith.constant 0 : i32
        %dma_start3A_171 = tpu.memref_slice %arg17[%dma_start3A_169, %dma_start3A_170] : memref<256x96xf32, #tpu.memory_space<vmem>> -> memref<128x96xf32, #tpu.memory_space<vmem>>
        %dma_start3A_172 = arith.constant 0 : i32
        %dma_start3A_173 = tpu.memref_slice %arg15[%add3A_137, %dma_start3A_172] : memref<80x128xi32, #tpu.memory_space<vmem>> -> memref<1x128xi32, #tpu.memory_space<vmem>>
        %dma_start3A_174 = tpu.memref_squeeze %dma_start3A_173 : memref<1x128xi32, #tpu.memory_space<vmem>> -> memref<128xi32, #tpu.memory_space<vmem>>
        %dma_start3A_175 = arith.constant 0 : i32
        %dma_start3A_176 = arith.constant 0 : i32
        %dma_start3A_177 = tpu.memref_slice %arg20[%dma_start3A_175, %dma_start3A_176] : memref<10240x96xf32, #tpu.memory_space<vmem_shared>> -> memref<10240x96xf32, #tpu.memory_space<vmem_shared>>
        %dma_start3A_178 = tpu.memref_slice %arg19[%dma_start3A_168] : memref<2x!tpu.dma_semaphore, #tpu.memory_space<semaphore_mem>> -> memref<1x!tpu.dma_semaphore, #tpu.memory_space<semaphore_mem>>
        %dma_start3A_179 = tpu.memref_squeeze %dma_start3A_178 : memref<1x!tpu.dma_semaphore, #tpu.memory_space<semaphore_mem>> -> memref<!tpu.dma_semaphore, #tpu.memory_space<semaphore_mem>>
        tpu.enqueue_indirect_dma source(%dma_start3A_171 : memref<128x96xf32, #tpu.memory_space<vmem>>) target(%dma_start3A_177 : memref<10240x96xf32, #tpu.memory_space<vmem_shared>>) offsets(%dma_start3A_174 : memref<128xi32, #tpu.memory_space<vmem>>) semaphore(%dma_start3A_179 : memref<!tpu.dma_semaphore, #tpu.memory_space<semaphore_mem>>) {add = true}
      }
      %scan3A_30 = arith.constant 40 : i32
      %dma_wait3A = arith.constant 79 : i32
      %dma_wait3A_31 = arith.constant 1 : i32
      %dma_wait3A_32 = arith.constant 128 : i32
      %dma_wait3A_33 = arith.constant 0 : i32
      %dma_wait3A_34 = tpu.memref_slice %arg17[%dma_wait3A_32, %dma_wait3A_33] : memref<256x96xf32, #tpu.memory_space<vmem>> -> memref<128x96xf32, #tpu.memory_space<vmem>>
      %dma_wait3A_35 = arith.constant 0 : i32
      %dma_wait3A_36 = tpu.memref_slice %arg15[%dma_wait3A, %dma_wait3A_35] : memref<80x128xi32, #tpu.memory_space<vmem>> -> memref<1x128xi32, #tpu.memory_space<vmem>>
      %dma_wait3A_37 = tpu.memref_squeeze %dma_wait3A_36 : memref<1x128xi32, #tpu.memory_space<vmem>> -> memref<128xi32, #tpu.memory_space<vmem>>
      %dma_wait3A_38 = arith.constant 0 : i32
      %dma_wait3A_39 = arith.constant 0 : i32
      %dma_wait3A_40 = tpu.memref_slice %arg20[%dma_wait3A_38, %dma_wait3A_39] : memref<10240x96xf32, #tpu.memory_space<vmem_shared>> -> memref<10240x96xf32, #tpu.memory_space<vmem_shared>>
      %dma_wait3A_41 = tpu.memref_slice %arg19[%dma_wait3A_31] : memref<2x!tpu.dma_semaphore, #tpu.memory_space<semaphore_mem>> -> memref<1x!tpu.dma_semaphore, #tpu.memory_space<semaphore_mem>>
      %dma_wait3A_42 = tpu.memref_squeeze %dma_wait3A_41 : memref<1x!tpu.dma_semaphore, #tpu.memory_space<semaphore_mem>> -> memref<!tpu.dma_semaphore, #tpu.memory_space<semaphore_mem>>
      tpu.wait_indirect_dma semaphore(%dma_wait3A_42 : memref<!tpu.dma_semaphore, #tpu.memory_space<semaphore_mem>>) src(%dma_wait3A_34 : memref<128x96xf32, #tpu.memory_space<vmem>>) dst(%dma_wait3A_40 : memref<10240x96xf32, #tpu.memory_space<vmem_shared>>)
      %barrier3A_43 = arith.constant 0 : index
      tpu.barrier barrier_id(%barrier3A_43)
      %scan3A_44 = arith.constant 0 : i32
      %scan3A_45 = arith.constant 0 : i32
      %scan3A_46 = arith.constant 5 : i32
      %scan3A_47 = arith.addi %scan3A_45, %scan3A_46 : i32
      %scan3A_48 = arith.constant 1 : i32
      scf.for %scan3A_90 = %scan3A_45 to %scan3A_47 step %scan3A_48  : i32 {
        %mul3A_91 = arith.constant 640 : i32
        %mul3A_92 = arith.muli %arg1, %mul3A_91 : i32
        %mul3A_93 = arith.constant 128 : i32
        %mul3A_94 = arith.muli %scan3A_90, %mul3A_93 : i32
        %add3A = arith.addi %mul3A_92, %mul3A_94 : i32
        %multiple_of3A_95 = tpu.assume_multiple %add3A, 8 : i32
        "tpu.region"() ({
          %run_scoped3A = tpu.sem_alloc : memref<!tpu.dma_semaphore, #tpu.memory_space<semaphore_mem>>
          %dma_start3A_102 = arith.constant 0 : i32
          %dma_start3A_103 = arith.constant 0 : i32
          %dma_start3A_104 = tpu.memref_slice %arg17[%dma_start3A_102, %dma_start3A_103] : memref<256x96xf32, #tpu.memory_space<vmem>> -> memref<128x96xf32, #tpu.memory_space<vmem>>
          %dma_start3A_105 = arith.constant 0 : i32
          %dma_start3A_106 = tpu.memref_slice %arg20[%multiple_of3A_95, %dma_start3A_105] : memref<10240x96xf32, #tpu.memory_space<vmem_shared>> -> memref<128x96xf32, #tpu.memory_space<vmem_shared>>
          %dma_start3A_107 = arith.constant 0 : i32
          %dma_start3A_108 = arith.constant 0 : i32
          %dma_start3A_109 = tpu.memref_slice %arg17[%dma_start3A_107, %dma_start3A_108] : memref<256x96xf32, #tpu.memory_space<vmem>> -> memref<128x96xf32, #tpu.memory_space<vmem>>
          %dma_start3A_110 = arith.constant 0 : i32
          %dma_start3A_111 = tpu.memref_slice %arg20[%multiple_of3A_95, %dma_start3A_110] : memref<10240x96xf32, #tpu.memory_space<vmem_shared>> -> memref<128x96xf32, #tpu.memory_space<vmem_shared>>
          tpu.enqueue_dma source(%dma_start3A_111 : memref<128x96xf32, #tpu.memory_space<vmem_shared>>) target(%dma_start3A_109 : memref<128x96xf32, #tpu.memory_space<vmem>>) target_semaphore(%run_scoped3A : memref<!tpu.dma_semaphore, #tpu.memory_space<semaphore_mem>>)
          %dma_wait3A_112 = arith.constant 0 : i32
          %dma_wait3A_113 = arith.constant 0 : i32
          %dma_wait3A_114 = tpu.memref_slice %arg17[%dma_wait3A_112, %dma_wait3A_113] : memref<256x96xf32, #tpu.memory_space<vmem>> -> memref<128x96xf32, #tpu.memory_space<vmem>>
          %dma_wait3A_115 = arith.constant 0 : i32
          %dma_wait3A_116 = tpu.memref_slice %arg20[%multiple_of3A_95, %dma_wait3A_115] : memref<10240x96xf32, #tpu.memory_space<vmem_shared>> -> memref<128x96xf32, #tpu.memory_space<vmem_shared>>
          %dma_wait3A_117 = arith.constant 0 : i32
          %dma_wait3A_118 = arith.constant 0 : i32
          %dma_wait3A_119 = tpu.memref_slice %arg17[%dma_wait3A_117, %dma_wait3A_118] : memref<256x96xf32, #tpu.memory_space<vmem>> -> memref<128x96xf32, #tpu.memory_space<vmem>>
          %dma_wait3A_120 = arith.constant 0 : i32
          %dma_wait3A_121 = tpu.memref_slice %arg20[%multiple_of3A_95, %dma_wait3A_120] : memref<10240x96xf32, #tpu.memory_space<vmem_shared>> -> memref<128x96xf32, #tpu.memory_space<vmem_shared>>
          tpu.wait_dma2 semaphore(%run_scoped3A : memref<!tpu.dma_semaphore, #tpu.memory_space<semaphore_mem>>) src(%dma_wait3A_121 : memref<128x96xf32, #tpu.memory_space<vmem_shared>>) dst(%dma_wait3A_119 : memref<128x96xf32, #tpu.memory_space<vmem>>)
          tpu.yield
        }) : () -> ()
        "tpu.region"() ({
          %run_scoped3A = tpu.sem_alloc : memref<!tpu.dma_semaphore, #tpu.memory_space<semaphore_mem>>
          %dma_start3A_102 = arith.constant 0 : i32
          %dma_start3A_103 = arith.constant 0 : i32
          %dma_start3A_104 = tpu.memref_slice %arg17[%dma_start3A_102, %dma_start3A_103] : memref<256x96xf32, #tpu.memory_space<vmem>> -> memref<128x96xf32, #tpu.memory_space<vmem>>
          %dma_start3A_105 = arith.constant 0 : i32
          %dma_start3A_106 = tpu.memref_slice %arg9[%multiple_of3A_95, %dma_start3A_105] : memref<10240x96xf32, #tpu.memory_space<hbm>> -> memref<128x96xf32, #tpu.memory_space<hbm>>
          %dma_start3A_107 = arith.constant 0 : i32
          %dma_start3A_108 = tpu.memref_slice %arg9[%multiple_of3A_95, %dma_start3A_107] : memref<10240x96xf32, #tpu.memory_space<hbm>> -> memref<128x96xf32, #tpu.memory_space<hbm>>
          %dma_start3A_109 = arith.constant 0 : i32
          %dma_start3A_110 = arith.constant 0 : i32
          %dma_start3A_111 = tpu.memref_slice %arg17[%dma_start3A_109, %dma_start3A_110] : memref<256x96xf32, #tpu.memory_space<vmem>> -> memref<128x96xf32, #tpu.memory_space<vmem>>
          tpu.enqueue_dma source(%dma_start3A_111 : memref<128x96xf32, #tpu.memory_space<vmem>>) target(%dma_start3A_108 : memref<128x96xf32, #tpu.memory_space<hbm>>) target_semaphore(%run_scoped3A : memref<!tpu.dma_semaphore, #tpu.memory_space<semaphore_mem>>)
          %dma_wait3A_112 = arith.constant 0 : i32
          %dma_wait3A_113 = arith.constant 0 : i32
          %dma_wait3A_114 = tpu.memref_slice %arg17[%dma_wait3A_112, %dma_wait3A_113] : memref<256x96xf32, #tpu.memory_space<vmem>> -> memref<128x96xf32, #tpu.memory_space<vmem>>
          %dma_wait3A_115 = arith.constant 0 : i32
          %dma_wait3A_116 = tpu.memref_slice %arg9[%multiple_of3A_95, %dma_wait3A_115] : memref<10240x96xf32, #tpu.memory_space<hbm>> -> memref<128x96xf32, #tpu.memory_space<hbm>>
          %dma_wait3A_117 = arith.constant 0 : i32
          %dma_wait3A_118 = tpu.memref_slice %arg9[%multiple_of3A_95, %dma_wait3A_117] : memref<10240x96xf32, #tpu.memory_space<hbm>> -> memref<128x96xf32, #tpu.memory_space<hbm>>
          %dma_wait3A_119 = arith.constant 0 : i32
          %dma_wait3A_120 = arith.constant 0 : i32
          %dma_wait3A_121 = tpu.memref_slice %arg17[%dma_wait3A_119, %dma_wait3A_120] : memref<256x96xf32, #tpu.memory_space<vmem>> -> memref<128x96xf32, #tpu.memory_space<vmem>>
          tpu.wait_dma2 semaphore(%run_scoped3A : memref<!tpu.dma_semaphore, #tpu.memory_space<semaphore_mem>>) src(%dma_wait3A_121 : memref<128x96xf32, #tpu.memory_space<vmem>>) dst(%dma_wait3A_118 : memref<128x96xf32, #tpu.memory_space<hbm>>)
          tpu.yield
        }) : () -> ()
        %scan3A_96 = arith.constant 0 : i32
        %scan3A_97 = arith.constant 0 : i32
        %scan3A_98 = arith.constant 128 : i32
        %scan3A_99 = arith.addi %scan3A_97, %scan3A_98 : i32
        %scan3A_100 = arith.constant 1 : i32
        scf.for %scan3A_102 = %scan3A_97 to %scan3A_99 step %scan3A_100  : i32 {
          %get3A = arith.index_cast %scan3A_102 : i32 to index
          %get3A_103 = arith.constant 0 : index
          %get3A_104 = tpu.vector_load %arg17[%get3A, %get3A_103] {strides = array<i32>} : memref<256x96xf32, #tpu.memory_space<vmem>>, vector<1x16xf32>,
          %get3A_105 = vector.shape_cast %get3A_104 : vector<1x16xf32> to vector<16xf32>
          %bitcast_convert_type3A = tpu.bitcast %get3A_105 : vector<16xf32> -> vector<16xi32>
          %add3A_106 = arith.constant 32767 : i32
          %add3A_107 = vector.broadcast %add3A_106 : i32 to vector<16xi32>
          %add3A_108 = arith.addi %bitcast_convert_type3A, %add3A_107 : vector<16xi32>
          %shift_right_logical3A = arith.constant 16 : i32
          %shift_right_logical3A_109 = vector.broadcast %shift_right_logical3A : i32 to vector<16xi32>
          %shift_right_logical3A_110 = arith.shrui %bitcast_convert_type3A, %shift_right_logical3A_109 : vector<16xi32>
          %and3A = arith.constant 1 : i32
          %and3A_111 = vector.broadcast %and3A : i32 to vector<16xi32>
          %and3A_112 = arith.andi %shift_right_logical3A_110, %and3A_111 : vector<16xi32>
          %add3A_113 = arith.addi %add3A_108, %and3A_112 : vector<16xi32>
          %and3A_114 = arith.constant -65536 : i32
          %and3A_115 = vector.broadcast %and3A_114 : i32 to vector<16xi32>
          %and3A_116 = arith.andi %add3A_113, %and3A_115 : vector<16xi32>
          %get3A_117 = arith.index_cast %scan3A_102 : i32 to index
          %get3A_118 = arith.constant 48 : index
          %get3A_119 = tpu.vector_load %arg17[%get3A_117, %get3A_118] {strides = array<i32>} : memref<256x96xf32, #tpu.memory_space<vmem>>, vector<1x16xf32>,
          %get3A_120 = vector.shape_cast %get3A_119 : vector<1x16xf32> to vector<16xf32>
          %bitcast_convert_type3A_121 = tpu.bitcast %get3A_120 : vector<16xf32> -> vector<16xi32>
          %add3A_122 = arith.constant 32767 : i32
          %add3A_123 = vector.broadcast %add3A_122 : i32 to vector<16xi32>
          %add3A_124 = arith.addi %bitcast_convert_type3A_121, %add3A_123 : vector<16xi32>
          %shift_right_logical3A_125 = arith.constant 16 : i32
          %shift_right_logical3A_126 = vector.broadcast %shift_right_logical3A_125 : i32 to vector<16xi32>
          %shift_right_logical3A_127 = arith.shrui %bitcast_convert_type3A_121, %shift_right_logical3A_126 : vector<16xi32>
          %and3A_128 = arith.constant 1 : i32
          %and3A_129 = vector.broadcast %and3A_128 : i32 to vector<16xi32>
          %and3A_130 = arith.andi %shift_right_logical3A_127, %and3A_129 : vector<16xi32>
          %add3A_131 = arith.addi %add3A_124, %and3A_130 : vector<16xi32>
          %and3A_132 = arith.constant -65536 : i32
          %and3A_133 = vector.broadcast %and3A_132 : i32 to vector<16xi32>
          %and3A_134 = arith.andi %add3A_131, %and3A_133 : vector<16xi32>
          %shift_right_logical3A_135 = arith.constant 16 : i32
          %shift_right_logical3A_136 = vector.broadcast %shift_right_logical3A_135 : i32 to vector<16xi32>
          %shift_right_logical3A_137 = arith.shrui %and3A_116, %shift_right_logical3A_136 : vector<16xi32>
          %or3A = arith.ori %shift_right_logical3A_137, %and3A_134 : vector<16xi32>
          %swap3A = arith.index_cast %scan3A_102 : i32 to index
          %swap3A_138 = arith.constant 0 : index
          %swap3A_139 = tpu.vector_load %arg16[%swap3A, %swap3A_138] {strides = array<i32>} : memref<256x48xi32, #tpu.memory_space<vmem>>, vector<1x16xi32>,
          %swap3A_140 = vector.shape_cast %swap3A_139 : vector<1x16xi32> to vector<16xi32>
          %swap3A_141 = vector.shape_cast %or3A : vector<16xi32> to vector<1x16xi32>
          tpu.vector_store %arg16[%swap3A, %swap3A_138], %swap3A_141 {strides = array<i32>} : memref<256x48xi32, #tpu.memory_space<vmem>>, vector<1x16xi32>,
          %get3A_142 = arith.index_cast %scan3A_102 : i32 to index
          %get3A_143 = arith.constant 16 : index
          %get3A_144 = tpu.vector_load %arg17[%get3A_142, %get3A_143] {strides = array<i32>} : memref<256x96xf32, #tpu.memory_space<vmem>>, vector<1x16xf32>,
          %get3A_145 = vector.shape_cast %get3A_144 : vector<1x16xf32> to vector<16xf32>
          %bitcast_convert_type3A_146 = tpu.bitcast %get3A_145 : vector<16xf32> -> vector<16xi32>
          %add3A_147 = arith.constant 32767 : i32
          %add3A_148 = vector.broadcast %add3A_147 : i32 to vector<16xi32>
          %add3A_149 = arith.addi %bitcast_convert_type3A_146, %add3A_148 : vector<16xi32>
          %shift_right_logical3A_150 = arith.constant 16 : i32
          %shift_right_logical3A_151 = vector.broadcast %shift_right_logical3A_150 : i32 to vector<16xi32>
          %shift_right_logical3A_152 = arith.shrui %bitcast_convert_type3A_146, %shift_right_logical3A_151 : vector<16xi32>
          %and3A_153 = arith.constant 1 : i32
          %and3A_154 = vector.broadcast %and3A_153 : i32 to vector<16xi32>
          %and3A_155 = arith.andi %shift_right_logical3A_152, %and3A_154 : vector<16xi32>
          %add3A_156 = arith.addi %add3A_149, %and3A_155 : vector<16xi32>
          %and3A_157 = arith.constant -65536 : i32
          %and3A_158 = vector.broadcast %and3A_157 : i32 to vector<16xi32>
          %and3A_159 = arith.andi %add3A_156, %and3A_158 : vector<16xi32>
          %get3A_160 = arith.index_cast %scan3A_102 : i32 to index
          %get3A_161 = arith.constant 64 : index
          %get3A_162 = tpu.vector_load %arg17[%get3A_160, %get3A_161] {strides = array<i32>} : memref<256x96xf32, #tpu.memory_space<vmem>>, vector<1x16xf32>,
          %get3A_163 = vector.shape_cast %get3A_162 : vector<1x16xf32> to vector<16xf32>
          %bitcast_convert_type3A_164 = tpu.bitcast %get3A_163 : vector<16xf32> -> vector<16xi32>
          %add3A_165 = arith.constant 32767 : i32
          %add3A_166 = vector.broadcast %add3A_165 : i32 to vector<16xi32>
          %add3A_167 = arith.addi %bitcast_convert_type3A_164, %add3A_166 : vector<16xi32>
          %shift_right_logical3A_168 = arith.constant 16 : i32
          %shift_right_logical3A_169 = vector.broadcast %shift_right_logical3A_168 : i32 to vector<16xi32>
          %shift_right_logical3A_170 = arith.shrui %bitcast_convert_type3A_164, %shift_right_logical3A_169 : vector<16xi32>
          %and3A_171 = arith.constant 1 : i32
          %and3A_172 = vector.broadcast %and3A_171 : i32 to vector<16xi32>
          %and3A_173 = arith.andi %shift_right_logical3A_170, %and3A_172 : vector<16xi32>
          %add3A_174 = arith.addi %add3A_167, %and3A_173 : vector<16xi32>
          %and3A_175 = arith.constant -65536 : i32
          %and3A_176 = vector.broadcast %and3A_175 : i32 to vector<16xi32>
          %and3A_177 = arith.andi %add3A_174, %and3A_176 : vector<16xi32>
          %shift_right_logical3A_178 = arith.constant 16 : i32
          %shift_right_logical3A_179 = vector.broadcast %shift_right_logical3A_178 : i32 to vector<16xi32>
          %shift_right_logical3A_180 = arith.shrui %and3A_159, %shift_right_logical3A_179 : vector<16xi32>
          %or3A_181 = arith.ori %shift_right_logical3A_180, %and3A_177 : vector<16xi32>
          %swap3A_182 = arith.index_cast %scan3A_102 : i32 to index
          %swap3A_183 = arith.constant 16 : index
          %swap3A_184 = tpu.vector_load %arg16[%swap3A_182, %swap3A_183] {strides = array<i32>} : memref<256x48xi32, #tpu.memory_space<vmem>>, vector<1x16xi32>,
          %swap3A_185 = vector.shape_cast %swap3A_184 : vector<1x16xi32> to vector<16xi32>
          %swap3A_186 = vector.shape_cast %or3A_181 : vector<16xi32> to vector<1x16xi32>
          tpu.vector_store %arg16[%swap3A_182, %swap3A_183], %swap3A_186 {strides = array<i32>} : memref<256x48xi32, #tpu.memory_space<vmem>>, vector<1x16xi32>,
          %get3A_187 = arith.index_cast %scan3A_102 : i32 to index
          %get3A_188 = arith.constant 32 : index
          %get3A_189 = tpu.vector_load %arg17[%get3A_187, %get3A_188] {strides = array<i32>} : memref<256x96xf32, #tpu.memory_space<vmem>>, vector<1x16xf32>,
          %get3A_190 = vector.shape_cast %get3A_189 : vector<1x16xf32> to vector<16xf32>
          %bitcast_convert_type3A_191 = tpu.bitcast %get3A_190 : vector<16xf32> -> vector<16xi32>
          %add3A_192 = arith.constant 32767 : i32
          %add3A_193 = vector.broadcast %add3A_192 : i32 to vector<16xi32>
          %add3A_194 = arith.addi %bitcast_convert_type3A_191, %add3A_193 : vector<16xi32>
          %shift_right_logical3A_195 = arith.constant 16 : i32
          %shift_right_logical3A_196 = vector.broadcast %shift_right_logical3A_195 : i32 to vector<16xi32>
          %shift_right_logical3A_197 = arith.shrui %bitcast_convert_type3A_191, %shift_right_logical3A_196 : vector<16xi32>
          %and3A_198 = arith.constant 1 : i32
          %and3A_199 = vector.broadcast %and3A_198 : i32 to vector<16xi32>
          %and3A_200 = arith.andi %shift_right_logical3A_197, %and3A_199 : vector<16xi32>
          %add3A_201 = arith.addi %add3A_194, %and3A_200 : vector<16xi32>
          %and3A_202 = arith.constant -65536 : i32
          %and3A_203 = vector.broadcast %and3A_202 : i32 to vector<16xi32>
          %and3A_204 = arith.andi %add3A_201, %and3A_203 : vector<16xi32>
          %get3A_205 = arith.index_cast %scan3A_102 : i32 to index
          %get3A_206 = arith.constant 80 : index
          %get3A_207 = tpu.vector_load %arg17[%get3A_205, %get3A_206] {strides = array<i32>} : memref<256x96xf32, #tpu.memory_space<vmem>>, vector<1x16xf32>,
          %get3A_208 = vector.shape_cast %get3A_207 : vector<1x16xf32> to vector<16xf32>
          %bitcast_convert_type3A_209 = tpu.bitcast %get3A_208 : vector<16xf32> -> vector<16xi32>
          %add3A_210 = arith.constant 32767 : i32
          %add3A_211 = vector.broadcast %add3A_210 : i32 to vector<16xi32>
          %add3A_212 = arith.addi %bitcast_convert_type3A_209, %add3A_211 : vector<16xi32>
          %shift_right_logical3A_213 = arith.constant 16 : i32
          %shift_right_logical3A_214 = vector.broadcast %shift_right_logical3A_213 : i32 to vector<16xi32>
          %shift_right_logical3A_215 = arith.shrui %bitcast_convert_type3A_209, %shift_right_logical3A_214 : vector<16xi32>
          %and3A_216 = arith.constant 1 : i32
          %and3A_217 = vector.broadcast %and3A_216 : i32 to vector<16xi32>
          %and3A_218 = arith.andi %shift_right_logical3A_215, %and3A_217 : vector<16xi32>
          %add3A_219 = arith.addi %add3A_212, %and3A_218 : vector<16xi32>
          %and3A_220 = arith.constant -65536 : i32
          %and3A_221 = vector.broadcast %and3A_220 : i32 to vector<16xi32>
          %and3A_222 = arith.andi %add3A_219, %and3A_221 : vector<16xi32>
          %shift_right_logical3A_223 = arith.constant 16 : i32
          %shift_right_logical3A_224 = vector.broadcast %shift_right_logical3A_223 : i32 to vector<16xi32>
          %shift_right_logical3A_225 = arith.shrui %and3A_204, %shift_right_logical3A_224 : vector<16xi32>
          %or3A_226 = arith.ori %shift_right_logical3A_225, %and3A_222 : vector<16xi32>
          %swap3A_227 = arith.index_cast %scan3A_102 : i32 to index
          %swap3A_228 = arith.constant 32 : index
          %swap3A_229 = tpu.vector_load %arg16[%swap3A_227, %swap3A_228] {strides = array<i32>} : memref<256x48xi32, #tpu.memory_space<vmem>>, vector<1x16xi32>,
          %swap3A_230 = vector.shape_cast %swap3A_229 : vector<1x16xi32> to vector<16xi32>
          %swap3A_231 = vector.shape_cast %or3A_226 : vector<16xi32> to vector<1x16xi32>
          tpu.vector_store %arg16[%swap3A_227, %swap3A_228], %swap3A_231 {strides = array<i32>} : memref<256x48xi32, #tpu.memory_space<vmem>>, vector<1x16xi32>,
        }
        %scan3A_101 = arith.constant 128 : i32
        "tpu.region"() ({
          %run_scoped3A = tpu.sem_alloc : memref<!tpu.dma_semaphore, #tpu.memory_space<semaphore_mem>>
          %dma_start3A_102 = arith.constant 0 : i32
          %dma_start3A_103 = arith.constant 0 : i32
          %dma_start3A_104 = tpu.memref_slice %arg16[%dma_start3A_102, %dma_start3A_103] : memref<256x48xi32, #tpu.memory_space<vmem>> -> memref<128x48xi32, #tpu.memory_space<vmem>>
          %dma_start3A_105 = arith.constant 0 : i32
          %dma_start3A_106 = tpu.memref_slice %arg13[%multiple_of3A_95, %dma_start3A_105] : memref<10240x48xi32, #tpu.memory_space<hbm>> -> memref<128x48xi32, #tpu.memory_space<hbm>>
          %dma_start3A_107 = arith.constant 0 : i32
          %dma_start3A_108 = tpu.memref_slice %arg13[%multiple_of3A_95, %dma_start3A_107] : memref<10240x48xi32, #tpu.memory_space<hbm>> -> memref<128x48xi32, #tpu.memory_space<hbm>>
          %dma_start3A_109 = arith.constant 0 : i32
          %dma_start3A_110 = arith.constant 0 : i32
          %dma_start3A_111 = tpu.memref_slice %arg16[%dma_start3A_109, %dma_start3A_110] : memref<256x48xi32, #tpu.memory_space<vmem>> -> memref<128x48xi32, #tpu.memory_space<vmem>>
          tpu.enqueue_dma source(%dma_start3A_111 : memref<128x48xi32, #tpu.memory_space<vmem>>) target(%dma_start3A_108 : memref<128x48xi32, #tpu.memory_space<hbm>>) target_semaphore(%run_scoped3A : memref<!tpu.dma_semaphore, #tpu.memory_space<semaphore_mem>>)
          %dma_wait3A_112 = arith.constant 0 : i32
          %dma_wait3A_113 = arith.constant 0 : i32
          %dma_wait3A_114 = tpu.memref_slice %arg16[%dma_wait3A_112, %dma_wait3A_113] : memref<256x48xi32, #tpu.memory_space<vmem>> -> memref<128x48xi32, #tpu.memory_space<vmem>>
          %dma_wait3A_115 = arith.constant 0 : i32
          %dma_wait3A_116 = tpu.memref_slice %arg13[%multiple_of3A_95, %dma_wait3A_115] : memref<10240x48xi32, #tpu.memory_space<hbm>> -> memref<128x48xi32, #tpu.memory_space<hbm>>
          %dma_wait3A_117 = arith.constant 0 : i32
          %dma_wait3A_118 = tpu.memref_slice %arg13[%multiple_of3A_95, %dma_wait3A_117] : memref<10240x48xi32, #tpu.memory_space<hbm>> -> memref<128x48xi32, #tpu.memory_space<hbm>>
          %dma_wait3A_119 = arith.constant 0 : i32
          %dma_wait3A_120 = arith.constant 0 : i32
          %dma_wait3A_121 = tpu.memref_slice %arg16[%dma_wait3A_119, %dma_wait3A_120] : memref<256x48xi32, #tpu.memory_space<vmem>> -> memref<128x48xi32, #tpu.memory_space<vmem>>
          tpu.wait_dma2 semaphore(%run_scoped3A : memref<!tpu.dma_semaphore, #tpu.memory_space<semaphore_mem>>) src(%dma_wait3A_121 : memref<128x48xi32, #tpu.memory_space<vmem>>) dst(%dma_wait3A_118 : memref<128x48xi32, #tpu.memory_space<hbm>>)
          tpu.yield
        }) : () -> ()
      }
      %scan3A_49 = arith.constant 5 : i32
      %barrier3A_50 = arith.constant 0 : index
      tpu.barrier barrier_id(%barrier3A_50)
      %dma_start3A_51 = arith.constant 0 : i32
      %dma_start3A_52 = arith.constant 0 : i32
      %dma_start3A_53 = arith.constant 0 : i32
      %dma_start3A_54 = arith.constant 0 : i32
      %dma_start3A_55 = tpu.memref_slice %arg16[%dma_start3A_53, %dma_start3A_54] : memref<256x48xi32, #tpu.memory_space<vmem>> -> memref<128x48xi32, #tpu.memory_space<vmem>>
      %dma_start3A_56 = arith.constant 0 : i32
      %dma_start3A_57 = tpu.memref_slice %arg14[%dma_start3A_51, %dma_start3A_56] : memref<80x128xi32, #tpu.memory_space<vmem>> -> memref<1x128xi32, #tpu.memory_space<vmem>>
      %dma_start3A_58 = tpu.memref_squeeze %dma_start3A_57 : memref<1x128xi32, #tpu.memory_space<vmem>> -> memref<128xi32, #tpu.memory_space<vmem>>
      %dma_start3A_59 = arith.constant 0 : i32
      %dma_start3A_60 = arith.constant 0 : i32
      %dma_start3A_61 = tpu.memref_slice %arg13[%dma_start3A_59, %dma_start3A_60] : memref<10240x48xi32, #tpu.memory_space<hbm>> -> memref<10240x48xi32, #tpu.memory_space<hbm>>
      %dma_start3A_62 = tpu.memref_slice %arg18[%dma_start3A_52] : memref<2x!tpu.dma_semaphore, #tpu.memory_space<semaphore_mem>> -> memref<1x!tpu.dma_semaphore, #tpu.memory_space<semaphore_mem>>
      %dma_start3A_63 = tpu.memref_squeeze %dma_start3A_62 : memref<1x!tpu.dma_semaphore, #tpu.memory_space<semaphore_mem>> -> memref<!tpu.dma_semaphore, #tpu.memory_space<semaphore_mem>>
      tpu.enqueue_indirect_dma source(%dma_start3A_61 : memref<10240x48xi32, #tpu.memory_space<hbm>>) target(%dma_start3A_55 : memref<128x48xi32, #tpu.memory_space<vmem>>) offsets(%dma_start3A_58 : memref<128xi32, #tpu.memory_space<vmem>>) semaphore(%dma_start3A_63 : memref<!tpu.dma_semaphore, #tpu.memory_space<semaphore_mem>>)
      %scan3A_64 = arith.constant 0 : i32
      %scan3A_65 = arith.constant 0 : i32
      %scan3A_66 = arith.constant 40 : i32
      %scan3A_67 = arith.addi %scan3A_65, %scan3A_66 : i32
      %scan3A_68 = arith.constant 1 : i32
      scf.for %scan3A_90 = %scan3A_65 to %scan3A_67 step %scan3A_68  : i32 {
        %mul3A_91 = arith.constant 2 : i32
        %mul3A_92 = arith.muli %scan3A_90, %mul3A_91 : i32
        %add3A = arith.constant 0 : i32
        %add3A_93 = arith.addi %mul3A_92, %add3A : i32
        %dma_wait3A_94 = arith.constant 0 : i32
        %dma_wait3A_95 = arith.constant 0 : i32
        %dma_wait3A_96 = arith.constant 0 : i32
        %dma_wait3A_97 = tpu.memref_slice %arg16[%dma_wait3A_95, %dma_wait3A_96] : memref<256x48xi32, #tpu.memory_space<vmem>> -> memref<128x48xi32, #tpu.memory_space<vmem>>
        %dma_wait3A_98 = arith.constant 0 : i32
        %dma_wait3A_99 = tpu.memref_slice %arg14[%add3A_93, %dma_wait3A_98] : memref<80x128xi32, #tpu.memory_space<vmem>> -> memref<1x128xi32, #tpu.memory_space<vmem>>
        %dma_wait3A_100 = tpu.memref_squeeze %dma_wait3A_99 : memref<1x128xi32, #tpu.memory_space<vmem>> -> memref<128xi32, #tpu.memory_space<vmem>>
        %dma_wait3A_101 = arith.constant 0 : i32
        %dma_wait3A_102 = arith.constant 0 : i32
        %dma_wait3A_103 = tpu.memref_slice %arg13[%dma_wait3A_101, %dma_wait3A_102] : memref<10240x48xi32, #tpu.memory_space<hbm>> -> memref<10240x48xi32, #tpu.memory_space<hbm>>
        %dma_wait3A_104 = tpu.memref_slice %arg18[%dma_wait3A_94] : memref<2x!tpu.dma_semaphore, #tpu.memory_space<semaphore_mem>> -> memref<1x!tpu.dma_semaphore, #tpu.memory_space<semaphore_mem>>
        %dma_wait3A_105 = tpu.memref_squeeze %dma_wait3A_104 : memref<1x!tpu.dma_semaphore, #tpu.memory_space<semaphore_mem>> -> memref<!tpu.dma_semaphore, #tpu.memory_space<semaphore_mem>>
        tpu.wait_indirect_dma semaphore(%dma_wait3A_105 : memref<!tpu.dma_semaphore, #tpu.memory_space<semaphore_mem>>) src(%dma_wait3A_103 : memref<10240x48xi32, #tpu.memory_space<hbm>>) dst(%dma_wait3A_97 : memref<128x48xi32, #tpu.memory_space<vmem>>)
        %ge3A = arith.constant 1 : i32
        %ge3A_106 = arith.cmpi sge, %add3A_93, %ge3A : i32
        %convert_element_type3A_107 = arith.extui %ge3A_106 : i1 to i32
        %cond3A_108 = arith.constant 0 : i32
        %cond3A_109 = arith.cmpi ne, %convert_element_type3A_107, %cond3A_108 : i32
        scf.if %cond3A_109 {
          %sub3A = arith.constant 1 : i32
          %sub3A_180 = arith.subi %add3A_93, %sub3A : i32
          %dma_wait3A_181 = arith.constant 1 : i32
          %dma_wait3A_182 = arith.constant 128 : i32
          %dma_wait3A_183 = arith.constant 0 : i32
          %dma_wait3A_184 = tpu.memref_slice %arg17[%dma_wait3A_182, %dma_wait3A_183] : memref<256x96xf32, #tpu.memory_space<vmem>> -> memref<128x96xf32, #tpu.memory_space<vmem>>
          %dma_wait3A_185 = arith.constant 0 : i32
          %dma_wait3A_186 = tpu.memref_slice %arg15[%sub3A_180, %dma_wait3A_185] : memref<80x128xi32, #tpu.memory_space<vmem>> -> memref<1x128xi32, #tpu.memory_space<vmem>>
          %dma_wait3A_187 = tpu.memref_squeeze %dma_wait3A_186 : memref<1x128xi32, #tpu.memory_space<vmem>> -> memref<128xi32, #tpu.memory_space<vmem>>
          %dma_wait3A_188 = arith.constant 0 : i32
          %dma_wait3A_189 = arith.constant 0 : i32
          %dma_wait3A_190 = tpu.memref_slice %arg20[%dma_wait3A_188, %dma_wait3A_189] : memref<10240x96xf32, #tpu.memory_space<vmem_shared>> -> memref<10240x96xf32, #tpu.memory_space<vmem_shared>>
          %dma_wait3A_191 = tpu.memref_slice %arg19[%dma_wait3A_181] : memref<2x!tpu.dma_semaphore, #tpu.memory_space<semaphore_mem>> -> memref<1x!tpu.dma_semaphore, #tpu.memory_space<semaphore_mem>>
          %dma_wait3A_192 = tpu.memref_squeeze %dma_wait3A_191 : memref<1x!tpu.dma_semaphore, #tpu.memory_space<semaphore_mem>> -> memref<!tpu.dma_semaphore, #tpu.memory_space<semaphore_mem>>
          tpu.wait_indirect_dma semaphore(%dma_wait3A_192 : memref<!tpu.dma_semaphore, #tpu.memory_space<semaphore_mem>>) src(%dma_wait3A_184 : memref<128x96xf32, #tpu.memory_space<vmem>>) dst(%dma_wait3A_190 : memref<10240x96xf32, #tpu.memory_space<vmem_shared>>)
        } else {
        }
        %add3A_110 = arith.constant 1 : i32
        %add3A_111 = arith.addi %add3A_93, %add3A_110 : i32
        %lt3A = arith.constant 80 : i32
        %lt3A_112 = arith.cmpi slt, %add3A_111, %lt3A : i32
        %convert_element_type3A_113 = arith.extui %lt3A_112 : i1 to i32
        %cond3A_114 = arith.constant 0 : i32
        %cond3A_115 = arith.cmpi ne, %convert_element_type3A_113, %cond3A_114 : i32
        scf.if %cond3A_115 {
          %add3A_180 = arith.constant 1 : i32
          %add3A_181 = arith.addi %add3A_93, %add3A_180 : i32
          %dma_start3A_182 = arith.constant 1 : i32
          %dma_start3A_183 = arith.constant 128 : i32
          %dma_start3A_184 = arith.constant 0 : i32
          %dma_start3A_185 = tpu.memref_slice %arg16[%dma_start3A_183, %dma_start3A_184] : memref<256x48xi32, #tpu.memory_space<vmem>> -> memref<128x48xi32, #tpu.memory_space<vmem>>
          %dma_start3A_186 = arith.constant 0 : i32
          %dma_start3A_187 = tpu.memref_slice %arg14[%add3A_181, %dma_start3A_186] : memref<80x128xi32, #tpu.memory_space<vmem>> -> memref<1x128xi32, #tpu.memory_space<vmem>>
          %dma_start3A_188 = tpu.memref_squeeze %dma_start3A_187 : memref<1x128xi32, #tpu.memory_space<vmem>> -> memref<128xi32, #tpu.memory_space<vmem>>
          %dma_start3A_189 = arith.constant 0 : i32
          %dma_start3A_190 = arith.constant 0 : i32
          %dma_start3A_191 = tpu.memref_slice %arg13[%dma_start3A_189, %dma_start3A_190] : memref<10240x48xi32, #tpu.memory_space<hbm>> -> memref<10240x48xi32, #tpu.memory_space<hbm>>
          %dma_start3A_192 = tpu.memref_slice %arg18[%dma_start3A_182] : memref<2x!tpu.dma_semaphore, #tpu.memory_space<semaphore_mem>> -> memref<1x!tpu.dma_semaphore, #tpu.memory_space<semaphore_mem>>
          %dma_start3A_193 = tpu.memref_squeeze %dma_start3A_192 : memref<1x!tpu.dma_semaphore, #tpu.memory_space<semaphore_mem>> -> memref<!tpu.dma_semaphore, #tpu.memory_space<semaphore_mem>>
          tpu.enqueue_indirect_dma source(%dma_start3A_191 : memref<10240x48xi32, #tpu.memory_space<hbm>>) target(%dma_start3A_185 : memref<128x48xi32, #tpu.memory_space<vmem>>) offsets(%dma_start3A_188 : memref<128xi32, #tpu.memory_space<vmem>>) semaphore(%dma_start3A_193 : memref<!tpu.dma_semaphore, #tpu.memory_space<semaphore_mem>>)
        } else {
        }
        %scan3A_116 = arith.constant 0 : i32
        %scan3A_117 = arith.constant 0 : i32
        %scan3A_118 = arith.constant 128 : i32
        %scan3A_119 = arith.addi %scan3A_117, %scan3A_118 : i32
        %scan3A_120 = arith.constant 1 : i32
        scf.for %scan3A_180 = %scan3A_117 to %scan3A_119 step %scan3A_120  : i32 {
          %add3A_181 = arith.constant 0 : i32
          %add3A_182 = arith.addi %add3A_181, %scan3A_180 : i32
          %get3A = arith.index_cast %add3A_182 : i32 to index
          %get3A_183 = arith.constant 0 : index
          %get3A_184 = tpu.vector_load %arg16[%get3A, %get3A_183] {strides = array<i32>} : memref<256x48xi32, #tpu.memory_space<vmem>>, vector<1x16xi32>,
          %get3A_185 = vector.shape_cast %get3A_184 : vector<1x16xi32> to vector<16xi32>
          %shift_left3A = arith.constant 16 : i32
          %shift_left3A_186 = vector.broadcast %shift_left3A : i32 to vector<16xi32>
          %shift_left3A_187 = arith.shli %get3A_185, %shift_left3A_186 : vector<16xi32>
          %bitcast_convert_type3A = tpu.bitcast %shift_left3A_187 : vector<16xi32> -> vector<16xf32>
          %and3A = arith.constant -65536 : i32
          %and3A_188 = vector.broadcast %and3A : i32 to vector<16xi32>
          %and3A_189 = arith.andi %get3A_185, %and3A_188 : vector<16xi32>
          %bitcast_convert_type3A_190 = tpu.bitcast %and3A_189 : vector<16xi32> -> vector<16xf32>
          %add3A_191 = arith.constant 0 : i32
          %add3A_192 = arith.addi %add3A_191, %scan3A_180 : i32
          %swap3A = arith.index_cast %add3A_192 : i32 to index
          %swap3A_193 = arith.constant 0 : index
          %swap3A_194 = tpu.vector_load %arg17[%swap3A, %swap3A_193] {strides = array<i32>} : memref<256x96xf32, #tpu.memory_space<vmem>>, vector<1x16xf32>,
          %swap3A_195 = vector.shape_cast %swap3A_194 : vector<1x16xf32> to vector<16xf32>
          %swap3A_196 = vector.shape_cast %bitcast_convert_type3A : vector<16xf32> to vector<1x16xf32>
          tpu.vector_store %arg17[%swap3A, %swap3A_193], %swap3A_196 {strides = array<i32>} : memref<256x96xf32, #tpu.memory_space<vmem>>, vector<1x16xf32>,
          %add3A_197 = arith.constant 0 : i32
          %add3A_198 = arith.addi %add3A_197, %scan3A_180 : i32
          %swap3A_199 = arith.index_cast %add3A_198 : i32 to index
          %swap3A_200 = arith.constant 48 : index
          %swap3A_201 = tpu.vector_load %arg17[%swap3A_199, %swap3A_200] {strides = array<i32>} : memref<256x96xf32, #tpu.memory_space<vmem>>, vector<1x16xf32>,
          %swap3A_202 = vector.shape_cast %swap3A_201 : vector<1x16xf32> to vector<16xf32>
          %swap3A_203 = vector.shape_cast %bitcast_convert_type3A_190 : vector<16xf32> to vector<1x16xf32>
          tpu.vector_store %arg17[%swap3A_199, %swap3A_200], %swap3A_203 {strides = array<i32>} : memref<256x96xf32, #tpu.memory_space<vmem>>, vector<1x16xf32>,
          %add3A_204 = arith.constant 0 : i32
          %add3A_205 = arith.addi %add3A_204, %scan3A_180 : i32
          %get3A_206 = arith.index_cast %add3A_205 : i32 to index
          %get3A_207 = arith.constant 16 : index
          %get3A_208 = tpu.vector_load %arg16[%get3A_206, %get3A_207] {strides = array<i32>} : memref<256x48xi32, #tpu.memory_space<vmem>>, vector<1x16xi32>,
          %get3A_209 = vector.shape_cast %get3A_208 : vector<1x16xi32> to vector<16xi32>
          %shift_left3A_210 = arith.constant 16 : i32
          %shift_left3A_211 = vector.broadcast %shift_left3A_210 : i32 to vector<16xi32>
          %shift_left3A_212 = arith.shli %get3A_209, %shift_left3A_211 : vector<16xi32>
          %bitcast_convert_type3A_213 = tpu.bitcast %shift_left3A_212 : vector<16xi32> -> vector<16xf32>
          %and3A_214 = arith.constant -65536 : i32
          %and3A_215 = vector.broadcast %and3A_214 : i32 to vector<16xi32>
          %and3A_216 = arith.andi %get3A_209, %and3A_215 : vector<16xi32>
          %bitcast_convert_type3A_217 = tpu.bitcast %and3A_216 : vector<16xi32> -> vector<16xf32>
          %add3A_218 = arith.constant 0 : i32
          %add3A_219 = arith.addi %add3A_218, %scan3A_180 : i32
          %swap3A_220 = arith.index_cast %add3A_219 : i32 to index
          %swap3A_221 = arith.constant 16 : index
          %swap3A_222 = tpu.vector_load %arg17[%swap3A_220, %swap3A_221] {strides = array<i32>} : memref<256x96xf32, #tpu.memory_space<vmem>>, vector<1x16xf32>,
          %swap3A_223 = vector.shape_cast %swap3A_222 : vector<1x16xf32> to vector<16xf32>
          %swap3A_224 = vector.shape_cast %bitcast_convert_type3A_213 : vector<16xf32> to vector<1x16xf32>
          tpu.vector_store %arg17[%swap3A_220, %swap3A_221], %swap3A_224 {strides = array<i32>} : memref<256x96xf32, #tpu.memory_space<vmem>>, vector<1x16xf32>,
          %add3A_225 = arith.constant 0 : i32
          %add3A_226 = arith.addi %add3A_225, %scan3A_180 : i32
          %swap3A_227 = arith.index_cast %add3A_226 : i32 to index
          %swap3A_228 = arith.constant 64 : index
          %swap3A_229 = tpu.vector_load %arg17[%swap3A_227, %swap3A_228] {strides = array<i32>} : memref<256x96xf32, #tpu.memory_space<vmem>>, vector<1x16xf32>,
          %swap3A_230 = vector.shape_cast %swap3A_229 : vector<1x16xf32> to vector<16xf32>
          %swap3A_231 = vector.shape_cast %bitcast_convert_type3A_217 : vector<16xf32> to vector<1x16xf32>
          tpu.vector_store %arg17[%swap3A_227, %swap3A_228], %swap3A_231 {strides = array<i32>} : memref<256x96xf32, #tpu.memory_space<vmem>>, vector<1x16xf32>,
          %add3A_232 = arith.constant 0 : i32
          %add3A_233 = arith.addi %add3A_232, %scan3A_180 : i32
          %get3A_234 = arith.index_cast %add3A_233 : i32 to index
          %get3A_235 = arith.constant 32 : index
          %get3A_236 = tpu.vector_load %arg16[%get3A_234, %get3A_235] {strides = array<i32>} : memref<256x48xi32, #tpu.memory_space<vmem>>, vector<1x16xi32>,
          %get3A_237 = vector.shape_cast %get3A_236 : vector<1x16xi32> to vector<16xi32>
          %shift_left3A_238 = arith.constant 16 : i32
          %shift_left3A_239 = vector.broadcast %shift_left3A_238 : i32 to vector<16xi32>
          %shift_left3A_240 = arith.shli %get3A_237, %shift_left3A_239 : vector<16xi32>
          %bitcast_convert_type3A_241 = tpu.bitcast %shift_left3A_240 : vector<16xi32> -> vector<16xf32>
          %and3A_242 = arith.constant -65536 : i32
          %and3A_243 = vector.broadcast %and3A_242 : i32 to vector<16xi32>
          %and3A_244 = arith.andi %get3A_237, %and3A_243 : vector<16xi32>
          %bitcast_convert_type3A_245 = tpu.bitcast %and3A_244 : vector<16xi32> -> vector<16xf32>
          %add3A_246 = arith.constant 0 : i32
          %add3A_247 = arith.addi %add3A_246, %scan3A_180 : i32
          %swap3A_248 = arith.index_cast %add3A_247 : i32 to index
          %swap3A_249 = arith.constant 32 : index
          %swap3A_250 = tpu.vector_load %arg17[%swap3A_248, %swap3A_249] {strides = array<i32>} : memref<256x96xf32, #tpu.memory_space<vmem>>, vector<1x16xf32>,
          %swap3A_251 = vector.shape_cast %swap3A_250 : vector<1x16xf32> to vector<16xf32>
          %swap3A_252 = vector.shape_cast %bitcast_convert_type3A_241 : vector<16xf32> to vector<1x16xf32>
          tpu.vector_store %arg17[%swap3A_248, %swap3A_249], %swap3A_252 {strides = array<i32>} : memref<256x96xf32, #tpu.memory_space<vmem>>, vector<1x16xf32>,
          %add3A_253 = arith.constant 0 : i32
          %add3A_254 = arith.addi %add3A_253, %scan3A_180 : i32
          %swap3A_255 = arith.index_cast %add3A_254 : i32 to index
          %swap3A_256 = arith.constant 80 : index
          %swap3A_257 = tpu.vector_load %arg17[%swap3A_255, %swap3A_256] {strides = array<i32>} : memref<256x96xf32, #tpu.memory_space<vmem>>, vector<1x16xf32>,
          %swap3A_258 = vector.shape_cast %swap3A_257 : vector<1x16xf32> to vector<16xf32>
          %swap3A_259 = vector.shape_cast %bitcast_convert_type3A_245 : vector<16xf32> to vector<1x16xf32>
          tpu.vector_store %arg17[%swap3A_255, %swap3A_256], %swap3A_259 {strides = array<i32>} : memref<256x96xf32, #tpu.memory_space<vmem>>, vector<1x16xf32>,
        }
        %scan3A_121 = arith.constant 128 : i32
        %dma_start3A_122 = arith.constant 0 : i32
        %dma_start3A_123 = arith.constant 0 : i32
        %dma_start3A_124 = arith.constant 0 : i32
        %dma_start3A_125 = tpu.memref_slice %arg17[%dma_start3A_123, %dma_start3A_124] : memref<256x96xf32, #tpu.memory_space<vmem>> -> memref<128x96xf32, #tpu.memory_space<vmem>>
        %dma_start3A_126 = arith.constant 0 : i32
        %dma_start3A_127 = tpu.memref_slice %arg15[%add3A_93, %dma_start3A_126] : memref<80x128xi32, #tpu.memory_space<vmem>> -> memref<1x128xi32, #tpu.memory_space<vmem>>
        %dma_start3A_128 = tpu.memref_squeeze %dma_start3A_127 : memref<1x128xi32, #tpu.memory_space<vmem>> -> memref<128xi32, #tpu.memory_space<vmem>>
        %dma_start3A_129 = arith.constant 0 : i32
        %dma_start3A_130 = arith.constant 0 : i32
        %dma_start3A_131 = tpu.memref_slice %arg20[%dma_start3A_129, %dma_start3A_130] : memref<10240x96xf32, #tpu.memory_space<vmem_shared>> -> memref<10240x96xf32, #tpu.memory_space<vmem_shared>>
        %dma_start3A_132 = tpu.memref_slice %arg19[%dma_start3A_122] : memref<2x!tpu.dma_semaphore, #tpu.memory_space<semaphore_mem>> -> memref<1x!tpu.dma_semaphore, #tpu.memory_space<semaphore_mem>>
        %dma_start3A_133 = tpu.memref_squeeze %dma_start3A_132 : memref<1x!tpu.dma_semaphore, #tpu.memory_space<semaphore_mem>> -> memref<!tpu.dma_semaphore, #tpu.memory_space<semaphore_mem>>
        tpu.enqueue_indirect_dma source(%dma_start3A_125 : memref<128x96xf32, #tpu.memory_space<vmem>>) target(%dma_start3A_131 : memref<10240x96xf32, #tpu.memory_space<vmem_shared>>) offsets(%dma_start3A_128 : memref<128xi32, #tpu.memory_space<vmem>>) semaphore(%dma_start3A_133 : memref<!tpu.dma_semaphore, #tpu.memory_space<semaphore_mem>>) {add = true}
        %mul3A_134 = arith.constant 2 : i32
        %mul3A_135 = arith.muli %scan3A_90, %mul3A_134 : i32
        %add3A_136 = arith.constant 1 : i32
        %add3A_137 = arith.addi %mul3A_135, %add3A_136 : i32
        %dma_wait3A_138 = arith.constant 1 : i32
        %dma_wait3A_139 = arith.constant 128 : i32
        %dma_wait3A_140 = arith.constant 0 : i32
        %dma_wait3A_141 = tpu.memref_slice %arg16[%dma_wait3A_139, %dma_wait3A_140] : memref<256x48xi32, #tpu.memory_space<vmem>> -> memref<128x48xi32, #tpu.memory_space<vmem>>
        %dma_wait3A_142 = arith.constant 0 : i32
        %dma_wait3A_143 = tpu.memref_slice %arg14[%add3A_137, %dma_wait3A_142] : memref<80x128xi32, #tpu.memory_space<vmem>> -> memref<1x128xi32, #tpu.memory_space<vmem>>
        %dma_wait3A_144 = tpu.memref_squeeze %dma_wait3A_143 : memref<1x128xi32, #tpu.memory_space<vmem>> -> memref<128xi32, #tpu.memory_space<vmem>>
        %dma_wait3A_145 = arith.constant 0 : i32
        %dma_wait3A_146 = arith.constant 0 : i32
        %dma_wait3A_147 = tpu.memref_slice %arg13[%dma_wait3A_145, %dma_wait3A_146] : memref<10240x48xi32, #tpu.memory_space<hbm>> -> memref<10240x48xi32, #tpu.memory_space<hbm>>
        %dma_wait3A_148 = tpu.memref_slice %arg18[%dma_wait3A_138] : memref<2x!tpu.dma_semaphore, #tpu.memory_space<semaphore_mem>> -> memref<1x!tpu.dma_semaphore, #tpu.memory_space<semaphore_mem>>
        %dma_wait3A_149 = tpu.memref_squeeze %dma_wait3A_148 : memref<1x!tpu.dma_semaphore, #tpu.memory_space<semaphore_mem>> -> memref<!tpu.dma_semaphore, #tpu.memory_space<semaphore_mem>>
        tpu.wait_indirect_dma semaphore(%dma_wait3A_149 : memref<!tpu.dma_semaphore, #tpu.memory_space<semaphore_mem>>) src(%dma_wait3A_147 : memref<10240x48xi32, #tpu.memory_space<hbm>>) dst(%dma_wait3A_141 : memref<128x48xi32, #tpu.memory_space<vmem>>)
        %ge3A_150 = arith.constant 1 : i32
        %ge3A_151 = arith.cmpi sge, %add3A_137, %ge3A_150 : i32
        %convert_element_type3A_152 = arith.extui %ge3A_151 : i1 to i32
        %cond3A_153 = arith.constant 0 : i32
        %cond3A_154 = arith.cmpi ne, %convert_element_type3A_152, %cond3A_153 : i32
        scf.if %cond3A_154 {
          %sub3A = arith.constant 1 : i32
          %sub3A_180 = arith.subi %add3A_137, %sub3A : i32
          %dma_wait3A_181 = arith.constant 0 : i32
          %dma_wait3A_182 = arith.constant 0 : i32
          %dma_wait3A_183 = arith.constant 0 : i32
          %dma_wait3A_184 = tpu.memref_slice %arg17[%dma_wait3A_182, %dma_wait3A_183] : memref<256x96xf32, #tpu.memory_space<vmem>> -> memref<128x96xf32, #tpu.memory_space<vmem>>
          %dma_wait3A_185 = arith.constant 0 : i32
          %dma_wait3A_186 = tpu.memref_slice %arg15[%sub3A_180, %dma_wait3A_185] : memref<80x128xi32, #tpu.memory_space<vmem>> -> memref<1x128xi32, #tpu.memory_space<vmem>>
          %dma_wait3A_187 = tpu.memref_squeeze %dma_wait3A_186 : memref<1x128xi32, #tpu.memory_space<vmem>> -> memref<128xi32, #tpu.memory_space<vmem>>
          %dma_wait3A_188 = arith.constant 0 : i32
          %dma_wait3A_189 = arith.constant 0 : i32
          %dma_wait3A_190 = tpu.memref_slice %arg20[%dma_wait3A_188, %dma_wait3A_189] : memref<10240x96xf32, #tpu.memory_space<vmem_shared>> -> memref<10240x96xf32, #tpu.memory_space<vmem_shared>>
          %dma_wait3A_191 = tpu.memref_slice %arg19[%dma_wait3A_181] : memref<2x!tpu.dma_semaphore, #tpu.memory_space<semaphore_mem>> -> memref<1x!tpu.dma_semaphore, #tpu.memory_space<semaphore_mem>>
          %dma_wait3A_192 = tpu.memref_squeeze %dma_wait3A_191 : memref<1x!tpu.dma_semaphore, #tpu.memory_space<semaphore_mem>> -> memref<!tpu.dma_semaphore, #tpu.memory_space<semaphore_mem>>
          tpu.wait_indirect_dma semaphore(%dma_wait3A_192 : memref<!tpu.dma_semaphore, #tpu.memory_space<semaphore_mem>>) src(%dma_wait3A_184 : memref<128x96xf32, #tpu.memory_space<vmem>>) dst(%dma_wait3A_190 : memref<10240x96xf32, #tpu.memory_space<vmem_shared>>)
        } else {
        }
        %add3A_155 = arith.constant 1 : i32
        %add3A_156 = arith.addi %add3A_137, %add3A_155 : i32
        %lt3A_157 = arith.constant 80 : i32
        %lt3A_158 = arith.cmpi slt, %add3A_156, %lt3A_157 : i32
        %convert_element_type3A_159 = arith.extui %lt3A_158 : i1 to i32
        %cond3A_160 = arith.constant 0 : i32
        %cond3A_161 = arith.cmpi ne, %convert_element_type3A_159, %cond3A_160 : i32
        scf.if %cond3A_161 {
          %add3A_180 = arith.constant 1 : i32
          %add3A_181 = arith.addi %add3A_137, %add3A_180 : i32
          %dma_start3A_182 = arith.constant 0 : i32
          %dma_start3A_183 = arith.constant 0 : i32
          %dma_start3A_184 = arith.constant 0 : i32
          %dma_start3A_185 = tpu.memref_slice %arg16[%dma_start3A_183, %dma_start3A_184] : memref<256x48xi32, #tpu.memory_space<vmem>> -> memref<128x48xi32, #tpu.memory_space<vmem>>
          %dma_start3A_186 = arith.constant 0 : i32
          %dma_start3A_187 = tpu.memref_slice %arg14[%add3A_181, %dma_start3A_186] : memref<80x128xi32, #tpu.memory_space<vmem>> -> memref<1x128xi32, #tpu.memory_space<vmem>>
          %dma_start3A_188 = tpu.memref_squeeze %dma_start3A_187 : memref<1x128xi32, #tpu.memory_space<vmem>> -> memref<128xi32, #tpu.memory_space<vmem>>
          %dma_start3A_189 = arith.constant 0 : i32
          %dma_start3A_190 = arith.constant 0 : i32
          %dma_start3A_191 = tpu.memref_slice %arg13[%dma_start3A_189, %dma_start3A_190] : memref<10240x48xi32, #tpu.memory_space<hbm>> -> memref<10240x48xi32, #tpu.memory_space<hbm>>
          %dma_start3A_192 = tpu.memref_slice %arg18[%dma_start3A_182] : memref<2x!tpu.dma_semaphore, #tpu.memory_space<semaphore_mem>> -> memref<1x!tpu.dma_semaphore, #tpu.memory_space<semaphore_mem>>
          %dma_start3A_193 = tpu.memref_squeeze %dma_start3A_192 : memref<1x!tpu.dma_semaphore, #tpu.memory_space<semaphore_mem>> -> memref<!tpu.dma_semaphore, #tpu.memory_space<semaphore_mem>>
          tpu.enqueue_indirect_dma source(%dma_start3A_191 : memref<10240x48xi32, #tpu.memory_space<hbm>>) target(%dma_start3A_185 : memref<128x48xi32, #tpu.memory_space<vmem>>) offsets(%dma_start3A_188 : memref<128xi32, #tpu.memory_space<vmem>>) semaphore(%dma_start3A_193 : memref<!tpu.dma_semaphore, #tpu.memory_space<semaphore_mem>>)
        } else {
        }
        %scan3A_162 = arith.constant 0 : i32
        %scan3A_163 = arith.constant 0 : i32
        %scan3A_164 = arith.constant 128 : i32
        %scan3A_165 = arith.addi %scan3A_163, %scan3A_164 : i32
        %scan3A_166 = arith.constant 1 : i32
        scf.for %scan3A_180 = %scan3A_163 to %scan3A_165 step %scan3A_166  : i32 {
          %add3A_181 = arith.constant 128 : i32
          %add3A_182 = arith.addi %add3A_181, %scan3A_180 : i32
          %get3A = arith.index_cast %add3A_182 : i32 to index
          %get3A_183 = arith.constant 0 : index
          %get3A_184 = tpu.vector_load %arg16[%get3A, %get3A_183] {strides = array<i32>} : memref<256x48xi32, #tpu.memory_space<vmem>>, vector<1x16xi32>,
          %get3A_185 = vector.shape_cast %get3A_184 : vector<1x16xi32> to vector<16xi32>
          %shift_left3A = arith.constant 16 : i32
          %shift_left3A_186 = vector.broadcast %shift_left3A : i32 to vector<16xi32>
          %shift_left3A_187 = arith.shli %get3A_185, %shift_left3A_186 : vector<16xi32>
          %bitcast_convert_type3A = tpu.bitcast %shift_left3A_187 : vector<16xi32> -> vector<16xf32>
          %and3A = arith.constant -65536 : i32
          %and3A_188 = vector.broadcast %and3A : i32 to vector<16xi32>
          %and3A_189 = arith.andi %get3A_185, %and3A_188 : vector<16xi32>
          %bitcast_convert_type3A_190 = tpu.bitcast %and3A_189 : vector<16xi32> -> vector<16xf32>
          %add3A_191 = arith.constant 128 : i32
          %add3A_192 = arith.addi %add3A_191, %scan3A_180 : i32
          %swap3A = arith.index_cast %add3A_192 : i32 to index
          %swap3A_193 = arith.constant 0 : index
          %swap3A_194 = tpu.vector_load %arg17[%swap3A, %swap3A_193] {strides = array<i32>} : memref<256x96xf32, #tpu.memory_space<vmem>>, vector<1x16xf32>,
          %swap3A_195 = vector.shape_cast %swap3A_194 : vector<1x16xf32> to vector<16xf32>
          %swap3A_196 = vector.shape_cast %bitcast_convert_type3A : vector<16xf32> to vector<1x16xf32>
          tpu.vector_store %arg17[%swap3A, %swap3A_193], %swap3A_196 {strides = array<i32>} : memref<256x96xf32, #tpu.memory_space<vmem>>, vector<1x16xf32>,
          %add3A_197 = arith.constant 128 : i32
          %add3A_198 = arith.addi %add3A_197, %scan3A_180 : i32
          %swap3A_199 = arith.index_cast %add3A_198 : i32 to index
          %swap3A_200 = arith.constant 48 : index
          %swap3A_201 = tpu.vector_load %arg17[%swap3A_199, %swap3A_200] {strides = array<i32>} : memref<256x96xf32, #tpu.memory_space<vmem>>, vector<1x16xf32>,
          %swap3A_202 = vector.shape_cast %swap3A_201 : vector<1x16xf32> to vector<16xf32>
          %swap3A_203 = vector.shape_cast %bitcast_convert_type3A_190 : vector<16xf32> to vector<1x16xf32>
          tpu.vector_store %arg17[%swap3A_199, %swap3A_200], %swap3A_203 {strides = array<i32>} : memref<256x96xf32, #tpu.memory_space<vmem>>, vector<1x16xf32>,
          %add3A_204 = arith.constant 128 : i32
          %add3A_205 = arith.addi %add3A_204, %scan3A_180 : i32
          %get3A_206 = arith.index_cast %add3A_205 : i32 to index
          %get3A_207 = arith.constant 16 : index
          %get3A_208 = tpu.vector_load %arg16[%get3A_206, %get3A_207] {strides = array<i32>} : memref<256x48xi32, #tpu.memory_space<vmem>>, vector<1x16xi32>,
          %get3A_209 = vector.shape_cast %get3A_208 : vector<1x16xi32> to vector<16xi32>
          %shift_left3A_210 = arith.constant 16 : i32
          %shift_left3A_211 = vector.broadcast %shift_left3A_210 : i32 to vector<16xi32>
          %shift_left3A_212 = arith.shli %get3A_209, %shift_left3A_211 : vector<16xi32>
          %bitcast_convert_type3A_213 = tpu.bitcast %shift_left3A_212 : vector<16xi32> -> vector<16xf32>
          %and3A_214 = arith.constant -65536 : i32
          %and3A_215 = vector.broadcast %and3A_214 : i32 to vector<16xi32>
          %and3A_216 = arith.andi %get3A_209, %and3A_215 : vector<16xi32>
          %bitcast_convert_type3A_217 = tpu.bitcast %and3A_216 : vector<16xi32> -> vector<16xf32>
          %add3A_218 = arith.constant 128 : i32
          %add3A_219 = arith.addi %add3A_218, %scan3A_180 : i32
          %swap3A_220 = arith.index_cast %add3A_219 : i32 to index
          %swap3A_221 = arith.constant 16 : index
          %swap3A_222 = tpu.vector_load %arg17[%swap3A_220, %swap3A_221] {strides = array<i32>} : memref<256x96xf32, #tpu.memory_space<vmem>>, vector<1x16xf32>,
          %swap3A_223 = vector.shape_cast %swap3A_222 : vector<1x16xf32> to vector<16xf32>
          %swap3A_224 = vector.shape_cast %bitcast_convert_type3A_213 : vector<16xf32> to vector<1x16xf32>
          tpu.vector_store %arg17[%swap3A_220, %swap3A_221], %swap3A_224 {strides = array<i32>} : memref<256x96xf32, #tpu.memory_space<vmem>>, vector<1x16xf32>,
          %add3A_225 = arith.constant 128 : i32
          %add3A_226 = arith.addi %add3A_225, %scan3A_180 : i32
          %swap3A_227 = arith.index_cast %add3A_226 : i32 to index
          %swap3A_228 = arith.constant 64 : index
          %swap3A_229 = tpu.vector_load %arg17[%swap3A_227, %swap3A_228] {strides = array<i32>} : memref<256x96xf32, #tpu.memory_space<vmem>>, vector<1x16xf32>,
          %swap3A_230 = vector.shape_cast %swap3A_229 : vector<1x16xf32> to vector<16xf32>
          %swap3A_231 = vector.shape_cast %bitcast_convert_type3A_217 : vector<16xf32> to vector<1x16xf32>
          tpu.vector_store %arg17[%swap3A_227, %swap3A_228], %swap3A_231 {strides = array<i32>} : memref<256x96xf32, #tpu.memory_space<vmem>>, vector<1x16xf32>,
          %add3A_232 = arith.constant 128 : i32
          %add3A_233 = arith.addi %add3A_232, %scan3A_180 : i32
          %get3A_234 = arith.index_cast %add3A_233 : i32 to index
          %get3A_235 = arith.constant 32 : index
          %get3A_236 = tpu.vector_load %arg16[%get3A_234, %get3A_235] {strides = array<i32>} : memref<256x48xi32, #tpu.memory_space<vmem>>, vector<1x16xi32>,
          %get3A_237 = vector.shape_cast %get3A_236 : vector<1x16xi32> to vector<16xi32>
          %shift_left3A_238 = arith.constant 16 : i32
          %shift_left3A_239 = vector.broadcast %shift_left3A_238 : i32 to vector<16xi32>
          %shift_left3A_240 = arith.shli %get3A_237, %shift_left3A_239 : vector<16xi32>
          %bitcast_convert_type3A_241 = tpu.bitcast %shift_left3A_240 : vector<16xi32> -> vector<16xf32>
          %and3A_242 = arith.constant -65536 : i32
          %and3A_243 = vector.broadcast %and3A_242 : i32 to vector<16xi32>
          %and3A_244 = arith.andi %get3A_237, %and3A_243 : vector<16xi32>
          %bitcast_convert_type3A_245 = tpu.bitcast %and3A_244 : vector<16xi32> -> vector<16xf32>
          %add3A_246 = arith.constant 128 : i32
          %add3A_247 = arith.addi %add3A_246, %scan3A_180 : i32
          %swap3A_248 = arith.index_cast %add3A_247 : i32 to index
          %swap3A_249 = arith.constant 32 : index
          %swap3A_250 = tpu.vector_load %arg17[%swap3A_248, %swap3A_249] {strides = array<i32>} : memref<256x96xf32, #tpu.memory_space<vmem>>, vector<1x16xf32>,
          %swap3A_251 = vector.shape_cast %swap3A_250 : vector<1x16xf32> to vector<16xf32>
          %swap3A_252 = vector.shape_cast %bitcast_convert_type3A_241 : vector<16xf32> to vector<1x16xf32>
          tpu.vector_store %arg17[%swap3A_248, %swap3A_249], %swap3A_252 {strides = array<i32>} : memref<256x96xf32, #tpu.memory_space<vmem>>, vector<1x16xf32>,
          %add3A_253 = arith.constant 128 : i32
          %add3A_254 = arith.addi %add3A_253, %scan3A_180 : i32
          %swap3A_255 = arith.index_cast %add3A_254 : i32 to index
          %swap3A_256 = arith.constant 80 : index
          %swap3A_257 = tpu.vector_load %arg17[%swap3A_255, %swap3A_256] {strides = array<i32>} : memref<256x96xf32, #tpu.memory_space<vmem>>, vector<1x16xf32>,
          %swap3A_258 = vector.shape_cast %swap3A_257 : vector<1x16xf32> to vector<16xf32>
          %swap3A_259 = vector.shape_cast %bitcast_convert_type3A_245 : vector<16xf32> to vector<1x16xf32>
          tpu.vector_store %arg17[%swap3A_255, %swap3A_256], %swap3A_259 {strides = array<i32>} : memref<256x96xf32, #tpu.memory_space<vmem>>, vector<1x16xf32>,
        }
        %scan3A_167 = arith.constant 128 : i32
        %dma_start3A_168 = arith.constant 1 : i32
        %dma_start3A_169 = arith.constant 128 : i32
        %dma_start3A_170 = arith.constant 0 : i32
        %dma_start3A_171 = tpu.memref_slice %arg17[%dma_start3A_169, %dma_start3A_170] : memref<256x96xf32, #tpu.memory_space<vmem>> -> memref<128x96xf32, #tpu.memory_space<vmem>>
        %dma_start3A_172 = arith.constant 0 : i32
        %dma_start3A_173 = tpu.memref_slice %arg15[%add3A_137, %dma_start3A_172] : memref<80x128xi32, #tpu.memory_space<vmem>> -> memref<1x128xi32, #tpu.memory_space<vmem>>
        %dma_start3A_174 = tpu.memref_squeeze %dma_start3A_173 : memref<1x128xi32, #tpu.memory_space<vmem>> -> memref<128xi32, #tpu.memory_space<vmem>>
        %dma_start3A_175 = arith.constant 0 : i32
        %dma_start3A_176 = arith.constant 0 : i32
        %dma_start3A_177 = tpu.memref_slice %arg20[%dma_start3A_175, %dma_start3A_176] : memref<10240x96xf32, #tpu.memory_space<vmem_shared>> -> memref<10240x96xf32, #tpu.memory_space<vmem_shared>>
        %dma_start3A_178 = tpu.memref_slice %arg19[%dma_start3A_168] : memref<2x!tpu.dma_semaphore, #tpu.memory_space<semaphore_mem>> -> memref<1x!tpu.dma_semaphore, #tpu.memory_space<semaphore_mem>>
        %dma_start3A_179 = tpu.memref_squeeze %dma_start3A_178 : memref<1x!tpu.dma_semaphore, #tpu.memory_space<semaphore_mem>> -> memref<!tpu.dma_semaphore, #tpu.memory_space<semaphore_mem>>
        tpu.enqueue_indirect_dma source(%dma_start3A_171 : memref<128x96xf32, #tpu.memory_space<vmem>>) target(%dma_start3A_177 : memref<10240x96xf32, #tpu.memory_space<vmem_shared>>) offsets(%dma_start3A_174 : memref<128xi32, #tpu.memory_space<vmem>>) semaphore(%dma_start3A_179 : memref<!tpu.dma_semaphore, #tpu.memory_space<semaphore_mem>>) {add = true}
      }
      %scan3A_69 = arith.constant 40 : i32
      %dma_wait3A_70 = arith.constant 79 : i32
      %dma_wait3A_71 = arith.constant 1 : i32
      %dma_wait3A_72 = arith.constant 128 : i32
      %dma_wait3A_73 = arith.constant 0 : i32
      %dma_wait3A_74 = tpu.memref_slice %arg17[%dma_wait3A_72, %dma_wait3A_73] : memref<256x96xf32, #tpu.memory_space<vmem>> -> memref<128x96xf32, #tpu.memory_space<vmem>>
      %dma_wait3A_75 = arith.constant 0 : i32
      %dma_wait3A_76 = tpu.memref_slice %arg15[%dma_wait3A_70, %dma_wait3A_75] : memref<80x128xi32, #tpu.memory_space<vmem>> -> memref<1x128xi32, #tpu.memory_space<vmem>>
      %dma_wait3A_77 = tpu.memref_squeeze %dma_wait3A_76 : memref<1x128xi32, #tpu.memory_space<vmem>> -> memref<128xi32, #tpu.memory_space<vmem>>
      %dma_wait3A_78 = arith.constant 0 : i32
      %dma_wait3A_79 = arith.constant 0 : i32
      %dma_wait3A_80 = tpu.memref_slice %arg20[%dma_wait3A_78, %dma_wait3A_79] : memref<10240x96xf32, #tpu.memory_space<vmem_shared>> -> memref<10240x96xf32, #tpu.memory_space<vmem_shared>>
      %dma_wait3A_81 = tpu.memref_slice %arg19[%dma_wait3A_71] : memref<2x!tpu.dma_semaphore, #tpu.memory_space<semaphore_mem>> -> memref<1x!tpu.dma_semaphore, #tpu.memory_space<semaphore_mem>>
      %dma_wait3A_82 = tpu.memref_squeeze %dma_wait3A_81 : memref<1x!tpu.dma_semaphore, #tpu.memory_space<semaphore_mem>> -> memref<!tpu.dma_semaphore, #tpu.memory_space<semaphore_mem>>
      tpu.wait_indirect_dma semaphore(%dma_wait3A_82 : memref<!tpu.dma_semaphore, #tpu.memory_space<semaphore_mem>>) src(%dma_wait3A_74 : memref<128x96xf32, #tpu.memory_space<vmem>>) dst(%dma_wait3A_80 : memref<10240x96xf32, #tpu.memory_space<vmem_shared>>)
      %barrier3A_83 = arith.constant 0 : index
      tpu.barrier barrier_id(%barrier3A_83)
      %scan3A_84 = arith.constant 0 : i32
      %scan3A_85 = arith.constant 0 : i32
      %scan3A_86 = arith.constant 5 : i32
      %scan3A_87 = arith.addi %scan3A_85, %scan3A_86 : i32
      %scan3A_88 = arith.constant 1 : i32
      scf.for %scan3A_90 = %scan3A_85 to %scan3A_87 step %scan3A_88  : i32 {
        %mul3A_91 = arith.constant 640 : i32
        %mul3A_92 = arith.muli %arg1, %mul3A_91 : i32
        %mul3A_93 = arith.constant 128 : i32
        %mul3A_94 = arith.muli %scan3A_90, %mul3A_93 : i32
        %add3A = arith.addi %mul3A_92, %mul3A_94 : i32
        %multiple_of3A_95 = tpu.assume_multiple %add3A, 8 : i32
        "tpu.region"() ({
          %run_scoped3A = tpu.sem_alloc : memref<!tpu.dma_semaphore, #tpu.memory_space<semaphore_mem>>
          %dma_start3A_96 = arith.constant 0 : i32
          %dma_start3A_97 = arith.constant 0 : i32
          %dma_start3A_98 = tpu.memref_slice %arg17[%dma_start3A_96, %dma_start3A_97] : memref<256x96xf32, #tpu.memory_space<vmem>> -> memref<128x96xf32, #tpu.memory_space<vmem>>
          %dma_start3A_99 = arith.constant 0 : i32
          %dma_start3A_100 = tpu.memref_slice %arg20[%multiple_of3A_95, %dma_start3A_99] : memref<10240x96xf32, #tpu.memory_space<vmem_shared>> -> memref<128x96xf32, #tpu.memory_space<vmem_shared>>
          %dma_start3A_101 = arith.constant 0 : i32
          %dma_start3A_102 = arith.constant 0 : i32
          %dma_start3A_103 = tpu.memref_slice %arg17[%dma_start3A_101, %dma_start3A_102] : memref<256x96xf32, #tpu.memory_space<vmem>> -> memref<128x96xf32, #tpu.memory_space<vmem>>
          %dma_start3A_104 = arith.constant 0 : i32
          %dma_start3A_105 = tpu.memref_slice %arg20[%multiple_of3A_95, %dma_start3A_104] : memref<10240x96xf32, #tpu.memory_space<vmem_shared>> -> memref<128x96xf32, #tpu.memory_space<vmem_shared>>
          tpu.enqueue_dma source(%dma_start3A_105 : memref<128x96xf32, #tpu.memory_space<vmem_shared>>) target(%dma_start3A_103 : memref<128x96xf32, #tpu.memory_space<vmem>>) target_semaphore(%run_scoped3A : memref<!tpu.dma_semaphore, #tpu.memory_space<semaphore_mem>>)
          %dma_wait3A_106 = arith.constant 0 : i32
          %dma_wait3A_107 = arith.constant 0 : i32
          %dma_wait3A_108 = tpu.memref_slice %arg17[%dma_wait3A_106, %dma_wait3A_107] : memref<256x96xf32, #tpu.memory_space<vmem>> -> memref<128x96xf32, #tpu.memory_space<vmem>>
          %dma_wait3A_109 = arith.constant 0 : i32
          %dma_wait3A_110 = tpu.memref_slice %arg20[%multiple_of3A_95, %dma_wait3A_109] : memref<10240x96xf32, #tpu.memory_space<vmem_shared>> -> memref<128x96xf32, #tpu.memory_space<vmem_shared>>
          %dma_wait3A_111 = arith.constant 0 : i32
          %dma_wait3A_112 = arith.constant 0 : i32
          %dma_wait3A_113 = tpu.memref_slice %arg17[%dma_wait3A_111, %dma_wait3A_112] : memref<256x96xf32, #tpu.memory_space<vmem>> -> memref<128x96xf32, #tpu.memory_space<vmem>>
          %dma_wait3A_114 = arith.constant 0 : i32
          %dma_wait3A_115 = tpu.memref_slice %arg20[%multiple_of3A_95, %dma_wait3A_114] : memref<10240x96xf32, #tpu.memory_space<vmem_shared>> -> memref<128x96xf32, #tpu.memory_space<vmem_shared>>
          tpu.wait_dma2 semaphore(%run_scoped3A : memref<!tpu.dma_semaphore, #tpu.memory_space<semaphore_mem>>) src(%dma_wait3A_115 : memref<128x96xf32, #tpu.memory_space<vmem_shared>>) dst(%dma_wait3A_113 : memref<128x96xf32, #tpu.memory_space<vmem>>)
          tpu.yield
        }) : () -> ()
        "tpu.region"() ({
          %run_scoped3A = tpu.sem_alloc : memref<!tpu.dma_semaphore, #tpu.memory_space<semaphore_mem>>
          %dma_start3A_96 = arith.constant 0 : i32
          %dma_start3A_97 = arith.constant 0 : i32
          %dma_start3A_98 = tpu.memref_slice %arg17[%dma_start3A_96, %dma_start3A_97] : memref<256x96xf32, #tpu.memory_space<vmem>> -> memref<128x96xf32, #tpu.memory_space<vmem>>
          %dma_start3A_99 = arith.constant 0 : i32
          %dma_start3A_100 = tpu.memref_slice %arg11[%multiple_of3A_95, %dma_start3A_99] : memref<10240x96xf32, #tpu.memory_space<hbm>> -> memref<128x96xf32, #tpu.memory_space<hbm>>
          %dma_start3A_101 = arith.constant 0 : i32
          %dma_start3A_102 = tpu.memref_slice %arg11[%multiple_of3A_95, %dma_start3A_101] : memref<10240x96xf32, #tpu.memory_space<hbm>> -> memref<128x96xf32, #tpu.memory_space<hbm>>
          %dma_start3A_103 = arith.constant 0 : i32
          %dma_start3A_104 = arith.constant 0 : i32
          %dma_start3A_105 = tpu.memref_slice %arg17[%dma_start3A_103, %dma_start3A_104] : memref<256x96xf32, #tpu.memory_space<vmem>> -> memref<128x96xf32, #tpu.memory_space<vmem>>
          tpu.enqueue_dma source(%dma_start3A_105 : memref<128x96xf32, #tpu.memory_space<vmem>>) target(%dma_start3A_102 : memref<128x96xf32, #tpu.memory_space<hbm>>) target_semaphore(%run_scoped3A : memref<!tpu.dma_semaphore, #tpu.memory_space<semaphore_mem>>)
          %dma_wait3A_106 = arith.constant 0 : i32
          %dma_wait3A_107 = arith.constant 0 : i32
          %dma_wait3A_108 = tpu.memref_slice %arg17[%dma_wait3A_106, %dma_wait3A_107] : memref<256x96xf32, #tpu.memory_space<vmem>> -> memref<128x96xf32, #tpu.memory_space<vmem>>
          %dma_wait3A_109 = arith.constant 0 : i32
          %dma_wait3A_110 = tpu.memref_slice %arg11[%multiple_of3A_95, %dma_wait3A_109] : memref<10240x96xf32, #tpu.memory_space<hbm>> -> memref<128x96xf32, #tpu.memory_space<hbm>>
          %dma_wait3A_111 = arith.constant 0 : i32
          %dma_wait3A_112 = tpu.memref_slice %arg11[%multiple_of3A_95, %dma_wait3A_111] : memref<10240x96xf32, #tpu.memory_space<hbm>> -> memref<128x96xf32, #tpu.memory_space<hbm>>
          %dma_wait3A_113 = arith.constant 0 : i32
          %dma_wait3A_114 = arith.constant 0 : i32
          %dma_wait3A_115 = tpu.memref_slice %arg17[%dma_wait3A_113, %dma_wait3A_114] : memref<256x96xf32, #tpu.memory_space<vmem>> -> memref<128x96xf32, #tpu.memory_space<vmem>>
          tpu.wait_dma2 semaphore(%run_scoped3A : memref<!tpu.dma_semaphore, #tpu.memory_space<semaphore_mem>>) src(%dma_wait3A_115 : memref<128x96xf32, #tpu.memory_space<vmem>>) dst(%dma_wait3A_112 : memref<128x96xf32, #tpu.memory_space<hbm>>)
          tpu.yield
        }) : () -> ()
      }
      %scan3A_89 = arith.constant 5 : i32
    } else {
    }
    return
  }
}

module attributes {stable_mosaic.version = 14 : i64} {
  func.func @_mm_body(%arg0: i32, %arg1: memref<1000x96xf32, #tpu.memory_space<vmem>>, %arg2: memref<1000x96xf32, #tpu.memory_space<vmem>>, %arg3: memref<1000x96xf32, #tpu.memory_space<vmem>>, %arg4: memref<96x512xf32, #tpu.memory_space<vmem>>, %arg5: memref<96x512xf32, #tpu.memory_space<vmem>>, %arg6: memref<1x512xf32, #tpu.memory_space<vmem>>, %arg7: memref<512x512xf32, #tpu.memory_space<vmem>>, %arg8: memref<1x512xf32, #tpu.memory_space<vmem>>, %arg9: memref<1000x512xf32, #tpu.memory_space<vmem>>) attributes {dimension_semantics = [#tpu.dimension_semantics<arbitrary>], iteration_bounds = array<i64: 10>, scalar_prefetch = 0 : i64, scratch_operands = 0 : i64, tpu.core_type = #tpu.core_type<tc>, window_params = [{transform_indices = @transform_0, window_bounds = array<i64: 1000, 96>}, {transform_indices = @transform_1, window_bounds = array<i64: 1000, 96>}, {transform_indices = @transform_2, window_bounds = array<i64: 1000, 96>}, {pipeline_mode = #tpu.pipeline_mode<synchronous>, transform_indices = @transform_3, window_bounds = array<i64: 96, 512>}, {pipeline_mode = #tpu.pipeline_mode<synchronous>, transform_indices = @transform_4, window_bounds = array<i64: 96, 512>}, {pipeline_mode = #tpu.pipeline_mode<synchronous>, transform_indices = @transform_5, window_bounds = array<i64: 1, 512>}, {pipeline_mode = #tpu.pipeline_mode<synchronous>, transform_indices = @transform_6, window_bounds = array<i64: 512, 512>}, {pipeline_mode = #tpu.pipeline_mode<synchronous>, transform_indices = @transform_7, window_bounds = array<i64: 1, 512>}, {transform_indices = @transform_8, window_bounds = array<i64: 1000, 512>}]} {
    %get3A = arith.constant 0 : index
    %get3A_0 = arith.constant 0 : index
    %get3A_1 = vector.load %arg2[%get3A, %get3A_0] : memref<1000x96xf32, #tpu.memory_space<vmem>>, vector<1000x96xf32>
    %get3A_2 = arith.constant 0 : index
    %get3A_3 = arith.constant 0 : index
    %get3A_4 = vector.load %arg4[%get3A_2, %get3A_3] : memref<96x512xf32, #tpu.memory_space<vmem>>, vector<96x512xf32>
    %dot_general3A = arith.constant dense<0.000000e+00> : vector<1000x512xf32>
    %dot_general3A_5 = tpu.matmul %get3A_1, %get3A_4, %dot_general3A {dimension_numbers = #tpu.dot_dimension_numbers<[1], [0], [0], [1], [0, 0, 1, 1], [], []>, transpose_lhs_hint = false} : vector<1000x96xf32>, vector<96x512xf32>, vector<1000x512xf32> -> vector<1000x512xf32>
    %get3A_6 = arith.constant 0 : index
    %get3A_7 = arith.constant 0 : index
    %get3A_8 = vector.load %arg3[%get3A_6, %get3A_7] : memref<1000x96xf32, #tpu.memory_space<vmem>>, vector<1000x96xf32>
    %get3A_9 = arith.constant 0 : index
    %get3A_10 = arith.constant 0 : index
    %get3A_11 = vector.load %arg5[%get3A_9, %get3A_10] : memref<96x512xf32, #tpu.memory_space<vmem>>, vector<96x512xf32>
    %dot_general3A_12 = arith.constant dense<0.000000e+00> : vector<1000x512xf32>
    %dot_general3A_13 = tpu.matmul %get3A_8, %get3A_11, %dot_general3A_12 {dimension_numbers = #tpu.dot_dimension_numbers<[1], [0], [0], [1], [0, 0, 1, 1], [], []>, transpose_lhs_hint = false} : vector<1000x96xf32>, vector<96x512xf32>, vector<1000x512xf32> -> vector<1000x512xf32>
    %add3A = arith.addf %dot_general3A_5, %dot_general3A_13 : vector<1000x512xf32>
    %get3A_14 = arith.constant 0 : index
    %get3A_15 = arith.constant 66 : index
    %get3A_16 = vector.load %arg1[%get3A_14, %get3A_15] : memref<1000x96xf32, #tpu.memory_space<vmem>>, vector<1000x1xf32>
    %get3A_17 = arith.constant 0 : index
    %get3A_18 = arith.constant 0 : index
    %get3A_19 = vector.load %arg6[%get3A_17, %get3A_18] : memref<1x512xf32, #tpu.memory_space<vmem>>, vector<1x512xf32>
    %mul3A = vector.broadcast %get3A_16 : vector<1000x1xf32> to vector<1000x512xf32>
    %mul3A_20 = vector.broadcast %get3A_19 : vector<1x512xf32> to vector<1000x512xf32>
    %mul3A_21 = arith.mulf %mul3A, %mul3A_20 : vector<1000x512xf32>
    %add3A_22 = arith.addf %add3A, %mul3A_21 : vector<1000x512xf32>
    %get3A_23 = arith.constant 0 : index
    %get3A_24 = arith.constant 0 : index
    %get3A_25 = vector.load %arg7[%get3A_23, %get3A_24] : memref<512x512xf32, #tpu.memory_space<vmem>>, vector<512x512xf32>
    %dot_general3A_26 = arith.constant dense<0.000000e+00> : vector<1000x512xf32>
    %dot_general3A_27 = tpu.matmul %add3A_22, %get3A_25, %dot_general3A_26 {dimension_numbers = #tpu.dot_dimension_numbers<[1], [0], [0], [1], [0, 0, 1, 1], [], []>, transpose_lhs_hint = false} : vector<1000x512xf32>, vector<512x512xf32>, vector<1000x512xf32> -> vector<1000x512xf32>
    %get3A_28 = arith.constant 0 : index
    %get3A_29 = arith.constant 0 : index
    %get3A_30 = vector.load %arg8[%get3A_28, %get3A_29] : memref<1x512xf32, #tpu.memory_space<vmem>>, vector<1x512xf32>
    %add3A_31 = vector.broadcast %get3A_30 : vector<1x512xf32> to vector<1000x512xf32>
    %add3A_32 = arith.addf %dot_general3A_27, %add3A_31 : vector<1000x512xf32>
    %swap3A = arith.constant 0 : index
    %swap3A_33 = arith.constant 0 : index
    %swap3A_34 = vector.load %arg9[%swap3A, %swap3A_33] : memref<1000x512xf32, #tpu.memory_space<vmem>>, vector<1000x512xf32>
    tpu.vector_store %arg9[%swap3A, %swap3A_33], %add3A_32 {strides = array<i32>} : memref<1000x512xf32, #tpu.memory_space<vmem>>, vector<1000x512xf32>,
    return
  }
  func.func @transform_0(%arg0: i32) -> (i32, i32) {
    %c0_i32 = arith.constant 0 : i32
    %c0_i32_0 = arith.constant 0 : i32
    return %arg0, %c0_i32 : i32, i32
  }
  func.func @transform_1(%arg0: i32) -> (i32, i32) {
    %c0_i32 = arith.constant 0 : i32
    %c0_i32_0 = arith.constant 0 : i32
    return %arg0, %c0_i32 : i32, i32
  }
  func.func @transform_2(%arg0: i32) -> (i32, i32) {
    %c0_i32 = arith.constant 0 : i32
    %c0_i32_0 = arith.constant 0 : i32
    return %arg0, %c0_i32 : i32, i32
  }
  func.func @transform_3(%arg0: i32) -> (i32, i32) {
    %c0_i32 = arith.constant 0 : i32
    %c0_i32_0 = arith.constant 0 : i32
    %c0_i32_1 = arith.constant 0 : i32
    return %c0_i32, %c0_i32_0 : i32, i32
  }
  func.func @transform_4(%arg0: i32) -> (i32, i32) {
    %c0_i32 = arith.constant 0 : i32
    %c0_i32_0 = arith.constant 0 : i32
    %c0_i32_1 = arith.constant 0 : i32
    return %c0_i32, %c0_i32_0 : i32, i32
  }
  func.func @transform_5(%arg0: i32) -> (i32, i32) {
    %c0_i32 = arith.constant 0 : i32
    %c0_i32_0 = arith.constant 0 : i32
    %c0_i32_1 = arith.constant 0 : i32
    return %c0_i32, %c0_i32_0 : i32, i32
  }
  func.func @transform_6(%arg0: i32) -> (i32, i32) {
    %c0_i32 = arith.constant 0 : i32
    %c0_i32_0 = arith.constant 0 : i32
    %c0_i32_1 = arith.constant 0 : i32
    return %c0_i32, %c0_i32_0 : i32, i32
  }
  func.func @transform_7(%arg0: i32) -> (i32, i32) {
    %c0_i32 = arith.constant 0 : i32
    %c0_i32_0 = arith.constant 0 : i32
    %c0_i32_1 = arith.constant 0 : i32
    return %c0_i32, %c0_i32_0 : i32, i32
  }
  func.func @transform_8(%arg0: i32) -> (i32, i32) {
    %c0_i32 = arith.constant 0 : i32
    %c0_i32_0 = arith.constant 0 : i32
    return %arg0, %c0_i32 : i32, i32
  }
}

</mosaic_0001>

<sc_bundles>
// kernel: kernel.4.cloned.1.call-start
scs
__scs_entry_jumppad:
0x0: {  	(pc) =	sbr.rel $0x88, $3  }
0x1: {  	(tag) =	ssettag $0x0;
	lr =	simm.s32 $0x1  }
0x2: {  	[smem:$0x3F9B] =	sst lr;
	_ =	strace $0xD0000000  }
0x3: {  	_ = 	snop  }
0x4: {  	_ = 	snop  }
0x5: {  	_ = 	snop  }
0x6: {  	_ = 	snop  }
0x7: {  	_ = 	snop  }
__scs_overlays_trampoline_lowered:
0x8: {  	[smem:$0x3FAA] =	sst s0  }
0x9: {  	[smem:$0x3FAB] =	sst s1  }
0xa: {  	[smem:$0x3FAC] =	sst s2  }
0xb: {  	[smem:$0x3FAD] =	sst s3  }
0xc: {  	[smem:$0x3FAE] =	sst s4  }
0xd: {  	[smem:$0x3FAF] =	sst s5  }
0xe: {  	[smem:$0x3FB0] =	sst s6  }
0xf: {  	[smem:$0x3FB1] =	sst s7  }
0x10: {  	[smem:$0x3FB2] =	sst s8  }
0x11: {  	[smem:$0x3FB3] =	sst s9;
	s0 =	simm.s32 @!p0 $0x0  }
0x12: {  	s1 =	sld [smem:$0x3F99];
	s0 =	simm.s32 @p0 $0x1  }
0x13: {  	[smem:$0x3FB4] =	sst s0;
	s0 =	simm.s32 @!p1 $0x0  }
0x14: {  	s2 =	sld [smem:$0x3F98];
	s0 =	simm.s32 @p1 $0x1  }
0x15: {  	[smem:$0x3FB5] =	sst s0;
	s0 =	simm.s32 @!p2 $0x0  }
0x16: {  	s3 =	sld [smem:$0x3FDB];
	s0 =	simm.s32 @p2 $0x1  }
0x17: {  	s4 =	simm.s32 $0x1BF5;
	[smem:$0x3FB7] =	sst s0  }
0x18: {  	s0 =	sld [smem:$0x3F9A];
	_ =	swait.ge [sflag:s4], $0x0  }
0x19: {  	s7 =	sld [smem:$0x3F9B]  }
0x1a: {  	s8 =	sadd.s32 $0xFFFFE003, lr  }
0x1b: {  	s9 =	sadd.s32 $0xFFFFFEF7, lr;
	s5 =	simm.s32 $0xFFFFFFFF;
	p2 =	slt.u32 s8, $0xFFFFF086  }
0x1c: {  	p1 =	slt.u32 s9, $0xF7A;
	s5 =	simm.s32 @!p2 $0x0  }
0x1d: {  	s5 =	simm.s32 @p1 $0x1;
	p0 =	seq.s32 s7, s2  }
0x1e: {  	s7 =	smul.u32 @!p0 $0xF7A, s2;
	p2 =	seq.s32 @!p0 s5, $0x0  }
0x1f: {  	s9 =	smul.u32 $0xF7A, s1;
	s8 =	simm.s32 @!p0 $0x1BF5;
	p2 =	por !p2, p0  }
0x20: {  	[sflag:s8] =	ssyncset.s32 @!p0 $0xFFFFF086;
	s6 =	sadd.s32 @!p0 s3, s7;
	s7 =	simm.s32 @!p0 $0x108  }
0x21: {  	s3 =	sadd.s32 s3, s9;
	s6 =	sadd.s32 @!p0 $0x88, s6;
	s7 =	simm.s32 @p2 $0x1082  }
0x22: {  	[simem:s7], [sflag:s8] =	dma.local @!p0 [hbm:s6], $0xF7A  }
0x23: {  	s9 =	sor.u32 $0xD0000000, s2;
	s6 =	simm.s32 $0x108;
	_ =	swait.ge @!p0 [sflag:s8], $0x0  }
0x24: {  	s3 =	sadd.s32 $0x88, s3;
	s6 =	simm.s32 @!p1 $0x1082;
	[sflag:s4] =	ssyncset.s32 $0xFFFFF086  }
0x25: {  	[simem:s6], [sflag:s4] =	dma.local [hbm:s3], $0xF7A  }
0x26: {  	[smem:$0x3F9B] =	sst s1;
	(tag) =	ssettag s2;
	_ =	strace s9  }
0x27: {  	s1 =	sld [smem:$0x3FAB]  }
0x28: {  	s2 =	sld [smem:$0x3FAC]  }
0x29: {  	s4 =	sld [smem:$0x3FAE]  }
0x2a: {  	p0 =	seq.s32 s5, $0x0;
	s5 =	sld [smem:$0x3FAF]  }
0x2b: {  	s6 =	sld [smem:$0x3FB0]  }
0x2c: {  	s7 =	sld [smem:$0x3FB1]  }
0x2d: {  	s3 =	simm.s32 $0x108;
	s8 =	sld [smem:$0x3FB2]  }
0x2e: {  	s3 =	simm.s32 @!p0 $0x1082;
	s9 =	sld [smem:$0x3FB3]  }
0x2f: {  	lr =	sadd.s32 s0, s3;
	s0 =	sld [smem:$0x3FAA]  }
0x30: {  	s3 =	sld [smem:$0x3FAD]  }
0x31: {  	[smem:$0x3FB6] =	sst s10  }
0x32: {  	s10 =	sld [smem:$0x3FB4];
	_ =	sdelay $0x3  }
0x33: {  	p0 =	seq.s32 s10, $0x1;
	s10 =	sld [smem:$0x3FB6];
	_ =	sdelay $0x3  }
0x34: {  	[smem:$0x3FB6] =	sst s10  }
0x35: {  	s10 =	sld [smem:$0x3FB5];
	_ =	sdelay $0x3  }
0x36: {  	p1 =	seq.s32 s10, $0x1;
	s10 =	sld [smem:$0x3FB6];
	_ =	sdelay $0x3  }
0x37: {  	[smem:$0x3FB6] =	sst s10  }
0x38: {  	s10 =	sld [smem:$0x3FB7]  }
0x39: {  	_ = 	snop;
	(pc) =	sbr.ind lr, $3  }
0x3a: {  	_ = 	snop  }
0x3b: {  	_ = 	snop  }
0x3c: {  	p2 =	seq.s32 s10, $0x1;
	s10 =	sld [smem:$0x3FB6]  }
0x3d: {  	_ =	shalt  }
0x3e: {  	_ =	shalt  }
0x3f: {  	_ =	shalt  }
0x40: {  	_ =	shalt  }
0x41: {  	_ =	shalt  }
0x42: {  	_ =	shalt  }
0x43: {  	_ =	shalt  }
0x44: {  	_ =	shalt  }
0x45: {  	_ =	shalt  }
0x46: {  	_ =	shalt  }
0x47: {  	_ =	shalt  }
0x48: {  	_ =	shalt  }
0x49: {  	_ =	shalt  }
0x4a: {  	_ =	shalt  }
0x4b: {  	_ =	shalt  }
0x4c: {  	_ =	shalt  }
0x4d: {  	_ =	shalt  }
0x4e: {  	_ =	shalt  }
0x4f: {  	_ =	shalt  }
0x50: {  	_ =	shalt  }
0x51: {  	_ =	shalt  }
0x52: {  	_ =	shalt  }
0x53: {  	_ =	shalt  }
0x54: {  	_ =	shalt  }
0x55: {  	_ =	shalt  }
0x56: {  	_ =	shalt  }
0x57: {  	_ =	shalt  }
0x58: {  	_ =	shalt  }
0x59: {  	_ =	shalt  }
0x5a: {  	_ =	shalt  }
0x5b: {  	_ =	shalt  }
0x5c: {  	_ =	shalt  }
0x5d: {  	_ =	shalt  }
0x5e: {  	_ =	shalt  }
0x5f: {  	_ =	shalt  }
0x60: {  	_ =	shalt  }
0x61: {  	_ =	shalt  }
0x62: {  	_ =	shalt  }
0x63: {  	_ =	shalt  }
0x64: {  	_ =	shalt  }
0x65: {  	_ =	shalt  }
0x66: {  	_ =	shalt  }
0x67: {  	_ =	shalt  }
0x68: {  	_ =	shalt  }
0x69: {  	_ =	shalt  }
0x6a: {  	_ =	shalt  }
0x6b: {  	_ =	shalt  }
0x6c: {  	_ =	shalt  }
0x6d: {  	_ =	shalt  }
0x6e: {  	_ =	shalt  }
0x6f: {  	_ =	shalt  }
0x70: {  	_ =	shalt  }
0x71: {  	_ =	shalt  }
0x72: {  	_ =	shalt  }
0x73: {  	_ =	shalt  }
0x74: {  	_ =	shalt  }
0x75: {  	_ =	shalt  }
0x76: {  	_ =	shalt  }
0x77: {  	_ =	shalt  }
0x78: {  	_ =	shalt  }
0x79: {  	_ =	shalt  }
0x7a: {  	_ =	shalt  }
0x7b: {  	_ =	shalt  }
0x7c: {  	_ =	shalt  }
0x7d: {  	_ =	shalt  }
0x7e: {  	_ =	shalt  }
0x7f: {  	_ =	shalt  }
0x80: {  	_ =	shalt  }
0x81: {  	_ =	shalt  }
0x82: {  	_ =	shalt  }
0x83: {  	_ =	shalt  }
0x84: {  	_ =	shalt  }
0x85: {  	_ =	shalt  }
0x86: {  	_ =	shalt  }
0x87: {  	_ =	shalt  }
.Lfunc_end0:
.L_simem_size_0:
called_computation_lowered:
.L_overlay_start_0:
0x88: {  	s2 =	sld [smem:$0x3FD9]  }
0x89: {  	s3 =	sld [smem:$0x3FFE];
	_ =	sdelay $0x1  }
0x8a: {  	s1 =	srdreg.scid  }
0x8b: {  	s0 =	sand.u32 $0x1, s1  }
0x8c: {  	s17 =	sshll.u32 s0, $0xA;
	s2 =	sadd.s32 s3, s2  }
0x8d: {  	s2 =	sadd.s32 s2, s17  }
0x8e: {  	[smem:$0x3FC2] =	sst s2  }
0x8f: {  	_ = 	snop  }
0x90: {  	s2 =	sld [smem:$0x3FD0];
	(tm) =	ssettm $0x1  }
0x91: {  	s18 =	sld [smem:$0x3FFB];
	_ =	sdelay $0x3  }
0x92: {  	_ =	strace s18  }
0x93: {  	s3 =	sld [smem:$0x3FFC];
	_ =	sdelay $0x3  }
0x94: {  	_ =	strace s3  }
0x95: {  	s3 =	sld [smem:$0x3FFD];
	_ =	sdelay $0x3  }
0x96: {  	_ =	strace s3  }
0x97: {  	_ =	strace $0x8FFFFFFF  }
0x98: {  	s19 =	sld [smem:$0x3FDB];
	_ =	sdelay $0x1  }
0x99: {  	s4 =	simm.s32 $_scs_section_size  }
0x9a: {  	s5 =	simm.s32 $_size__tile_overlayer_lowered;
	s6 =	simm.s32 $_tile_overlayer_lowered  }
0x9b: {  	s22 =	simm.s32 $0x1BFF;
	s21 =	sshll.u32 s6, $0x1;
	s3 =	sadd.s32 s4, s19  }
0x9c: {  	s7 =	simm.s32 $0x0;
	s20 =	sshll.u32 s5, $0x1;
	s5 =	sadd.s32 s21, s3  }
0x9d: {  	[timem:s7], [sflag:s22] =	dma.local [hbm:s5], s20  }
0x9e: {  	_ =	swait.ge [sflag:s22], s20  }
0x9f: {  	s4 =	ssub.s32 $0x0, s20;
	[sflag:s22] =	ssyncset.done $0x0  }
0xa0: {  	[sflag:s22] =	ssyncadd.s32 s4;
	_ =	sdelay $0x1  }
0xa1: {  	s23 =	simm.s32 $0x1B8B  }
0xa2: {  	_ =	swait.ge [sflag:s23], $0x1  }
0xa3: {  	[sflag:s23] =	ssyncset.done $0x0  }
0xa4: {  	s25 =	simm.s32 $0x1B8E;
	s24 =	sld [smem:$0x3FFE];
	[sflag:s23] =	ssyncadd.s32 $0xFFFFFFFF  }
0xa5: {  	s26 =	simm.s32 $execute0_lowered;
	[smem:$0x3FD2] =	sst s25  }
0xa6: {  	s5 =	sshll.u32 s26, $0x1;
	_ =	strace $0x80000046;
	[dreg:$0x1] =	wrdreg $0xFFFFFFFF  }
0xa7: {  	s28 =	simm.s32 $_size_execute0_lowered;
	s3 =	sadd.s32 s3, s5;
	[dreg:$0x0] =	wrdreg $0x0  }
0xa8: {  	s5 =	sshll.u32 s28, $0x1;
	[dreg:$0x2] =	wrdreg s3  }
0xa9: {  	[dreg:$0x3] =	wrdreg s5  }
0xaa: {  	[dreg:$0x4] =	wrdreg $0xC0  }
0xab: {  	_ =	task [dreg:s7], $0x5FFFF  }
0xac: {  	[dreg:$0x1] =	wrdreg $0xFFFFFFFF  }
0xad: {  	[dreg:$0x0] =	wrdreg $0x60  }
0xae: {  	[dreg:$0x2] =	wrdreg s24  }
0xaf: {  	[dreg:$0x3] =	wrdreg s2  }
0xb0: {  	[dreg:$0x4] =	wrdreg $0xE0000  }
0xb1: {  	[dreg:$0x5] =	wrdreg $0x9  }
0xb2: {  	_ =	task.clear_ibuf [dreg:s7], $0x6FFFF;
	_ =	strace $0x90000046  }
0xb3: {  	s29 =	simm.s32 $0x9;
	_ =	strace $0x80000048  }
0xb4: {  	_ =	swait.ge [sflag:s29], $0x1  }
0xb5: {  	[sflag:s29] =	ssyncadd.s32 $0xFFFFFFFF  }
0xb6: {  	_ =	strace $0x90000048  }
0xb7: {  	_ =	sfence  }
0xb8: {  	s30 =	sld [smem:$0x0];
	_ =	sdelay $0x2  }
0xb9: {  	s31 =	sshll.u32 s1, $0xD;
	s1 =	sshrl.u32 s1, $0x2  }
0xba: {  	s3 =	sand.u32 $0x4000, s31;
	s1 =	sadd.s32 s1, s30  }
0xbb: {  	s0 =	sor.u32 s3, s0;
	s1 =	sshll.u32 s1, $0x11  }
0xbc: {  	s0 =	sor.u32 s1, s0  }
0xbd: {  	s0 =	sadd.s32 $0x8F2B, s0  }
0xbe: {  	[sflag:s0] =	ssyncadd.remote.s32 $0x1  }
0xbf: {  	_ =	sfence.sel $0xFFFF  }
0xc0: {  	[dreg:$0x0] =	wrdreg $0xFFFFFFFF;
	(pc) =	sbr.abs _section_cstart, $3  }
0xc1: {  	[dreg:$0x1] =	wrdreg $0xFFFFFFFF  }
0xc2: {  	_ =	task.clear_ibuf [dreg:s7], $0x2FFFF;
	_ =	strace $0x9FFFFFFF  }
0xc3: {  	(tm) =	ssettm $0x7FFFFFFF  }
tec
execute0_lowered:
.L_overlay_start_1:
0x0: {  	(tag) =	ssettag $0x1  }
0x1: {  	s0 =	rddreg [dreg:$0x0]  }
0x2: {  	s1 =	rddreg [dreg:$0x1]  }
0x3: {  	s2 =	rddreg [dreg:$0x2]  }
0x4: {  	s3 =	simm.s32 $0x0;
	s15 =	stileid.u32;
	s10 =	srdreg.scid  }
0x5: {  	[smem:$0x7FF] =	sst s3;
	s6 =	smul.u32 $0x500, s15  }
0x6: {  	s4 =	sadd.s32 $0x38A00, s0;
	s5 =	sadd.s32 $0x29A00, s0;
	s8 =	sadd.s32 $0x1A00, s0  }
0x7: {  	s7 =	sadd.s32 $0xBFA00, s0;
	s11 =	sadd.s32 $0x83A00, s0;
	s12 =	sand.u32 $0x1, s10  }
0x8: {  	s21 =	sadd.s32 $0xA1A00, s0;
	_ =	strace $0x80000047;
	[dreg:$0x4] =	wrdreg s11  }
0x9: {  	s10 =	sadd.s32 $0x65A00, s0;
	s14 =	smul.u32 $0xF000, s15;
	[dreg:$0x5] =	wrdreg s21  }
0xa: {  	s13 =	ssub.s32 $0x2, s12;
	s11 =	sadd.s32 $0x74A00, s0;
	p0 =	seq.s32 s12, $0x1  }
0xb: {  	s9 =	sadd.s32 s6, s0;
	s6 =	sadd.s32 $0x47A00, s0;
	s12 =	sshrl.u32 s14, $0x3  }
0xc: {  	s22 =	sshrl.u32 s13, $0x1;
	s16 =	sadd.s32 s14, s2;
	[dreg:$0x9] =	wrdreg s12  }
0xd: {  	s24 =	sadd.s32 $0x3000, s14;
	s23 =	sadd.s32 $0x24A00, s9;
	[dreg:$0xa] =	wrdreg s16  }
0xe: {  	s25 =	sadd.s32 $0x6000, s14;
	s9 =	sadd.s32 $0x1FA00, s9;
	[dreg:$0x6] =	wrdreg s23  }
0xf: {  	s0 =	ssub.s32 s13, s22;
	s13 =	sshrl.u32 s24, $0x3;
	[dreg:$0x7] =	wrdreg s9  }
0x10: {  	s26 =	sadd.s32 $0x9000, s14;
	s17 =	sshrl.u32 s25, $0x3;
	[dreg:$0xb] =	wrdreg s13  }
0x11: {  	s28 =	simm.s32 $0x80;
	s19 =	sshrl.u32 s26, $0x3;
	[dreg:$0xc] =	wrdreg s17  }
0x12: {  	s21 =	sadd.s32 $0xC000, s14;
	s0 =	smax.u32 s0, $0x1;
	[dreg:$0xd] =	wrdreg s19  }
0x13: {  	s18 =	sadd.s32 s24, s2;
	s23 =	sadd.s32 s1, s12;
	[dreg:$0x8] =	wrdreg s0  }
0x14: {  	s20 =	sadd.s32 s25, s2;
	s24 =	sadd.s32 s1, s13;
	[dreg:$0xe] =	wrdreg s23  }
0x15: {  	s22 =	sadd.s32 s26, s2;
	s25 =	sadd.s32 s1, s17;
	[dreg:$0xf] =	wrdreg s24  }
0x16: {  	s30 =	sadd.s32 s21, s2;
	s26 =	sadd.s32 s1, s19;
	[dreg:$0x10] =	wrdreg s25  }
0x17: {  	s9 =	sshrl.u32 s21, $0x3;
	s21 =	sadd.s32 s8, s12;
	[dreg:$0x12] =	wrdreg s26  }
0x18: {  	s29 =	simm.s32 $0x5000;
	s31 =	simm.s32 $0x1;
	[dreg:$0x14] =	wrdreg s21  }
0x19: {  	s12 =	simm.s32 $0x4;
	s1 =	sadd.s32 s1, s9;
	[dreg:$0x11] =	wrdreg s9  }
0x1a: {  	s23 =	sadd.s32 s8, s13;
	s24 =	sadd.s32 s8, s17;
	[dreg:$0x13] =	wrdreg s1  }
.Ltmp0:
0x1b: {  	s25 =	sadd.s32 s8, s19;
	[dreg:$0x15] =	wrdreg s23;
	(pc) =	sbr.rel .LBB2_1-.Ltmp0, $4  }
0x1c: {  	s26 =	sadd.s32 s8, s9;
	s0 =	simm.s32 $0x6800;
	[dreg:$0x16] =	wrdreg s24  }
0x1d: {  	s8 =	simm.s32 $0x3;
	s9 =	simm.s32 $0xB000;
	[dreg:$0x17] =	wrdreg s25  }
0x1e: {  	s13 =	simm.s32 $0x0;
	[dreg:$0x18] =	wrdreg s26;
	s23 =	smul.u32 $0x280, s15  }
0x1f: {  	s24 =	simm.s32 $0x5;
	s25 =	simm.s32 $0x8000;
	s1 =	simm.s32 $0x2  }
.LBB2_36:
0x20: {  	_ =	swait.ge [sflag:s12], $0x3000  }
0x21: {  	[sflag:s12] =	ssyncset.done $0x0  }
0x22: {  	[sflag:s12] =	ssyncadd.s32 $0xFFFFD000  }
0x23: {  	[bflag:$0x0] =	sbarrier.arrive $0xFFFF  }
0x24: {  	[tilespmem:s25], [sflag:$0x5] =	stream.linear.gather [spmem:s16], $0x3000, $0x38;
	[tilespmem:$0x1D000] =	vst v63  }
0x25: {  	_ =	swait.ge [sflag:s24], $0x3000  }
0x26: {  	[sflag:s24] =	ssyncset.done $0x0;
	s15 =	rddreg [dreg:$0x9]  }
0x27: {  	s15 =	sadd.s32 s14, s15;
	[sflag:s24] =	ssyncadd.s32 $0xFFFFD000  }
0x28: {  	[hbm4b:s15+s3] =	stream.linear.scatter [tilespmem:s25], [sflag:$0x5], $0x3000, $0x38;
	[tilespmem:$0x1D000] =	vst v63  }
0x29: {  	_ =	swait.ge [sflag:s24], $0x3000  }
0x2a: {  	[sflag:s24] =	ssyncset.done $0x0  }
0x2b: {  	[sflag:s24] =	ssyncadd.s32 $0xFFFFD000  }
0x2c: {  	[tilespmem:s25], [sflag:$0x5] =	stream.linear.gather [spmem:s18], $0x3000, $0x38;
	[tilespmem:$0x1D000] =	vst v63  }
0x2d: {  	_ =	swait.ge [sflag:s24], $0x3000  }
0x2e: {  	[sflag:s24] =	ssyncset.done $0x0;
	s21 =	rddreg [dreg:$0xb]  }
0x2f: {  	s15 =	sadd.s32 s14, s21;
	[sflag:s24] =	ssyncadd.s32 $0xFFFFD000  }
0x30: {  	[hbm4b:s15+s3] =	stream.linear.scatter [tilespmem:s25], [sflag:$0x5], $0x3000, $0x38;
	[tilespmem:$0x1D000] =	vst v63  }
0x31: {  	_ =	swait.ge [sflag:s24], $0x3000  }
0x32: {  	[sflag:s24] =	ssyncset.done $0x0  }
0x33: {  	[sflag:s24] =	ssyncadd.s32 $0xFFFFD000  }
0x34: {  	[tilespmem:s25], [sflag:$0x5] =	stream.linear.gather [spmem:s20], $0x3000, $0x38;
	[tilespmem:$0x1D000] =	vst v63  }
0x35: {  	_ =	swait.ge [sflag:s24], $0x3000  }
0x36: {  	[sflag:s24] =	ssyncset.done $0x0;
	s26 =	rddreg [dreg:$0xc]  }
0x37: {  	s15 =	sadd.s32 s14, s26;
	[sflag:s24] =	ssyncadd.s32 $0xFFFFD000  }
0x38: {  	[hbm4b:s15+s3] =	stream.linear.scatter [tilespmem:s25], [sflag:$0x5], $0x3000, $0x38;
	[tilespmem:$0x1D000] =	vst v63  }
0x39: {  	_ =	swait.ge [sflag:s24], $0x3000  }
0x3a: {  	[sflag:s24] =	ssyncset.done $0x0  }
0x3b: {  	[sflag:s24] =	ssyncadd.s32 $0xFFFFD000  }
0x3c: {  	[tilespmem:s25], [sflag:$0x5] =	stream.linear.gather [spmem:s22], $0x3000, $0x38;
	[tilespmem:$0x1D000] =	vst v63  }
0x3d: {  	_ =	swait.ge [sflag:s24], $0x3000  }
0x3e: {  	[sflag:s24] =	ssyncset.done $0x0;
	s17 =	rddreg [dreg:$0xd]  }
0x3f: {  	s15 =	sadd.s32 s14, s17;
	[sflag:s24] =	ssyncadd.s32 $0xFFFFD000  }
0x40: {  	[hbm4b:s15+s3] =	stream.linear.scatter [tilespmem:s25], [sflag:$0x5], $0x3000, $0x38;
	[tilespmem:$0x1D000] =	vst v63  }
0x41: {  	_ =	swait.ge [sflag:s24], $0x3000  }
0x42: {  	[sflag:s24] =	ssyncset.done $0x0  }
0x43: {  	[sflag:s24] =	ssyncadd.s32 $0xFFFFD000  }
0x44: {  	[tilespmem:s25], [sflag:$0x5] =	stream.linear.gather [spmem:s30], $0x3000, $0x38;
	[tilespmem:$0x1D000] =	vst v63  }
0x45: {  	_ =	swait.ge [sflag:s24], $0x3000  }
0x46: {  	[sflag:s24] =	ssyncset.done $0x0;
	s19 =	rddreg [dreg:$0x11]  }
0x47: {  	s21 =	sadd.s32 s14, s19;
	[sflag:s24] =	ssyncadd.s32 $0xFFFFD000  }
0x48: {  	[hbm4b:s21+s3] =	stream.linear.scatter [tilespmem:s25], [sflag:$0x5], $0x3000, $0x38;
	[tilespmem:$0x1D000] =	vst v63  }
0x49: {  	_ =	swait.ge [sflag:s24], $0x3000  }
0x4a: {  	s13 =	sadd.s32 $0x1, s13;
	s26 =	rddreg [dreg:$0x8]  }
0x4b: {  	p1 =	sne.s32 s13, s26  }
.Ltmp1:
0x4c: {  	_ = 	snop;
	(pc) =	sbr.rel @!p1 .LBB2_37-.Ltmp1, $3  }
0x4d: {  	_ =	sdelay $0x1  }
0x4e: {  	[sflag:s24] =	ssyncset.done $0x0  }
0x4f: {  	[sflag:s24] =	ssyncadd.s32 $0xFFFFD000  }
.LBB2_1:
0x50: {  	s14 =	rddreg [dreg:$0x6]  }
0x51: {  	[tilespmem:s3], [sflag:$0x5] =	stream.linear.gather [hbm4b:s14+s3], $0x2800, $0x38;
	[tilespmem:$0x1D000] =	vst v63  }
0x52: {  	_ =	swait.ge [sflag:s24], $0x2800  }
0x53: {  	s15 =	simm.s32 $0x2800;
	[sflag:s24] =	ssyncset.done $0x0  }
.Ltmp2:
0x54: {  	s26 =	rddreg [dreg:$0x7];
	[sflag:s24] =	ssyncadd.s32 $0xFFFFD800;
	(pc) =	sbr.rel @!p0 .LBB2_2-.Ltmp2, $4  }
0x55: {  	[tilespmem:s15], [sflag:$0x5] =	stream.linear.gather [hbm4b:s26+s3], $0x2800, $0x38;
	[tilespmem:$0x1D000] =	vst v63  }
0x56: {  	_ =	swait.ge [sflag:s24], $0x2800  }
0x57: {  	[sflag:s24] =	ssyncset.done $0x0  }
0x58: {  	s14 =	simm.s32 $0x0;
	[sflag:s24] =	ssyncadd.s32 $0xFFFFD800  }
0x59: {  	s15 =	rddreg [dreg:$0x14]  }
0x5a: {  	[tilespmem:s25], [sflag:$0x5] =	stream.linear.gather [hbm4b:s15+s14], $0x3000, $0x38;
	[tilespmem:$0x1D000] =	vst v63  }
0x5b: {  	_ =	swait.ge [sflag:s24], $0x3000  }
0x5c: {  	[sflag:s24] =	ssyncset.done $0x0  }
0x5d: {  	[sflag:s24] =	ssyncadd.s32 $0xFFFFD000  }
0x5e: {  	[spmem:s16] =	stream.linear.scatter [tilespmem:s25], [sflag:$0x5], $0x3000, $0x38;
	[tilespmem:$0x1D000] =	vst v63  }
0x5f: {  	_ =	swait.ge [sflag:s24], $0x3000  }
0x60: {  	[sflag:s24] =	ssyncset.done $0x0  }
0x61: {  	s17 =	rddreg [dreg:$0x15];
	[sflag:s24] =	ssyncadd.s32 $0xFFFFD000  }
0x62: {  	[tilespmem:s25], [sflag:$0x5] =	stream.linear.gather [hbm4b:s17+s14], $0x3000, $0x38;
	[tilespmem:$0x1D000] =	vst v63  }
0x63: {  	_ =	swait.ge [sflag:s24], $0x3000  }
0x64: {  	[sflag:s24] =	ssyncset.done $0x0  }
0x65: {  	[sflag:s24] =	ssyncadd.s32 $0xFFFFD000  }
0x66: {  	[spmem:s18] =	stream.linear.scatter [tilespmem:s25], [sflag:$0x5], $0x3000, $0x38;
	[tilespmem:$0x1D000] =	vst v63  }
0x67: {  	_ =	swait.ge [sflag:s24], $0x3000  }
0x68: {  	[sflag:s24] =	ssyncset.done $0x0  }
0x69: {  	s19 =	rddreg [dreg:$0x16];
	[sflag:s24] =	ssyncadd.s32 $0xFFFFD000  }
0x6a: {  	[tilespmem:s25], [sflag:$0x5] =	stream.linear.gather [hbm4b:s19+s14], $0x3000, $0x38;
	[tilespmem:$0x1D000] =	vst v63  }
0x6b: {  	_ =	swait.ge [sflag:s24], $0x3000  }
0x6c: {  	[sflag:s24] =	ssyncset.done $0x0  }
0x6d: {  	[sflag:s24] =	ssyncadd.s32 $0xFFFFD000  }
0x6e: {  	[spmem:s20] =	stream.linear.scatter [tilespmem:s25], [sflag:$0x5], $0x3000, $0x38;
	[tilespmem:$0x1D000] =	vst v63  }
0x6f: {  	_ =	swait.ge [sflag:s24], $0x3000  }
0x70: {  	[sflag:s24] =	ssyncset.done $0x0  }
0x71: {  	s21 =	rddreg [dreg:$0x17];
	[sflag:s24] =	ssyncadd.s32 $0xFFFFD000  }
0x72: {  	[tilespmem:s25], [sflag:$0x5] =	stream.linear.gather [hbm4b:s21+s14], $0x3000, $0x38;
	[tilespmem:$0x1D000] =	vst v63  }
0x73: {  	_ =	swait.ge [sflag:s24], $0x3000  }
0x74: {  	[sflag:s24] =	ssyncset.done $0x0  }
0x75: {  	[sflag:s24] =	ssyncadd.s32 $0xFFFFD000  }
0x76: {  	[spmem:s22] =	stream.linear.scatter [tilespmem:s25], [sflag:$0x5], $0x3000, $0x38;
	[tilespmem:$0x1D000] =	vst v63  }
0x77: {  	_ =	swait.ge [sflag:s24], $0x3000  }
0x78: {  	[sflag:s24] =	ssyncset.done $0x0  }
0x79: {  	s26 =	rddreg [dreg:$0x18];
	[sflag:s24] =	ssyncadd.s32 $0xFFFFD000  }
0x7a: {  	[tilespmem:s25], [sflag:$0x5] =	stream.linear.gather [hbm4b:s26+s14], $0x3000, $0x38;
	[tilespmem:$0x1D000] =	vst v63  }
0x7b: {  	_ =	swait.ge [sflag:s24], $0x3000  }
0x7c: {  	[sflag:s24] =	ssyncset.done $0x0  }
0x7d: {  	[sflag:s24] =	ssyncadd.s32 $0xFFFFD000  }
0x7e: {  	[spmem:s30] =	stream.linear.scatter [tilespmem:s25], [sflag:$0x5], $0x3000, $0x38;
	[tilespmem:$0x1D000] =	vst v63  }
0x7f: {  	_ =	swait.ge [sflag:s24], $0x3000  }
0x80: {  	[sflag:s24] =	ssyncset.done $0x0  }
0x81: {  	[sflag:s24] =	ssyncadd.s32 $0xFFFFD000  }
0x82: {  	[bflag:$0x0] =	sbarrier.arrive $0xFFFF  }
0x83: {  	[tilespmem:s29], [sflag:$0x1] =	stream.indirect.gather [hbm4b:s5+s28], $0x30, s14, s28, $0xb8;
	[tilespmem:$0x1D000] =	vst v63  }
.LBB2_20:
0x84: {  	_ =	swait.ge [sflag:s31], $0x1800  }
0x85: {  	p1 =	seq.s32 s14, $0x0;
	[sflag:s31] =	ssyncset.done $0x0  }
0x86: {  	s15 =	simm.s32 @!p1 $0x4;
	[sflag:s31] =	ssyncadd.s32 $0xFFFFE800  }
0x87: {  	s17 =	sshll.u32 s14, $0xA;
	_ =	swait.ge @!p1 [sflag:s15], $0x3000  }
0x88: {  	s19 =	simm.s32 $0x80;
	s16 =	sor.u32 $0x200, s17;
	[sflag:s15] =	ssyncset.done @!p1 $0x0  }
0x89: {  	s21 =	simm.s32 $0x20;
	[sflag:s15] =	ssyncadd.s32 @!p1 $0xFFFFD000;
	s15 =	sshrl.u32 s16, $0x2  }
0x8a: {  	[tilespmem:s0], [sflag:$0x2] =	stream.indirect.gather [hbm4b:s5+s19], $0x30, s15, s19, $0xb8;
	[tilespmem:$0x1D000] =	vst v63  }
0x8b: {  	v0 =	vld [tilespmem:s21+$0x4FE0];
	_ =	sdelay $0x4  }
0x8c: {  	s19 =	simm.s32 $0x8030;
	v1 =	vshll.u32 v0, $0x10  }
0x8d: {  	v0 =	vand.u32 $0xFFFF0000, v0;
	[tilespmem:s19+$0xFFFFFFD0] =	vst v1  }
0x8e: {  	[tilespmem:s19+$0x0] =	vst v0  }
0x8f: {  	v0 =	vld [tilespmem:s21+$0x4FF0];
	_ =	sdelay $0x4  }
0x90: {  	v1 =	vshll.u32 v0, $0x10  }
0x91: {  	v0 =	vand.u32 $0xFFFF0000, v0;
	[tilespmem:s19+$0xFFFFFFE0] =	vst v1  }
0x92: {  	[tilespmem:s19+$0x10] =	vst v0  }
0x93: {  	s26 =	simm.s32 $0x140;
	v0 =	vld [tilespmem:s21+$0x5000];
	s21 =	simm.s32 $0x8030  }
.LBB2_21:
0x94: {  	_ =	sdelay $0x1  }
0x95: {  	p1 =	sne.s32 s26, $0x5FC0  }
0x96: {  	s19 =	sadd.s32 $0x60, s19;
	s16 =	smov.u32 s26;
	s26 =	sadd.s32 $0xC0, s26  }
0x97: {  	v1 =	vshll.u32 v0, $0x10;
	v0 =	vand.u32 $0xFFFF0000, v0  }
0x98: {  	[tilespmem:s21+$0xFFFFFFF0] =	vst v1  }
0x99: {  	s16 =	sshra.s32 s16, $0x2;
	[tilespmem:s21+$0x20] =	vst v0;
	s21 =	smov.u32 s19  }
0x9a: {  	v0 =	vld [tilespmem:s16+$0x4FE0];
	_ =	sdelay $0x4  }
0x9b: {  	v1 =	vshll.u32 v0, $0x10;
	v0 =	vand.u32 $0xFFFF0000, v0  }
0x9c: {  	[tilespmem:s19+$0xFFFFFFD0] =	vst v1  }
0x9d: {  	[tilespmem:s19+$0x0] =	vst v0  }
0x9e: {  	v0 =	vld [tilespmem:s16+$0x4FF0];
	_ =	sdelay $0x3  }
.Ltmp3:
0x9f: {  	(pc) =	sbr.rel @p1 .LBB2_21-.Ltmp3, $4  }
0xa0: {  	v1 =	vshll.u32 v0, $0x10;
	v0 =	vand.u32 $0xFFFF0000, v0  }
0xa1: {  	[tilespmem:s19+$0xFFFFFFE0] =	vst v1  }
0xa2: {  	[tilespmem:s19+$0x10] =	vst v0  }
0xa3: {  	v0 =	vld [tilespmem:s16+$0x5000]  }
0xa4: {  	_ =	sdelay $0x3  }
0xa5: {  	v1 =	vshll.u32 v0, $0x10  }
0xa6: {  	s16 =	sshrl.u32 s17, $0x2;
	v0 =	vand.u32 $0xFFFF0000, v0;
	[tilespmem:s21+$0xFFFFFFF0] =	vst v1  }
0xa7: {  	s16 =	sadd.s32 $0x2800, s16;
	[tilespmem:s21+$0x20] =	vst v0  }
0xa8: {  	[spmem:s2] =	stream.indirect.scatter.add.f32 [tilespmem:s25], [sflag:$0x3], $0x60, s16, s28, $0xb8;
	[tilespmem:$0x1D000] =	vst v63  }
0xa9: {  	_ =	swait.ge [sflag:s1], $0x1800  }
0xaa: {  	[sflag:s1] =	ssyncset.done $0x0  }
0xab: {  	[sflag:s1] =	ssyncadd.s32 $0xFFFFE800  }
0xac: {  	p1 =	seq.s32 s14, $0x27;
	s26 =	simm.s32 $0x0;
	_ =	swait.ge [sflag:s8], $0x3000  }
0xad: {  	s19 =	simm.s32 @!p1 $0x5000;
	s16 =	sshrl.u32 @!p1 s17, $0x2;
	[sflag:s8] =	ssyncset.done $0x0  }
0xae: {  	s17 =	simm.s32 @!p1 $0x80;
	s16 =	sadd.s32 @!p1 $0x100, s16;
	[sflag:s8] =	ssyncadd.s32 $0xFFFFD000  }
0xaf: {  	[tilespmem:s19], [sflag:$0x1] =	stream.indirect.gather @!p1 [hbm4b:s5+s17], $0x30, s16, s17, $0xb8;
	[tilespmem:$0x1D000] =	vst v63  }
0xb0: {  	v0 =	vld [tilespmem:s26+$0x6800];
	_ =	sdelay $0x4  }
0xb1: {  	s17 =	simm.s32 $0xB050;
	v1 =	vshll.u32 v0, $0x10  }
0xb2: {  	v0 =	vand.u32 $0xFFFF0000, v0;
	[tilespmem:s17+$0xFFFFFFB0] =	vst v1  }
0xb3: {  	[tilespmem:s17+$0xFFFFFFE0] =	vst v0  }
0xb4: {  	v0 =	vld [tilespmem:s26+$0x6810];
	_ =	sdelay $0x4  }
0xb5: {  	v1 =	vshll.u32 v0, $0x10  }
0xb6: {  	v0 =	vand.u32 $0xFFFF0000, v0;
	[tilespmem:s17+$0xFFFFFFC0] =	vst v1  }
0xb7: {  	[tilespmem:s17+$0xFFFFFFF0] =	vst v0  }
0xb8: {  	s21 =	simm.s32 $0xC0;
	s19 =	simm.s32 $0xB050;
	v0 =	vld [tilespmem:s26+$0x6820]  }
.LBB2_23:
0xb9: {  	_ =	sdelay $0x1  }
0xba: {  	p1 =	sne.s32 s21, $0x5F40  }
0xbb: {  	s17 =	sadd.s32 $0x60, s17;
	s16 =	smov.u32 s21;
	s21 =	sadd.s32 $0xC0, s21  }
0xbc: {  	v1 =	vshll.u32 v0, $0x10;
	v0 =	vand.u32 $0xFFFF0000, v0  }
0xbd: {  	[tilespmem:s19+$0xFFFFFFD0] =	vst v1  }
0xbe: {  	s16 =	sshra.s32 s16, $0x2;
	[tilespmem:s19+$0x0] =	vst v0;
	s19 =	smov.u32 s17  }
0xbf: {  	v0 =	vld [tilespmem:s16+$0x6800];
	_ =	sdelay $0x4  }
0xc0: {  	v1 =	vshll.u32 v0, $0x10;
	v0 =	vand.u32 $0xFFFF0000, v0  }
0xc1: {  	[tilespmem:s17+$0xFFFFFFB0] =	vst v1  }
0xc2: {  	[tilespmem:s17+$0xFFFFFFE0] =	vst v0  }
0xc3: {  	v0 =	vld [tilespmem:s16+$0x6810];
	_ =	sdelay $0x3  }
.Ltmp4:
0xc4: {  	(pc) =	sbr.rel @p1 .LBB2_23-.Ltmp4, $4  }
0xc5: {  	v1 =	vshll.u32 v0, $0x10;
	v0 =	vand.u32 $0xFFFF0000, v0  }
0xc6: {  	[tilespmem:s17+$0xFFFFFFC0] =	vst v1  }
0xc7: {  	[tilespmem:s17+$0xFFFFFFF0] =	vst v0  }
0xc8: {  	v0 =	vld [tilespmem:s16+$0x6820]  }
0xc9: {  	_ = 	snop  }
0xca: {  	s14 =	sadd.s32 $0x1, s14  }
0xcb: {  	p1 =	sne.s32 s14, $0x28  }
.Ltmp5:
0xcc: {  	_ = 	snop;
	(pc) =	sbr.rel @p1 .LBB2_20-.Ltmp5, $4  }
0xcd: {  	v1 =	vshll.u32 v0, $0x10  }
0xce: {  	v63 =	vand.u32 $0xFFFF0000, v0;
	[tilespmem:s19+$0xFFFFFFD0] =	vst v1  }
0xcf: {  	s15 =	sadd.s32 $0x2800, s15;
	[tilespmem:s19+$0x0] =	vst v63  }
0xd0: {  	[spmem:s2] =	stream.indirect.scatter.add.f32 [tilespmem:s9], [sflag:$0x4], $0x60, s15, s28, $0xb8;
	[tilespmem:$0x1D000] =	vst v63  }
0xd1: {  	_ =	swait.ge [sflag:s12], $0x3000  }
0xd2: {  	[sflag:s12] =	ssyncset.done $0x0  }
0xd3: {  	[sflag:s12] =	ssyncadd.s32 $0xFFFFD000  }
0xd4: {  	s14 =	simm.s32 $0x0;
	s15 =	simm.s32 $0x0;
	[bflag:$0x0] =	sbarrier.arrive $0xFFFF  }
.LBB2_26:
0xd5: {  	s16 =	sshll.u32 s15, $0x7  }
0xd6: {  	s17 =	sadd.s32 s23, s16  }
0xd7: {  	s16 =	smul.u32 $0x60, s17;
	_ =	sdelay $0x1  }
0xd8: {  	s19 =	sadd.s32 s16, s2  }
0xd9: {  	[tilespmem:s25], [sflag:$0x5] =	stream.linear.gather [spmem:s19], $0x3000, $0x38;
	[tilespmem:$0x1D000] =	vst v63  }
0xda: {  	_ =	swait.ge [sflag:s24], $0x3000  }
0xdb: {  	s16 =	sshrl.u32 s16, $0x3;
	[sflag:s24] =	ssyncset.done $0x0  }
0xdc: {  	s16 =	sadd.s32 s7, s16;
	[sflag:s24] =	ssyncadd.s32 $0xFFFFD000  }
0xdd: {  	[hbm4b:s16+s14] =	stream.linear.scatter [tilespmem:s25], [sflag:$0x5], $0x3000, $0x38;
	[tilespmem:$0x1D000] =	vst v63  }
0xde: {  	_ =	swait.ge [sflag:s24], $0x3000  }
0xdf: {  	[sflag:s24] =	ssyncset.done $0x0  }
0xe0: {  	s19 =	simm.s32 $0x8030;
	[sflag:s24] =	ssyncadd.s32 $0xFFFFD000  }
0xe1: {  	v0 =	vld [tilespmem:s19+$0xFFFFFFD0]  }
0xe2: {  	v1 =	vld [tilespmem:s19+$0x0];
	_ =	sdelay $0x4  }
0xe3: {  	v2 =	vshrl.u32 v0, $0x10;
	v3 =	vshrl.u32 v1, $0x10  }
0xe4: {  	v2 =	vand.u32 $0x1, v2;
	v3 =	vand.u32 $0x1, v3  }
0xe5: {  	v0 =	vadd.s32 v2, v0;
	v1 =	vadd.s32 v3, v1  }
0xe6: {  	v0 =	vadd.s32 $0x7FFF, v0;
	v1 =	vadd.s32 $0x7FFF, v1  }
0xe7: {  	v1 =	vand.u32 $0xFFFF0000, v1;
	v0 =	vshrl.u32 v0, $0x10  }
0xe8: {  	s21 =	simm.s32 $0x0;
	v0 =	vor.u32 v0, v1  }
0xe9: {  	[tilespmem:s21+$0x5000] =	vst v0  }
0xea: {  	v0 =	vld [tilespmem:s19+$0xFFFFFFE0]  }
0xeb: {  	v1 =	vld [tilespmem:s19+$0x10];
	_ =	sdelay $0x4  }
0xec: {  	v2 =	vshrl.u32 v0, $0x10;
	v3 =	vshrl.u32 v1, $0x10  }
0xed: {  	v2 =	vand.u32 $0x1, v2;
	v3 =	vand.u32 $0x1, v3  }
0xee: {  	v0 =	vadd.s32 v2, v0;
	v1 =	vadd.s32 v3, v1  }
0xef: {  	v0 =	vadd.s32 $0x7FFF, v0;
	v1 =	vadd.s32 $0x7FFF, v1  }
0xf0: {  	v0 =	vshrl.u32 v0, $0x10;
	v1 =	vand.u32 $0xFFFF0000, v1  }
0xf1: {  	v0 =	vor.u32 v0, v1  }
0xf2: {  	[tilespmem:s21+$0x5010] =	vst v0  }
0xf3: {  	v0 =	vld [tilespmem:s19+$0xFFFFFFF0]  }
0xf4: {  	v1 =	vld [tilespmem:s19+$0x20];
	_ =	sdelay $0x3  }
0xf5: {  	v2 =	vshrl.u32 v0, $0x10  }
0xf6: {  	v3 =	vshrl.u32 v1, $0x10;
	v2 =	vand.u32 $0x1, v2  }
0xf7: {  	v0 =	vadd.s32 v2, v0;
	v2 =	vand.u32 $0x1, v3  }
0xf8: {  	v0 =	vadd.s32 $0x7FFF, v0;
	v1 =	vadd.s32 v2, v1  }
0xf9: {  	s26 =	simm.s32 $0xC0;
	v1 =	vadd.s32 $0x7FFF, v1;
	v0 =	vshrl.u32 v0, $0x10  }
.LBB2_27:
0xfa: {  	p1 =	sne.s32 s26, $0x5F40  }
0xfb: {  	v1 =	vand.u32 $0xFFFF0000, v1;
	s19 =	sadd.s32 $0x60, s19;
	s16 =	smov.u32 s26;
	s26 =	sadd.s32 $0xC0, s26  }
0xfc: {  	v0 =	vor.u32 v0, v1  }
0xfd: {  	[tilespmem:s21+$0x5020] =	vst v0  }
0xfe: {  	v0 =	vld [tilespmem:s19+$0xFFFFFFD0]  }
0xff: {  	v1 =	vld [tilespmem:s19+$0x0];
	_ =	sdelay $0x3  }
0x100: {  	v2 =	vshrl.u32 v0, $0x10  }
0x101: {  	v2 =	vand.u32 $0x1, v2;
	v3 =	vshrl.u32 v1, $0x10  }
0x102: {  	v0 =	vadd.s32 v2, v0;
	v2 =	vand.u32 $0x1, v3  }
0x103: {  	v0 =	vadd.s32 $0x7FFF, v0;
	v1 =	vadd.s32 v2, v1  }
0x104: {  	v1 =	vadd.s32 $0x7FFF, v1  }
0x105: {  	v0 =	vshrl.u32 v0, $0x10;
	v1 =	vand.u32 $0xFFFF0000, v1  }
0x106: {  	s21 =	sshra.s32 s16, $0x2;
	v0 =	vor.u32 v0, v1  }
0x107: {  	[tilespmem:s21+$0x5000] =	vst v0  }
0x108: {  	v0 =	vld [tilespmem:s19+$0xFFFFFFE0]  }
0x109: {  	v1 =	vld [tilespmem:s19+$0x10];
	_ =	sdelay $0x3  }
0x10a: {  	v2 =	vshrl.u32 v0, $0x10  }
0x10b: {  	v2 =	vand.u32 $0x1, v2;
	v3 =	vshrl.u32 v1, $0x10  }
0x10c: {  	v0 =	vadd.s32 v2, v0;
	v2 =	vand.u32 $0x1, v3  }
0x10d: {  	v0 =	vadd.s32 $0x7FFF, v0;
	v1 =	vadd.s32 v2, v1  }
0x10e: {  	v1 =	vadd.s32 $0x7FFF, v1;
	v0 =	vshrl.u32 v0, $0x10  }
0x10f: {  	v1 =	vand.u32 $0xFFFF0000, v1  }
0x110: {  	v0 =	vor.u32 v0, v1  }
0x111: {  	[tilespmem:s21+$0x5010] =	vst v0  }
0x112: {  	v0 =	vld [tilespmem:s19+$0xFFFFFFF0]  }
0x113: {  	v1 =	vld [tilespmem:s19+$0x20];
	_ =	sdelay $0x3  }
.Ltmp6:
0x114: {  	v2 =	vshrl.u32 v0, $0x10;
	(pc) =	sbr.rel @p1 .LBB2_27-.Ltmp6, $4  }
0x115: {  	v2 =	vand.u32 $0x1, v2;
	v3 =	vshrl.u32 v1, $0x10  }
0x116: {  	v0 =	vadd.s32 v2, v0;
	v2 =	vand.u32 $0x1, v3  }
0x117: {  	v0 =	vadd.s32 $0x7FFF, v0;
	v1 =	vadd.s32 v2, v1  }
0x118: {  	v1 =	vadd.s32 $0x7FFF, v1;
	v0 =	vshrl.u32 v0, $0x10  }
0x119: {  	v1 =	vand.u32 $0xFFFF0000, v1;
	s16 =	smul.u32 $0x6, s17;
	s15 =	sadd.s32 $0x1, s15  }
0x11a: {  	v0 =	vor.u32 v0, v1;
	p1 =	sne.s32 s15, $0x5  }
.Ltmp7:
0x11b: {  	[tilespmem:s21+$0x5020] =	vst v0;
	s16 =	sadd.s32 s11, s16;
	(pc) =	sbr.rel @p1 .LBB2_26-.Ltmp7, $4  }
0x11c: {  	[hbm4b:s16+s3] =	stream.linear.scatter [tilespmem:s29], [sflag:$0x5], $0x1800, $0x38;
	[tilespmem:$0x1D000] =	vst v63  }
0x11d: {  	_ =	swait.ge [sflag:s24], $0x1800  }
0x11e: {  	[sflag:s24] =	ssyncset.done $0x0  }
0x11f: {  	[sflag:s24] =	ssyncadd.s32 $0xFFFFE800  }
0x120: {  	[bflag:$0x0] =	sbarrier.arrive $0xFFFF;
	s14 =	simm.s32 $0x0  }
0x121: {  	[tilespmem:s29], [sflag:$0x1] =	stream.indirect.gather [hbm4b:s11+s28], $0x30, s14, s28, $0xb8;
	[tilespmem:$0x1D000] =	vst v63  }
.LBB2_30:
0x122: {  	_ =	swait.ge [sflag:s31], $0x1800  }
0x123: {  	p1 =	seq.s32 s14, $0x0;
	[sflag:s31] =	ssyncset.done $0x0  }
0x124: {  	s15 =	simm.s32 @!p1 $0x4;
	[sflag:s31] =	ssyncadd.s32 $0xFFFFE800  }
0x125: {  	s17 =	sshll.u32 s14, $0xA;
	_ =	swait.ge @!p1 [sflag:s15], $0x3000  }
0x126: {  	s19 =	simm.s32 $0x80;
	s16 =	sor.u32 $0x200, s17;
	[sflag:s15] =	ssyncset.done @!p1 $0x0  }
0x127: {  	s21 =	simm.s32 $0x20;
	[sflag:s15] =	ssyncadd.s32 @!p1 $0xFFFFD000;
	s15 =	sshrl.u32 s16, $0x2  }
0x128: {  	[tilespmem:s0], [sflag:$0x2] =	stream.indirect.gather [hbm4b:s11+s19], $0x30, s15, s19, $0xb8;
	[tilespmem:$0x1D000] =	vst v63  }
0x129: {  	v0 =	vld [tilespmem:s21+$0x4FE0];
	_ =	sdelay $0x4  }
0x12a: {  	s19 =	simm.s32 $0x8030;
	v1 =	vshll.u32 v0, $0x10  }
0x12b: {  	v0 =	vand.u32 $0xFFFF0000, v0;
	[tilespmem:s19+$0xFFFFFFD0] =	vst v1  }
0x12c: {  	[tilespmem:s19+$0x0] =	vst v0  }
0x12d: {  	v0 =	vld [tilespmem:s21+$0x4FF0];
	_ =	sdelay $0x4  }
0x12e: {  	v1 =	vshll.u32 v0, $0x10  }
0x12f: {  	v0 =	vand.u32 $0xFFFF0000, v0;
	[tilespmem:s19+$0xFFFFFFE0] =	vst v1  }
0x130: {  	[tilespmem:s19+$0x10] =	vst v0  }
0x131: {  	s26 =	simm.s32 $0x140;
	v0 =	vld [tilespmem:s21+$0x5000];
	s21 =	simm.s32 $0x8030  }
.LBB2_31:
0x132: {  	_ =	sdelay $0x1  }
0x133: {  	p1 =	sne.s32 s26, $0x5FC0  }
0x134: {  	s19 =	sadd.s32 $0x60, s19;
	s16 =	smov.u32 s26;
	s26 =	sadd.s32 $0xC0, s26  }
0x135: {  	v1 =	vshll.u32 v0, $0x10;
	v0 =	vand.u32 $0xFFFF0000, v0  }
0x136: {  	[tilespmem:s21+$0xFFFFFFF0] =	vst v1  }
0x137: {  	s16 =	sshra.s32 s16, $0x2;
	[tilespmem:s21+$0x20] =	vst v0;
	s21 =	smov.u32 s19  }
0x138: {  	v0 =	vld [tilespmem:s16+$0x4FE0];
	_ =	sdelay $0x4  }
0x139: {  	v1 =	vshll.u32 v0, $0x10;
	v0 =	vand.u32 $0xFFFF0000, v0  }
0x13a: {  	[tilespmem:s19+$0xFFFFFFD0] =	vst v1  }
0x13b: {  	[tilespmem:s19+$0x0] =	vst v0  }
0x13c: {  	v0 =	vld [tilespmem:s16+$0x4FF0];
	_ =	sdelay $0x3  }
.Ltmp8:
0x13d: {  	(pc) =	sbr.rel @p1 .LBB2_31-.Ltmp8, $4  }
0x13e: {  	v1 =	vshll.u32 v0, $0x10;
	v0 =	vand.u32 $0xFFFF0000, v0  }
0x13f: {  	[tilespmem:s19+$0xFFFFFFE0] =	vst v1  }
0x140: {  	[tilespmem:s19+$0x10] =	vst v0  }
0x141: {  	v0 =	vld [tilespmem:s16+$0x5000]  }
0x142: {  	_ =	sdelay $0x3  }
0x143: {  	v1 =	vshll.u32 v0, $0x10  }
0x144: {  	s16 =	sshrl.u32 s17, $0x2;
	v0 =	vand.u32 $0xFFFF0000, v0;
	[tilespmem:s21+$0xFFFFFFF0] =	vst v1  }
0x145: {  	s16 =	sadd.s32 $0x2800, s16;
	[tilespmem:s21+$0x20] =	vst v0  }
0x146: {  	[spmem:s2] =	stream.indirect.scatter.add.f32 [tilespmem:s25], [sflag:$0x3], $0x60, s16, s28, $0xb8;
	[tilespmem:$0x1D000] =	vst v63  }
0x147: {  	_ =	swait.ge [sflag:s1], $0x1800  }
0x148: {  	[sflag:s1] =	ssyncset.done $0x0  }
0x149: {  	[sflag:s1] =	ssyncadd.s32 $0xFFFFE800  }
0x14a: {  	p1 =	seq.s32 s14, $0x27;
	s26 =	simm.s32 $0x0;
	_ =	swait.ge [sflag:s8], $0x3000  }
0x14b: {  	s19 =	simm.s32 @!p1 $0x5000;
	s16 =	sshrl.u32 @!p1 s17, $0x2;
	[sflag:s8] =	ssyncset.done $0x0  }
0x14c: {  	s17 =	simm.s32 @!p1 $0x80;
	s16 =	sadd.s32 @!p1 $0x100, s16;
	[sflag:s8] =	ssyncadd.s32 $0xFFFFD000  }
0x14d: {  	[tilespmem:s19], [sflag:$0x1] =	stream.indirect.gather @!p1 [hbm4b:s11+s17], $0x30, s16, s17, $0xb8;
	[tilespmem:$0x1D000] =	vst v63  }
0x14e: {  	v0 =	vld [tilespmem:s26+$0x6800];
	_ =	sdelay $0x4  }
0x14f: {  	s17 =	simm.s32 $0xB050;
	v1 =	vshll.u32 v0, $0x10  }
0x150: {  	v0 =	vand.u32 $0xFFFF0000, v0;
	[tilespmem:s17+$0xFFFFFFB0] =	vst v1  }
0x151: {  	[tilespmem:s17+$0xFFFFFFE0] =	vst v0  }
0x152: {  	v0 =	vld [tilespmem:s26+$0x6810];
	_ =	sdelay $0x4  }
0x153: {  	v1 =	vshll.u32 v0, $0x10  }
0x154: {  	v0 =	vand.u32 $0xFFFF0000, v0;
	[tilespmem:s17+$0xFFFFFFC0] =	vst v1  }
0x155: {  	[tilespmem:s17+$0xFFFFFFF0] =	vst v0  }
0x156: {  	s21 =	simm.s32 $0xC0;
	s19 =	simm.s32 $0xB050;
	v0 =	vld [tilespmem:s26+$0x6820]  }
.LBB2_33:
0x157: {  	_ =	sdelay $0x1  }
0x158: {  	p1 =	sne.s32 s21, $0x5F40  }
0x159: {  	s17 =	sadd.s32 $0x60, s17;
	s16 =	smov.u32 s21;
	s21 =	sadd.s32 $0xC0, s21  }
0x15a: {  	v1 =	vshll.u32 v0, $0x10;
	v0 =	vand.u32 $0xFFFF0000, v0  }
0x15b: {  	[tilespmem:s19+$0xFFFFFFD0] =	vst v1  }
0x15c: {  	s16 =	sshra.s32 s16, $0x2;
	[tilespmem:s19+$0x0] =	vst v0;
	s19 =	smov.u32 s17  }
0x15d: {  	v0 =	vld [tilespmem:s16+$0x6800];
	_ =	sdelay $0x4  }
0x15e: {  	v1 =	vshll.u32 v0, $0x10;
	v0 =	vand.u32 $0xFFFF0000, v0  }
0x15f: {  	[tilespmem:s17+$0xFFFFFFB0] =	vst v1  }
0x160: {  	[tilespmem:s17+$0xFFFFFFE0] =	vst v0  }
0x161: {  	v0 =	vld [tilespmem:s16+$0x6810];
	_ =	sdelay $0x3  }
.Ltmp9:
0x162: {  	(pc) =	sbr.rel @p1 .LBB2_33-.Ltmp9, $4  }
0x163: {  	v1 =	vshll.u32 v0, $0x10;
	v0 =	vand.u32 $0xFFFF0000, v0  }
0x164: {  	[tilespmem:s17+$0xFFFFFFC0] =	vst v1  }
0x165: {  	[tilespmem:s17+$0xFFFFFFF0] =	vst v0  }
0x166: {  	v0 =	vld [tilespmem:s16+$0x6820]  }
0x167: {  	_ = 	snop  }
0x168: {  	s14 =	sadd.s32 $0x1, s14  }
0x169: {  	p1 =	sne.s32 s14, $0x28  }
.Ltmp10:
0x16a: {  	_ = 	snop;
	(pc) =	sbr.rel @p1 .LBB2_30-.Ltmp10, $4  }
0x16b: {  	v1 =	vshll.u32 v0, $0x10  }
0x16c: {  	v63 =	vand.u32 $0xFFFF0000, v0;
	[tilespmem:s19+$0xFFFFFFD0] =	vst v1  }
0x16d: {  	s15 =	sadd.s32 $0x2800, s15;
	[tilespmem:s19+$0x0] =	vst v63  }
0x16e: {  	[spmem:s2] =	stream.indirect.scatter.add.f32 [tilespmem:s9], [sflag:$0x4], $0x60, s15, s28, $0xb8;
	[tilespmem:$0x1D000] =	vst v63  }
.Ltmp11:
0x16f: {  	(pc) =	sbr.rel .LBB2_36-.Ltmp11, $3  }
0x170: {  	_ =	sdelay $0x1  }
0x171: {  	s14 =	rddreg [dreg:$0x5]  }
0x172: {  	s16 =	rddreg [dreg:$0xa]  }
.LBB2_2:
0x173: {  	s15 =	rddreg [dreg:$0xe]  }
0x174: {  	[tilespmem:s25], [sflag:$0x5] =	stream.linear.gather [hbm4b:s15+s14], $0x3000, $0x38;
	[tilespmem:$0x1D000] =	vst v63  }
0x175: {  	_ =	swait.ge [sflag:s24], $0x3000  }
0x176: {  	[sflag:s24] =	ssyncset.done $0x0  }
0x177: {  	[sflag:s24] =	ssyncadd.s32 $0xFFFFD000  }
0x178: {  	[spmem:s16] =	stream.linear.scatter [tilespmem:s25], [sflag:$0x5], $0x3000, $0x38;
	[tilespmem:$0x1D000] =	vst v63  }
0x179: {  	_ =	swait.ge [sflag:s24], $0x3000  }
0x17a: {  	[sflag:s24] =	ssyncset.done $0x0  }
0x17b: {  	s17 =	rddreg [dreg:$0xf];
	[sflag:s24] =	ssyncadd.s32 $0xFFFFD000  }
0x17c: {  	[tilespmem:s25], [sflag:$0x5] =	stream.linear.gather [hbm4b:s17+s14], $0x3000, $0x38;
	[tilespmem:$0x1D000] =	vst v63  }
0x17d: {  	_ =	swait.ge [sflag:s24], $0x3000  }
0x17e: {  	[sflag:s24] =	ssyncset.done $0x0  }
0x17f: {  	[sflag:s24] =	ssyncadd.s32 $0xFFFFD000  }
0x180: {  	[spmem:s18] =	stream.linear.scatter [tilespmem:s25], [sflag:$0x5], $0x3000, $0x38;
	[tilespmem:$0x1D000] =	vst v63  }
0x181: {  	_ =	swait.ge [sflag:s24], $0x3000  }
0x182: {  	[sflag:s24] =	ssyncset.done $0x0  }
0x183: {  	s19 =	rddreg [dreg:$0x10];
	[sflag:s24] =	ssyncadd.s32 $0xFFFFD000  }
0x184: {  	[tilespmem:s25], [sflag:$0x5] =	stream.linear.gather [hbm4b:s19+s14], $0x3000, $0x38;
	[tilespmem:$0x1D000] =	vst v63  }
0x185: {  	_ =	swait.ge [sflag:s24], $0x3000  }
0x186: {  	[sflag:s24] =	ssyncset.done $0x0  }
0x187: {  	[sflag:s24] =	ssyncadd.s32 $0xFFFFD000  }
0x188: {  	[spmem:s20] =	stream.linear.scatter [tilespmem:s25], [sflag:$0x5], $0x3000, $0x38;
	[tilespmem:$0x1D000] =	vst v63  }
0x189: {  	_ =	swait.ge [sflag:s24], $0x3000  }
0x18a: {  	[sflag:s24] =	ssyncset.done $0x0  }
0x18b: {  	s21 =	rddreg [dreg:$0x12];
	[sflag:s24] =	ssyncadd.s32 $0xFFFFD000  }
0x18c: {  	[tilespmem:s25], [sflag:$0x5] =	stream.linear.gather [hbm4b:s21+s14], $0x3000, $0x38;
	[tilespmem:$0x1D000] =	vst v63  }
0x18d: {  	_ =	swait.ge [sflag:s24], $0x3000  }
0x18e: {  	[sflag:s24] =	ssyncset.done $0x0  }
0x18f: {  	[sflag:s24] =	ssyncadd.s32 $0xFFFFD000  }
0x190: {  	[spmem:s22] =	stream.linear.scatter [tilespmem:s25], [sflag:$0x5], $0x3000, $0x38;
	[tilespmem:$0x1D000] =	vst v63  }
0x191: {  	_ =	swait.ge [sflag:s24], $0x3000  }
0x192: {  	[sflag:s24] =	ssyncset.done $0x0  }
0x193: {  	s26 =	rddreg [dreg:$0x13];
	[sflag:s24] =	ssyncadd.s32 $0xFFFFD000  }
0x194: {  	[tilespmem:s25], [sflag:$0x5] =	stream.linear.gather [hbm4b:s26+s14], $0x3000, $0x38;
	[tilespmem:$0x1D000] =	vst v63  }
0x195: {  	_ =	swait.ge [sflag:s24], $0x3000  }
0x196: {  	[sflag:s24] =	ssyncset.done $0x0  }
0x197: {  	[sflag:s24] =	ssyncadd.s32 $0xFFFFD000  }
0x198: {  	[spmem:s30] =	stream.linear.scatter [tilespmem:s25], [sflag:$0x5], $0x3000, $0x38;
	[tilespmem:$0x1D000] =	vst v63  }
0x199: {  	_ =	swait.ge [sflag:s24], $0x3000  }
0x19a: {  	[sflag:s24] =	ssyncset.done $0x0  }
0x19b: {  	[sflag:s24] =	ssyncadd.s32 $0xFFFFD000  }
0x19c: {  	[bflag:$0x0] =	sbarrier.arrive $0xFFFF  }
0x19d: {  	[tilespmem:s29], [sflag:$0x1] =	stream.indirect.gather [hbm4b:s4+s28], $0x30, s14, s28, $0xb8;
	[tilespmem:$0x1D000] =	vst v63  }
.LBB2_3:
0x19e: {  	_ =	swait.ge [sflag:s31], $0x1800  }
0x19f: {  	p1 =	seq.s32 s14, $0x0;
	[sflag:s31] =	ssyncset.done $0x0  }
0x1a0: {  	s15 =	simm.s32 @!p1 $0x4;
	[sflag:s31] =	ssyncadd.s32 $0xFFFFE800  }
0x1a1: {  	s17 =	sshll.u32 s14, $0xA;
	_ =	swait.ge @!p1 [sflag:s15], $0x3000  }
0x1a2: {  	s26 =	simm.s32 $0x80;
	s19 =	sor.u32 $0x200, s17;
	[sflag:s15] =	ssyncset.done @!p1 $0x0  }
0x1a3: {  	s21 =	simm.s32 $0x20;
	[sflag:s15] =	ssyncadd.s32 @!p1 $0xFFFFD000;
	s15 =	sshrl.u32 s19, $0x2  }
0x1a4: {  	[tilespmem:s0], [sflag:$0x2] =	stream.indirect.gather [hbm4b:s4+s26], $0x30, s15, s26, $0xb8;
	[tilespmem:$0x1D000] =	vst v63  }
0x1a5: {  	v0 =	vld [tilespmem:s21+$0x4FE0];
	_ =	sdelay $0x4  }
0x1a6: {  	s19 =	simm.s32 $0x8030;
	v1 =	vshll.u32 v0, $0x10  }
0x1a7: {  	v0 =	vand.u32 $0xFFFF0000, v0;
	[tilespmem:s19+$0xFFFFFFD0] =	vst v1  }
0x1a8: {  	[tilespmem:s19+$0x0] =	vst v0  }
0x1a9: {  	v0 =	vld [tilespmem:s21+$0x4FF0];
	_ =	sdelay $0x4  }
0x1aa: {  	v1 =	vshll.u32 v0, $0x10  }
0x1ab: {  	v0 =	vand.u32 $0xFFFF0000, v0;
	[tilespmem:s19+$0xFFFFFFE0] =	vst v1  }
0x1ac: {  	[tilespmem:s19+$0x10] =	vst v0  }
0x1ad: {  	s26 =	simm.s32 $0x140;
	v0 =	vld [tilespmem:s21+$0x5000];
	s21 =	simm.s32 $0x8030  }
.LBB2_4:
0x1ae: {  	_ =	sdelay $0x1  }
0x1af: {  	p1 =	sne.s32 s26, $0x5FC0  }
0x1b0: {  	s19 =	sadd.s32 $0x60, s19;
	s16 =	smov.u32 s26;
	s26 =	sadd.s32 $0xC0, s26  }
0x1b1: {  	v1 =	vshll.u32 v0, $0x10;
	v0 =	vand.u32 $0xFFFF0000, v0  }
0x1b2: {  	[tilespmem:s21+$0xFFFFFFF0] =	vst v1  }
0x1b3: {  	s16 =	sshra.s32 s16, $0x2;
	[tilespmem:s21+$0x20] =	vst v0;
	s21 =	smov.u32 s19  }
0x1b4: {  	v0 =	vld [tilespmem:s16+$0x4FE0];
	_ =	sdelay $0x4  }
0x1b5: {  	v1 =	vshll.u32 v0, $0x10;
	v0 =	vand.u32 $0xFFFF0000, v0  }
0x1b6: {  	[tilespmem:s19+$0xFFFFFFD0] =	vst v1  }
0x1b7: {  	[tilespmem:s19+$0x0] =	vst v0  }
0x1b8: {  	v0 =	vld [tilespmem:s16+$0x4FF0];
	_ =	sdelay $0x3  }
.Ltmp12:
0x1b9: {  	(pc) =	sbr.rel @p1 .LBB2_4-.Ltmp12, $4  }
0x1ba: {  	v1 =	vshll.u32 v0, $0x10;
	v0 =	vand.u32 $0xFFFF0000, v0  }
0x1bb: {  	[tilespmem:s19+$0xFFFFFFE0] =	vst v1  }
0x1bc: {  	[tilespmem:s19+$0x10] =	vst v0  }
0x1bd: {  	v0 =	vld [tilespmem:s16+$0x5000]  }
0x1be: {  	_ =	sdelay $0x3  }
0x1bf: {  	v1 =	vshll.u32 v0, $0x10  }
0x1c0: {  	s16 =	sshrl.u32 s17, $0x2;
	v0 =	vand.u32 $0xFFFF0000, v0;
	[tilespmem:s21+$0xFFFFFFF0] =	vst v1  }
0x1c1: {  	s16 =	sadd.s32 $0x2800, s16;
	[tilespmem:s21+$0x20] =	vst v0  }
0x1c2: {  	[spmem:s2] =	stream.indirect.scatter.add.f32 [tilespmem:s25], [sflag:$0x3], $0x60, s16, s28, $0xb8;
	[tilespmem:$0x1D000] =	vst v63  }
0x1c3: {  	_ =	swait.ge [sflag:s1], $0x1800  }
0x1c4: {  	[sflag:s1] =	ssyncset.done $0x0  }
0x1c5: {  	[sflag:s1] =	ssyncadd.s32 $0xFFFFE800  }
0x1c6: {  	p1 =	seq.s32 s14, $0x27;
	s26 =	simm.s32 $0x0;
	_ =	swait.ge [sflag:s8], $0x3000  }
0x1c7: {  	s19 =	simm.s32 @!p1 $0x5000;
	s16 =	sshrl.u32 @!p1 s17, $0x2;
	[sflag:s8] =	ssyncset.done $0x0  }
0x1c8: {  	s17 =	simm.s32 @!p1 $0x80;
	s16 =	sadd.s32 @!p1 $0x100, s16;
	[sflag:s8] =	ssyncadd.s32 $0xFFFFD000  }
0x1c9: {  	[tilespmem:s19], [sflag:$0x1] =	stream.indirect.gather @!p1 [hbm4b:s4+s17], $0x30, s16, s17, $0xb8;
	[tilespmem:$0x1D000] =	vst v63  }
0x1ca: {  	v0 =	vld [tilespmem:s26+$0x6800];
	_ =	sdelay $0x4  }
0x1cb: {  	s17 =	simm.s32 $0xB050;
	v1 =	vshll.u32 v0, $0x10  }
0x1cc: {  	v0 =	vand.u32 $0xFFFF0000, v0;
	[tilespmem:s17+$0xFFFFFFB0] =	vst v1  }
0x1cd: {  	[tilespmem:s17+$0xFFFFFFE0] =	vst v0  }
0x1ce: {  	v0 =	vld [tilespmem:s26+$0x6810];
	_ =	sdelay $0x4  }
0x1cf: {  	v1 =	vshll.u32 v0, $0x10  }
0x1d0: {  	v0 =	vand.u32 $0xFFFF0000, v0;
	[tilespmem:s17+$0xFFFFFFC0] =	vst v1  }
0x1d1: {  	[tilespmem:s17+$0xFFFFFFF0] =	vst v0  }
0x1d2: {  	s21 =	simm.s32 $0xC0;
	s19 =	simm.s32 $0xB050;
	v0 =	vld [tilespmem:s26+$0x6820]  }
.LBB2_6:
0x1d3: {  	_ =	sdelay $0x1  }
0x1d4: {  	p1 =	sne.s32 s21, $0x5F40  }
0x1d5: {  	s17 =	sadd.s32 $0x60, s17;
	s16 =	smov.u32 s21;
	s21 =	sadd.s32 $0xC0, s21  }
0x1d6: {  	v1 =	vshll.u32 v0, $0x10;
	v0 =	vand.u32 $0xFFFF0000, v0  }
0x1d7: {  	[tilespmem:s19+$0xFFFFFFD0] =	vst v1  }
0x1d8: {  	s16 =	sshra.s32 s16, $0x2;
	[tilespmem:s19+$0x0] =	vst v0;
	s19 =	smov.u32 s17  }
0x1d9: {  	v0 =	vld [tilespmem:s16+$0x6800];
	_ =	sdelay $0x4  }
0x1da: {  	v1 =	vshll.u32 v0, $0x10;
	v0 =	vand.u32 $0xFFFF0000, v0  }
0x1db: {  	[tilespmem:s17+$0xFFFFFFB0] =	vst v1  }
0x1dc: {  	[tilespmem:s17+$0xFFFFFFE0] =	vst v0  }
0x1dd: {  	v0 =	vld [tilespmem:s16+$0x6810];
	_ =	sdelay $0x3  }
.Ltmp13:
0x1de: {  	(pc) =	sbr.rel @p1 .LBB2_6-.Ltmp13, $4  }
0x1df: {  	v1 =	vshll.u32 v0, $0x10;
	v0 =	vand.u32 $0xFFFF0000, v0  }
0x1e0: {  	[tilespmem:s17+$0xFFFFFFC0] =	vst v1  }
0x1e1: {  	[tilespmem:s17+$0xFFFFFFF0] =	vst v0  }
0x1e2: {  	v0 =	vld [tilespmem:s16+$0x6820]  }
0x1e3: {  	_ = 	snop  }
0x1e4: {  	s14 =	sadd.s32 $0x1, s14  }
0x1e5: {  	p1 =	sne.s32 s14, $0x28  }
.Ltmp14:
0x1e6: {  	_ = 	snop;
	(pc) =	sbr.rel @p1 .LBB2_3-.Ltmp14, $4  }
0x1e7: {  	v1 =	vshll.u32 v0, $0x10  }
0x1e8: {  	v63 =	vand.u32 $0xFFFF0000, v0;
	[tilespmem:s19+$0xFFFFFFD0] =	vst v1  }
0x1e9: {  	s15 =	sadd.s32 $0x2800, s15;
	[tilespmem:s19+$0x0] =	vst v63  }
0x1ea: {  	[spmem:s2] =	stream.indirect.scatter.add.f32 [tilespmem:s9], [sflag:$0x4], $0x60, s15, s28, $0xb8;
	[tilespmem:$0x1D000] =	vst v63  }
0x1eb: {  	_ =	swait.ge [sflag:s12], $0x3000  }
0x1ec: {  	[sflag:s12] =	ssyncset.done $0x0  }
0x1ed: {  	[sflag:s12] =	ssyncadd.s32 $0xFFFFD000  }
0x1ee: {  	s14 =	simm.s32 $0x0;
	s15 =	simm.s32 $0x0;
	[bflag:$0x0] =	sbarrier.arrive $0xFFFF  }
.LBB2_9:
0x1ef: {  	s16 =	sshll.u32 s15, $0x7  }
0x1f0: {  	s17 =	sadd.s32 s23, s16  }
0x1f1: {  	s16 =	smul.u32 $0x60, s17;
	_ =	sdelay $0x1  }
0x1f2: {  	s19 =	sadd.s32 s16, s2  }
0x1f3: {  	[tilespmem:s25], [sflag:$0x5] =	stream.linear.gather [spmem:s19], $0x3000, $0x38;
	[tilespmem:$0x1D000] =	vst v63  }
0x1f4: {  	_ =	swait.ge [sflag:s24], $0x3000  }
0x1f5: {  	s16 =	sshrl.u32 s16, $0x3;
	[sflag:s24] =	ssyncset.done $0x0  }
0x1f6: {  	s16 =	sadd.s32 s6, s16;
	[sflag:s24] =	ssyncadd.s32 $0xFFFFD000  }
0x1f7: {  	[hbm4b:s16+s14] =	stream.linear.scatter [tilespmem:s25], [sflag:$0x5], $0x3000, $0x38;
	[tilespmem:$0x1D000] =	vst v63  }
0x1f8: {  	_ =	swait.ge [sflag:s24], $0x3000  }
0x1f9: {  	[sflag:s24] =	ssyncset.done $0x0  }
0x1fa: {  	s19 =	simm.s32 $0x8030;
	[sflag:s24] =	ssyncadd.s32 $0xFFFFD000  }
0x1fb: {  	v0 =	vld [tilespmem:s19+$0xFFFFFFD0]  }
0x1fc: {  	v1 =	vld [tilespmem:s19+$0x0];
	_ =	sdelay $0x4  }
0x1fd: {  	v2 =	vshrl.u32 v0, $0x10;
	v3 =	vshrl.u32 v1, $0x10  }
0x1fe: {  	v2 =	vand.u32 $0x1, v2;
	v3 =	vand.u32 $0x1, v3  }
0x1ff: {  	v0 =	vadd.s32 v2, v0;
	v1 =	vadd.s32 v3, v1  }
0x200: {  	v0 =	vadd.s32 $0x7FFF, v0;
	v1 =	vadd.s32 $0x7FFF, v1  }
0x201: {  	v1 =	vand.u32 $0xFFFF0000, v1;
	v0 =	vshrl.u32 v0, $0x10  }
0x202: {  	s21 =	simm.s32 $0x0;
	v0 =	vor.u32 v0, v1  }
0x203: {  	[tilespmem:s21+$0x5000] =	vst v0  }
0x204: {  	v0 =	vld [tilespmem:s19+$0xFFFFFFE0]  }
0x205: {  	v1 =	vld [tilespmem:s19+$0x10];
	_ =	sdelay $0x4  }
0x206: {  	v2 =	vshrl.u32 v0, $0x10;
	v3 =	vshrl.u32 v1, $0x10  }
0x207: {  	v2 =	vand.u32 $0x1, v2;
	v3 =	vand.u32 $0x1, v3  }
0x208: {  	v0 =	vadd.s32 v2, v0;
	v1 =	vadd.s32 v3, v1  }
0x209: {  	v0 =	vadd.s32 $0x7FFF, v0;
	v1 =	vadd.s32 $0x7FFF, v1  }
0x20a: {  	v0 =	vshrl.u32 v0, $0x10;
	v1 =	vand.u32 $0xFFFF0000, v1  }
0x20b: {  	v0 =	vor.u32 v0, v1  }
0x20c: {  	[tilespmem:s21+$0x5010] =	vst v0  }
0x20d: {  	v0 =	vld [tilespmem:s19+$0xFFFFFFF0]  }
0x20e: {  	v1 =	vld [tilespmem:s19+$0x20];
	_ =	sdelay $0x3  }
0x20f: {  	v2 =	vshrl.u32 v0, $0x10  }
0x210: {  	v3 =	vshrl.u32 v1, $0x10;
	v2 =	vand.u32 $0x1, v2  }
0x211: {  	v0 =	vadd.s32 v2, v0;
	v2 =	vand.u32 $0x1, v3  }
0x212: {  	v0 =	vadd.s32 $0x7FFF, v0;
	v1 =	vadd.s32 v2, v1  }
0x213: {  	s26 =	simm.s32 $0xC0;
	v1 =	vadd.s32 $0x7FFF, v1;
	v0 =	vshrl.u32 v0, $0x10  }
.LBB2_10:
0x214: {  	p1 =	sne.s32 s26, $0x5F40  }
0x215: {  	v1 =	vand.u32 $0xFFFF0000, v1;
	s19 =	sadd.s32 $0x60, s19;
	s16 =	smov.u32 s26;
	s26 =	sadd.s32 $0xC0, s26  }
0x216: {  	v0 =	vor.u32 v0, v1  }
0x217: {  	[tilespmem:s21+$0x5020] =	vst v0  }
0x218: {  	v0 =	vld [tilespmem:s19+$0xFFFFFFD0]  }
0x219: {  	v1 =	vld [tilespmem:s19+$0x0];
	_ =	sdelay $0x3  }
0x21a: {  	v2 =	vshrl.u32 v0, $0x10  }
0x21b: {  	v2 =	vand.u32 $0x1, v2;
	v3 =	vshrl.u32 v1, $0x10  }
0x21c: {  	v0 =	vadd.s32 v2, v0;
	v2 =	vand.u32 $0x1, v3  }
0x21d: {  	v0 =	vadd.s32 $0x7FFF, v0;
	v1 =	vadd.s32 v2, v1  }
0x21e: {  	v1 =	vadd.s32 $0x7FFF, v1  }
0x21f: {  	v0 =	vshrl.u32 v0, $0x10;
	v1 =	vand.u32 $0xFFFF0000, v1  }
0x220: {  	s21 =	sshra.s32 s16, $0x2;
	v0 =	vor.u32 v0, v1  }
0x221: {  	[tilespmem:s21+$0x5000] =	vst v0  }
0x222: {  	v0 =	vld [tilespmem:s19+$0xFFFFFFE0]  }
0x223: {  	v1 =	vld [tilespmem:s19+$0x10];
	_ =	sdelay $0x3  }
0x224: {  	v2 =	vshrl.u32 v0, $0x10  }
0x225: {  	v2 =	vand.u32 $0x1, v2;
	v3 =	vshrl.u32 v1, $0x10  }
0x226: {  	v0 =	vadd.s32 v2, v0;
	v2 =	vand.u32 $0x1, v3  }
0x227: {  	v0 =	vadd.s32 $0x7FFF, v0;
	v1 =	vadd.s32 v2, v1  }
0x228: {  	v1 =	vadd.s32 $0x7FFF, v1;
	v0 =	vshrl.u32 v0, $0x10  }
0x229: {  	v1 =	vand.u32 $0xFFFF0000, v1  }
0x22a: {  	v0 =	vor.u32 v0, v1  }
0x22b: {  	[tilespmem:s21+$0x5010] =	vst v0  }
0x22c: {  	v0 =	vld [tilespmem:s19+$0xFFFFFFF0]  }
0x22d: {  	v1 =	vld [tilespmem:s19+$0x20];
	_ =	sdelay $0x3  }
.Ltmp15:
0x22e: {  	v2 =	vshrl.u32 v0, $0x10;
	(pc) =	sbr.rel @p1 .LBB2_10-.Ltmp15, $4  }
0x22f: {  	v2 =	vand.u32 $0x1, v2;
	v3 =	vshrl.u32 v1, $0x10  }
0x230: {  	v0 =	vadd.s32 v2, v0;
	v2 =	vand.u32 $0x1, v3  }
0x231: {  	v0 =	vadd.s32 $0x7FFF, v0;
	v1 =	vadd.s32 v2, v1  }
0x232: {  	v1 =	vadd.s32 $0x7FFF, v1;
	v0 =	vshrl.u32 v0, $0x10  }
0x233: {  	v1 =	vand.u32 $0xFFFF0000, v1;
	s16 =	smul.u32 $0x6, s17;
	s15 =	sadd.s32 $0x1, s15  }
0x234: {  	v0 =	vor.u32 v0, v1;
	p1 =	sne.s32 s15, $0x5  }
.Ltmp16:
0x235: {  	[tilespmem:s21+$0x5020] =	vst v0;
	s16 =	sadd.s32 s10, s16;
	(pc) =	sbr.rel @p1 .LBB2_9-.Ltmp16, $4  }
0x236: {  	[hbm4b:s16+s3] =	stream.linear.scatter [tilespmem:s29], [sflag:$0x5], $0x1800, $0x38;
	[tilespmem:$0x1D000] =	vst v63  }
0x237: {  	_ =	swait.ge [sflag:s24], $0x1800  }
0x238: {  	[sflag:s24] =	ssyncset.done $0x0  }
0x239: {  	[sflag:s24] =	ssyncadd.s32 $0xFFFFE800  }
0x23a: {  	[bflag:$0x0] =	sbarrier.arrive $0xFFFF;
	s14 =	simm.s32 $0x0  }
0x23b: {  	[tilespmem:s29], [sflag:$0x1] =	stream.indirect.gather [hbm4b:s10+s28], $0x30, s14, s28, $0xb8;
	[tilespmem:$0x1D000] =	vst v63  }
.LBB2_13:
0x23c: {  	_ =	swait.ge [sflag:s31], $0x1800  }
0x23d: {  	p1 =	seq.s32 s14, $0x0;
	[sflag:s31] =	ssyncset.done $0x0  }
0x23e: {  	s15 =	simm.s32 @!p1 $0x4;
	[sflag:s31] =	ssyncadd.s32 $0xFFFFE800  }
0x23f: {  	s17 =	sshll.u32 s14, $0xA;
	_ =	swait.ge @!p1 [sflag:s15], $0x3000  }
0x240: {  	s19 =	simm.s32 $0x80;
	s16 =	sor.u32 $0x200, s17;
	[sflag:s15] =	ssyncset.done @!p1 $0x0  }
0x241: {  	s21 =	simm.s32 $0x20;
	[sflag:s15] =	ssyncadd.s32 @!p1 $0xFFFFD000;
	s15 =	sshrl.u32 s16, $0x2  }
0x242: {  	[tilespmem:s0], [sflag:$0x2] =	stream.indirect.gather [hbm4b:s10+s19], $0x30, s15, s19, $0xb8;
	[tilespmem:$0x1D000] =	vst v63  }
0x243: {  	v0 =	vld [tilespmem:s21+$0x4FE0];
	_ =	sdelay $0x4  }
0x244: {  	s19 =	simm.s32 $0x8030;
	v1 =	vshll.u32 v0, $0x10  }
0x245: {  	v0 =	vand.u32 $0xFFFF0000, v0;
	[tilespmem:s19+$0xFFFFFFD0] =	vst v1  }
0x246: {  	[tilespmem:s19+$0x0] =	vst v0  }
0x247: {  	v0 =	vld [tilespmem:s21+$0x4FF0];
	_ =	sdelay $0x4  }
0x248: {  	v1 =	vshll.u32 v0, $0x10  }
0x249: {  	v0 =	vand.u32 $0xFFFF0000, v0;
	[tilespmem:s19+$0xFFFFFFE0] =	vst v1  }
0x24a: {  	[tilespmem:s19+$0x10] =	vst v0  }
0x24b: {  	s26 =	simm.s32 $0x140;
	v0 =	vld [tilespmem:s21+$0x5000];
	s21 =	simm.s32 $0x8030  }
.LBB2_14:
0x24c: {  	_ =	sdelay $0x1  }
0x24d: {  	p1 =	sne.s32 s26, $0x5FC0  }
0x24e: {  	s19 =	sadd.s32 $0x60, s19;
	s16 =	smov.u32 s26;
	s26 =	sadd.s32 $0xC0, s26  }
0x24f: {  	v1 =	vshll.u32 v0, $0x10;
	v0 =	vand.u32 $0xFFFF0000, v0  }
0x250: {  	[tilespmem:s21+$0xFFFFFFF0] =	vst v1  }
0x251: {  	s16 =	sshra.s32 s16, $0x2;
	[tilespmem:s21+$0x20] =	vst v0;
	s21 =	smov.u32 s19  }
0x252: {  	v0 =	vld [tilespmem:s16+$0x4FE0];
	_ =	sdelay $0x4  }
0x253: {  	v1 =	vshll.u32 v0, $0x10;
	v0 =	vand.u32 $0xFFFF0000, v0  }
0x254: {  	[tilespmem:s19+$0xFFFFFFD0] =	vst v1  }
0x255: {  	[tilespmem:s19+$0x0] =	vst v0  }
0x256: {  	v0 =	vld [tilespmem:s16+$0x4FF0];
	_ =	sdelay $0x3  }
.Ltmp17:
0x257: {  	(pc) =	sbr.rel @p1 .LBB2_14-.Ltmp17, $4  }
0x258: {  	v1 =	vshll.u32 v0, $0x10;
	v0 =	vand.u32 $0xFFFF0000, v0  }
0x259: {  	[tilespmem:s19+$0xFFFFFFE0] =	vst v1  }
0x25a: {  	[tilespmem:s19+$0x10] =	vst v0  }
0x25b: {  	v0 =	vld [tilespmem:s16+$0x5000]  }
0x25c: {  	_ =	sdelay $0x3  }
0x25d: {  	v1 =	vshll.u32 v0, $0x10  }
0x25e: {  	s16 =	sshrl.u32 s17, $0x2;
	v0 =	vand.u32 $0xFFFF0000, v0;
	[tilespmem:s21+$0xFFFFFFF0] =	vst v1  }
0x25f: {  	s16 =	sadd.s32 $0x2800, s16;
	[tilespmem:s21+$0x20] =	vst v0  }
0x260: {  	[spmem:s2] =	stream.indirect.scatter.add.f32 [tilespmem:s25], [sflag:$0x3], $0x60, s16, s28, $0xb8;
	[tilespmem:$0x1D000] =	vst v63  }
0x261: {  	_ =	swait.ge [sflag:s1], $0x1800  }
0x262: {  	[sflag:s1] =	ssyncset.done $0x0  }
0x263: {  	[sflag:s1] =	ssyncadd.s32 $0xFFFFE800  }
0x264: {  	p1 =	seq.s32 s14, $0x27;
	s26 =	simm.s32 $0x0;
	_ =	swait.ge [sflag:s8], $0x3000  }
0x265: {  	s19 =	simm.s32 @!p1 $0x5000;
	s16 =	sshrl.u32 @!p1 s17, $0x2;
	[sflag:s8] =	ssyncset.done $0x0  }
0x266: {  	s17 =	simm.s32 @!p1 $0x80;
	s16 =	sadd.s32 @!p1 $0x100, s16;
	[sflag:s8] =	ssyncadd.s32 $0xFFFFD000  }
0x267: {  	[tilespmem:s19], [sflag:$0x1] =	stream.indirect.gather @!p1 [hbm4b:s10+s17], $0x30, s16, s17, $0xb8;
	[tilespmem:$0x1D000] =	vst v63  }
0x268: {  	v0 =	vld [tilespmem:s26+$0x6800];
	_ =	sdelay $0x4  }
0x269: {  	s17 =	simm.s32 $0xB050;
	v1 =	vshll.u32 v0, $0x10  }
0x26a: {  	v0 =	vand.u32 $0xFFFF0000, v0;
	[tilespmem:s17+$0xFFFFFFB0] =	vst v1  }
0x26b: {  	[tilespmem:s17+$0xFFFFFFE0] =	vst v0  }
0x26c: {  	v0 =	vld [tilespmem:s26+$0x6810];
	_ =	sdelay $0x4  }
0x26d: {  	v1 =	vshll.u32 v0, $0x10  }
0x26e: {  	v0 =	vand.u32 $0xFFFF0000, v0;
	[tilespmem:s17+$0xFFFFFFC0] =	vst v1  }
0x26f: {  	[tilespmem:s17+$0xFFFFFFF0] =	vst v0  }
0x270: {  	s21 =	simm.s32 $0xC0;
	s19 =	simm.s32 $0xB050;
	v0 =	vld [tilespmem:s26+$0x6820]  }
.LBB2_16:
0x271: {  	_ =	sdelay $0x1  }
0x272: {  	p1 =	sne.s32 s21, $0x5F40  }
0x273: {  	s17 =	sadd.s32 $0x60, s17;
	s16 =	smov.u32 s21;
	s21 =	sadd.s32 $0xC0, s21  }
0x274: {  	v1 =	vshll.u32 v0, $0x10;
	v0 =	vand.u32 $0xFFFF0000, v0  }
0x275: {  	[tilespmem:s19+$0xFFFFFFD0] =	vst v1  }
0x276: {  	s16 =	sshra.s32 s16, $0x2;
	[tilespmem:s19+$0x0] =	vst v0;
	s19 =	smov.u32 s17  }
0x277: {  	v0 =	vld [tilespmem:s16+$0x6800];
	_ =	sdelay $0x4  }
0x278: {  	v1 =	vshll.u32 v0, $0x10;
	v0 =	vand.u32 $0xFFFF0000, v0  }
0x279: {  	[tilespmem:s17+$0xFFFFFFB0] =	vst v1  }
0x27a: {  	[tilespmem:s17+$0xFFFFFFE0] =	vst v0  }
0x27b: {  	v0 =	vld [tilespmem:s16+$0x6810];
	_ =	sdelay $0x3  }
.Ltmp18:
0x27c: {  	(pc) =	sbr.rel @p1 .LBB2_16-.Ltmp18, $4  }
0x27d: {  	v1 =	vshll.u32 v0, $0x10;
	v0 =	vand.u32 $0xFFFF0000, v0  }
0x27e: {  	[tilespmem:s17+$0xFFFFFFC0] =	vst v1  }
0x27f: {  	[tilespmem:s17+$0xFFFFFFF0] =	vst v0  }
0x280: {  	v0 =	vld [tilespmem:s16+$0x6820]  }
0x281: {  	_ = 	snop  }
0x282: {  	s14 =	sadd.s32 $0x1, s14  }
0x283: {  	p1 =	seq.s32 s14, $0x28  }
.Ltmp19:
0x284: {  	_ = 	snop;
	(pc) =	sbr.rel @!p1 .LBB2_13-.Ltmp19, $4  }
0x285: {  	v1 =	vshll.u32 v0, $0x10  }
0x286: {  	v63 =	vand.u32 $0xFFFF0000, v0;
	[tilespmem:s19+$0xFFFFFFD0] =	vst v1  }
0x287: {  	s15 =	sadd.s32 $0x2800, s15;
	[tilespmem:s19+$0x0] =	vst v63  }
0x288: {  	[spmem:s2] =	stream.indirect.scatter.add.f32 [tilespmem:s9], [sflag:$0x4], $0x60, s15, s28, $0xb8;
	[tilespmem:$0x1D000] =	vst v63  }
.Ltmp20:
0x289: {  	(pc) =	sbr.rel .LBB2_36-.Ltmp20, $3  }
0x28a: {  	_ =	sdelay $0x1  }
0x28b: {  	s14 =	rddreg [dreg:$0x4]  }
0x28c: {  	s16 =	rddreg [dreg:$0xa]  }
.LBB2_37:
0x28d: {  	_ =	sfence.sel $0x180000  }
0x28e: {  	[bflag:$0x0] =	sbarrier.arrive $0xFFFF  }
0x28f: {  	_ =	strace $0x90000047  }
0x290: {  	s0 =	stileid.u32;
	[bflag:$0x2] =	sbarrier.arrive $0xFFFF  }
0x291: {  	p0 =	sne.s32 s0, $0x0;
	s0 =	rddreg [dreg:$0x3]  }
0x292: {  	s0 =	sadd.s32 @!p0 $0x100000, s0  }
0x293: {  	[sflag:s0] =	ssyncadd.tile.s32 @!p0 $0x1;
	_ =	shalt  }
.Lfunc_end2:
_tile_overlayer_lowered:
.L_overlay_start_2:
0x294: {  	(tag) =	ssettag $0x2  }
0x295: {  	s0 =	rddreg [dreg:$0x0];
	s2 =	stileid.u32  }
0x296: {  	s1 =	rddreg [dreg:$0x1];
	p0 =	sne.s32 s2, $0x0  }
0x297: {  	s3 =	rddreg [dreg:$0x2];
	[bflag:$0x3] =	sbarrier.arrive $0xFFFF;
	s2 =	simm.s32 @!p0 $0x1C05  }
0x298: {  	[timem:s3], [sflag:s2] =	dma.local @!p0 [hbm:s0], s1  }
0x299: {  	s0 =	simm.s32 @!p0 $0x5  }
0x29a: {  	_ =	swait.ge @!p0 [sflag:s0], s1  }
0x29b: {  	s1 =	ssub.s32 @!p0 $0x0, s1;
	[sflag:s0] =	ssyncset.done @!p0 $0x0  }
0x29c: {  	[sflag:s0] =	ssyncadd.s32 @!p0 s1  }
0x29d: {  	[bflag:$0x3] =	sbarrier.arrive $0xFFFF  }
0x29e: {  	_ =	shalt  }

</sc_bundles>
